<compile_context>
chip_gen: v7x
topology: tpu7x:2x2x1
jax: 0.10.2.dev20260603
libtpu: 0.0.44.dev20260713+nightly
codegen_flags: <defaults>
</compile_context>

<pallas_src>
import functools

import jax
import jax.numpy as jnp
from jax import lax
from jax.experimental import pallas as pl
from jax.experimental.pallas import tpu as pltpu
from jax.experimental.pallas import tpu_sc as plsc

N = 10000
E = 320000
D = 128

NC = 2
NS = 16
NW = NC * NS

ACC_R = 10240
SL = ACC_R // NS
AGG_R = 10112
ASL = AGG_R // NS

C = 128
CH = 81
EPT = C * CH
E_PAD = NW * EPT
ED = E // NW


@functools.cache
def _mesh():
    return plsc.VectorSubcoreMesh(
        core_axis_name="c", subcore_axis_name="s", num_cores=NC, num_subcores=NS
    )


_sc_params = pltpu.CompilerParams(needs_layout_passes=False)



def _deg_body(edge, parts, hist0, hist1, idx0, idx1, hist_sh, rbuf, obuf):
    c = lax.axis_index("c")
    s = lax.axis_index("s")
    g = c * NS + s
    zeros16 = jnp.zeros((16,), jnp.float32)
    ones16 = jnp.ones((16,), jnp.float32)
    hists = (hist0, hist1)
    idxs = (idx0, idx1)

    def zero_body(i, _):
        for u in range(4):
            hist0[pl.ds((i * 4 + u) * 16, 16)] = zeros16
            hist1[pl.ds((i * 4 + u) * 16, 16)] = zeros16
        return _

    lax.fori_loop(0, ACC_R // 64, zero_body, None)

    for k in range(2):
        pltpu.sync_copy(edge.at[pl.ds(k * E + g * ED, ED)], idxs[k])

        def hist_body(j, _, k=k):
            for u in range(5):
                iv = idxs[k][pl.ds((j * 5 + u) * 16, 16)]
                plsc.addupdate_scatter(hists[k], [iv], ones16)
            return _

        lax.fori_loop(0, ED // 80, hist_body, None)

    for k in range(2):
        pltpu.sync_copy(hists[k], hist_sh.at[pl.ds((s * 2 + k) * ACC_R, ACC_R)])
    plsc.subcore_barrier()

    for k in range(2):
        for t in range(NS):
            pltpu.sync_copy(
                hist_sh.at[pl.ds((t * 2 + k) * ACC_R + s * SL, SL)],
                rbuf.at[pl.ds(t * SL, SL)],
            )

        def red_body(j, _):
            acc = rbuf[pl.ds(j * 16, 16)]
            for t in range(1, NS):
                acc = acc + rbuf[pl.ds(t * SL + j * 16, 16)]
            obuf[pl.ds(j * 16, 16)] = acc
            return _

        lax.fori_loop(0, SL // 16, red_body, None)
        pltpu.sync_copy(obuf, parts.at[pl.ds((c * 2 + k) * ACC_R + s * SL, SL)])


def _deg_call(edge_flat):
    return pl.kernel(
        _deg_body,
        out_type=jax.ShapeDtypeStruct((NC * 2 * ACC_R,), jnp.float32),
        mesh=_mesh(),
        compiler_params=_sc_params,
        scratch_types=[
            pltpu.VMEM((ACC_R,), jnp.float32),
            pltpu.VMEM((ACC_R,), jnp.float32),
            pltpu.VMEM((ED,), jnp.int32),
            pltpu.VMEM((ED,), jnp.int32),
            pltpu.VMEM_SHARED((NS * 2 * ACC_R,), jnp.float32),
            pltpu.VMEM((NS * SL,), jnp.float32),
            pltpu.VMEM((SL,), jnp.float32),
        ],
    )(edge_flat)



_NB = 3


def _agg_body(table, sd, zeros, y, acc, *bufs):
    si = bufs[0:_NB]
    di = bufs[_NB:2 * _NB]
    rows = bufs[2 * _NB:3 * _NB]
    gs = bufs[3 * _NB:4 * _NB]
    ss = bufs[4 * _NB:5 * _NB]
    c = lax.axis_index("c")
    s = lax.axis_index("s")

    zdesc = pltpu.async_copy(
        zeros.at[pl.ds(s * ASL, ASL)], acc.at[pl.ds(s * ASL, ASL)], ss[0]
    )

    base = (c * NS + s) * EPT

    def load_idx(g, j):
        e0 = pl.multiple_of(base + g * C, 8)
        pltpu.sync_copy(sd.at[pl.ds(e0, C)], si[j])
        pltpu.sync_copy(sd.at[pl.ds(E_PAD + e0, C)], di[j])

    for j in range(_NB):
        load_idx(j, j)
        pltpu.async_copy(table.at[si[j]], rows[j], gs[j])

    zdesc.wait()
    plsc.subcore_barrier()

    def triad_body(q, _):
        descs = []
        for j in range(_NB):
            pltpu.make_async_copy(table.at[si[j]], rows[j], gs[j]).wait()
            descs.append(pltpu.async_copy(rows[j], acc.at[di[j]], ss[j], add=True))
        g0 = jnp.minimum((q + 1) * _NB, CH - _NB)
        for j in range(_NB):
            descs[j].wait()
            load_idx(g0 + j, j)
            pltpu.async_copy(table.at[si[j]], rows[j], gs[j])
        return _

    lax.fori_loop(0, CH // _NB, triad_body, None)

    for j in range(_NB):
        pltpu.make_async_copy(table.at[si[j]], rows[j], gs[j]).wait()

    plsc.subcore_barrier()
    pltpu.sync_copy(acc.at[pl.ds(s * ASL, ASL)], y.at[c, pl.ds(s * ASL, ASL)])


def _agg_call(table, sd, zeros):
    return pl.kernel(
        _agg_body,
        out_type=jax.ShapeDtypeStruct((NC, AGG_R, D), jnp.float32),
        mesh=_mesh(),
        compiler_params=_sc_params,
        scratch_types=[
            pltpu.VMEM_SHARED((AGG_R, D), jnp.float32),
            *[pltpu.VMEM((C,), jnp.int32) for _ in range(_NB)],
            *[pltpu.VMEM((C,), jnp.int32) for _ in range(_NB)],
            *[pltpu.VMEM((C, D), jnp.float32) for _ in range(_NB)],
            *[pltpu.SemaphoreType.DMA for _ in range(_NB)],
            *[pltpu.SemaphoreType.DMA for _ in range(_NB)],
        ],
    )(table, sd, zeros)



_ROWS_BLK = 2000


def _tc1_body(x_ref, no_ref, w_ref, o_ref):
    o_ref[...] = (x_ref[...] * no_ref[...]) @ w_ref[...]


def _tc2_body(y_ref, ni_ref, no_ref, b1_ref, w2_ref, o_ref):
    yb = y_ref[0] + y_ref[1]
    h = jnp.maximum(yb * ni_ref[...] + b1_ref[...], 0.0)
    o_ref[...] = (h * no_ref[...]) @ w2_ref[...]


def _tc3_body(y_ref, ni_ref, b2_ref, o_ref):
    yb = y_ref[0] + y_ref[1]
    o_ref[...] = yb * ni_ref[...] + b2_ref[...]


def _tc1(x, no2, W1):
    return pl.pallas_call(
        _tc1_body,
        out_shape=jax.ShapeDtypeStruct((N, D), jnp.float32),
        grid=(N // _ROWS_BLK,),
        in_specs=[
            pl.BlockSpec((_ROWS_BLK, D), lambda i: (i, 0)),
            pl.BlockSpec((_ROWS_BLK, 1), lambda i: (i, 0)),
            pl.BlockSpec((D, D), lambda i: (0, 0)),
        ],
        out_specs=pl.BlockSpec((_ROWS_BLK, D), lambda i: (i, 0)),
    )(x, no2, W1)


def _tc2(y1, ni2, no2, b1, W2):
    return pl.pallas_call(
        _tc2_body,
        out_shape=jax.ShapeDtypeStruct((N, D), jnp.float32),
        grid=(N // _ROWS_BLK,),
        in_specs=[
            pl.BlockSpec((NC, _ROWS_BLK, D), lambda i: (0, i, 0)),
            pl.BlockSpec((_ROWS_BLK, 1), lambda i: (i, 0)),
            pl.BlockSpec((_ROWS_BLK, 1), lambda i: (i, 0)),
            pl.BlockSpec((1, D), lambda i: (0, 0)),
            pl.BlockSpec((D, D), lambda i: (0, 0)),
        ],
        out_specs=pl.BlockSpec((_ROWS_BLK, D), lambda i: (i, 0)),
    )(y1, ni2, no2, b1, W2)


def _tc3(y2, ni2, b2):
    return pl.pallas_call(
        _tc3_body,
        out_shape=jax.ShapeDtypeStruct((N, D), jnp.float32),
        grid=(N // _ROWS_BLK,),
        in_specs=[
            pl.BlockSpec((NC, _ROWS_BLK, D), lambda i: (0, i, 0)),
            pl.BlockSpec((_ROWS_BLK, 1), lambda i: (i, 0)),
            pl.BlockSpec((1, D), lambda i: (0, 0)),
        ],
        out_specs=pl.BlockSpec((_ROWS_BLK, D), lambda i: (i, 0)),
    )(y2, ni2, b2)



@jax.jit
def kernel(x, edge_index, W1, b1, W2, b2):
    src = edge_index[0]
    dst = edge_index[1]

    parts = _deg_call(edge_index.reshape(-1)).reshape(NC, 2, ACC_R)
    deg = parts[0] + parts[1]
    norm_out2 = lax.rsqrt(jnp.clip(deg[0, :N], 1.0, None))[:, None]
    norm_in2 = lax.rsqrt(jnp.clip(deg[1, :N], 1.0, None))[:, None]

    pad = jnp.arange(E_PAD - E, dtype=jnp.int32) % 16
    sd = jnp.concatenate([src, pad, dst, N + pad])
    zeros = jnp.zeros((AGG_R, D), jnp.float32)

    t1 = _tc1(x, norm_out2, W1)
    y1 = _agg_call(t1, sd, zeros)

    t2 = _tc2(y1, norm_in2, norm_out2, b1[None, :], W2)
    y2 = _agg_call(t2, sd, zeros)

    return _tc3(y2, norm_in2, b2[None, :])

# --- scband reference (transcript-rebuilt; emitter-appended) ---
"""Pipeline reference for scband-gcnmodel-77618648973950 (READ-ONLY COPY).

The authoritative reference and input builder live on the scoring server;
editing this copy changes nothing except your own understanding.
"""

import jax, jax.numpy as jnp
import numpy as np

N = 10000
E = 320000
D_IN = 128
D_HID = 128
D_OUT = 128


def setup_inputs(seed: int = 0) -> dict:
    key = jax.random.key(seed)
    k1, k2, k3, k4 = jax.random.split(key, 4)
    x = jax.random.normal(k1, (N, D_IN), dtype=jnp.float32)
    edge_index = jax.random.randint(k2, (2, E), 0, N, dtype=jnp.int32)
    # GraphConv layer 0: in_feats -> hidden_feats (relu)
    W1 = jax.random.normal(k3, (D_IN, D_HID), dtype=jnp.float32) * 0.05
    b1 = jnp.zeros((D_HID,), dtype=jnp.float32)
    # GraphConv layer 1 (last): hidden_feats -> out_feats (no activation)
    W2 = jax.random.normal(k4, (D_HID, D_OUT), dtype=jnp.float32) * 0.05
    b2 = jnp.zeros((D_OUT,), dtype=jnp.float32)
    return {"x": x, "edge_index": edge_index, "W1": W1, "b1": b1, "W2": W2, "b2": b2}


def _gcn_layer(h, src, dst, W, b, activation):
    # Faithful to dgl.nn.GraphConv with norm='both':
    # h = h * out_deg^{-1/2}; aggregate sum over edges to dst; * in_deg^{-1/2}; @W + b
    ones = jnp.ones((src.shape[0],), dtype=jnp.float32)
    deg_out = jax.ops.segment_sum(ones, src, num_segments=N)
    deg_in = jax.ops.segment_sum(ones, dst, num_segments=N)
    norm_out = jnp.clip(deg_out, 1.0, None) ** -0.5
    norm_in = jnp.clip(deg_in, 1.0, None) ** -0.5
    h = h * norm_out[:, None]
    msgs = h[src]  # gather over edges
    agg = jax.ops.segment_sum(msgs, dst, num_segments=N)  # scatter-add
    agg = agg * norm_in[:, None]
    out = agg @ W + b
    if activation:
        out = jax.nn.relu(out)
    return out


def reference(x, edge_index, W1, b1, W2, b2):
    src = edge_index[0]
    dst = edge_index[1]
    # num_layers=2 -> [GraphConv(in,hidden,relu), GraphConv(hidden,out)]
    h = _gcn_layer(x, src, dst, W1, b1, True)
    # dropout is identity in eval mode
    h = _gcn_layer(h, src, dst, W2, b2, False)
    return h

if __name__ == "__main__":
    import jax
    _d = setup_inputs()
    print(jax.jit(kernel)(*tuple(_d.values())))

</pallas_src>

<mosaic_0001>
#map = affine_map<(d0, d1) -> (0)>
module attributes {stable_mosaic.version = 14 : i64} {
  func.func @_deg_body(%arg0: i32, %arg1: i32, %arg2: memref<640000xi32, #tpu.memory_space<hbm>>, %arg3: memref<40960xf32, #tpu.memory_space<hbm>>, %arg4: memref<10240xf32, #tpu.memory_space<vmem>>, %arg5: memref<10240xf32, #tpu.memory_space<vmem>>, %arg6: memref<10000xi32, #tpu.memory_space<vmem>>, %arg7: memref<10000xi32, #tpu.memory_space<vmem>>, %arg8: memref<327680xf32, #tpu.memory_space<vmem_shared>>, %arg9: memref<10240xf32, #tpu.memory_space<vmem>>, %arg10: memref<640xf32, #tpu.memory_space<vmem>>) attributes {dimension_semantics = [#tpu.dimension_semantics<core_parallel>, #tpu.dimension_semantics<subcore_parallel>], iteration_bounds = array<i64: 2, 16>, scalar_prefetch = 0 : i64, scratch_operands = 7 : i64, tpu.core_type = #tpu.core_type<sc_vector_subcore>, window_params = [{transform_indices = #map}, {transform_indices = #map}]} {
    %mul3A = arith.constant 16 : i32
    %mul3A_0 = arith.muli %arg0, %mul3A : i32
    %add3A = arith.addi %mul3A_0, %arg1 : i32
    %broadcast_in_dim3A = arith.constant 0.000000e+00 : f32
    %broadcast_in_dim3A_1 = vector.broadcast %broadcast_in_dim3A : f32 to vector<16xf32>
    %broadcast_in_dim3A_2 = arith.constant 1.000000e+00 : f32
    %broadcast_in_dim3A_3 = vector.broadcast %broadcast_in_dim3A_2 : f32 to vector<16xf32>
    %scan3A = arith.constant 0 : i32
    %scan3A_4 = arith.constant 160 : i32
    %scan3A_5 = arith.addi %scan3A, %scan3A_4 : i32
    %scan3A_6 = arith.constant 1 : i32
    scf.for %scan3A_194 = %scan3A to %scan3A_5 step %scan3A_6  : i32 {
      %mul3A_195 = arith.constant 4 : i32
      %mul3A_196 = arith.muli %scan3A_194, %mul3A_195 : i32
      %add3A_197 = arith.constant 0 : i32
      %add3A_198 = arith.addi %mul3A_196, %add3A_197 : i32
      %mul3A_199 = arith.constant 16 : i32
      %mul3A_200 = arith.muli %add3A_198, %mul3A_199 : i32
      %swap3A = arith.index_cast %mul3A_200 : i32 to index
      %swap3A_201 = tpu.vector_load %arg4[%swap3A] {strides = array<i32>} : memref<10240xf32, #tpu.memory_space<vmem>>, vector<16xf32>,
      tpu.vector_store %arg4[%swap3A], %broadcast_in_dim3A_1 {strides = array<i32>} : memref<10240xf32, #tpu.memory_space<vmem>>, vector<16xf32>,
      %mul3A_202 = arith.constant 4 : i32
      %mul3A_203 = arith.muli %scan3A_194, %mul3A_202 : i32
      %add3A_204 = arith.constant 0 : i32
      %add3A_205 = arith.addi %mul3A_203, %add3A_204 : i32
      %mul3A_206 = arith.constant 16 : i32
      %mul3A_207 = arith.muli %add3A_205, %mul3A_206 : i32
      %swap3A_208 = arith.index_cast %mul3A_207 : i32 to index
      %swap3A_209 = tpu.vector_load %arg5[%swap3A_208] {strides = array<i32>} : memref<10240xf32, #tpu.memory_space<vmem>>, vector<16xf32>,
      tpu.vector_store %arg5[%swap3A_208], %broadcast_in_dim3A_1 {strides = array<i32>} : memref<10240xf32, #tpu.memory_space<vmem>>, vector<16xf32>,
      %mul3A_210 = arith.constant 4 : i32
      %mul3A_211 = arith.muli %scan3A_194, %mul3A_210 : i32
      %add3A_212 = arith.constant 1 : i32
      %add3A_213 = arith.addi %mul3A_211, %add3A_212 : i32
      %mul3A_214 = arith.constant 16 : i32
      %mul3A_215 = arith.muli %add3A_213, %mul3A_214 : i32
      %swap3A_216 = arith.index_cast %mul3A_215 : i32 to index
      %swap3A_217 = tpu.vector_load %arg4[%swap3A_216] {strides = array<i32>} : memref<10240xf32, #tpu.memory_space<vmem>>, vector<16xf32>,
      tpu.vector_store %arg4[%swap3A_216], %broadcast_in_dim3A_1 {strides = array<i32>} : memref<10240xf32, #tpu.memory_space<vmem>>, vector<16xf32>,
      %mul3A_218 = arith.constant 4 : i32
      %mul3A_219 = arith.muli %scan3A_194, %mul3A_218 : i32
      %add3A_220 = arith.constant 1 : i32
      %add3A_221 = arith.addi %mul3A_219, %add3A_220 : i32
      %mul3A_222 = arith.constant 16 : i32
      %mul3A_223 = arith.muli %add3A_221, %mul3A_222 : i32
      %swap3A_224 = arith.index_cast %mul3A_223 : i32 to index
      %swap3A_225 = tpu.vector_load %arg5[%swap3A_224] {strides = array<i32>} : memref<10240xf32, #tpu.memory_space<vmem>>, vector<16xf32>,
      tpu.vector_store %arg5[%swap3A_224], %broadcast_in_dim3A_1 {strides = array<i32>} : memref<10240xf32, #tpu.memory_space<vmem>>, vector<16xf32>,
      %mul3A_226 = arith.constant 4 : i32
      %mul3A_227 = arith.muli %scan3A_194, %mul3A_226 : i32
      %add3A_228 = arith.constant 2 : i32
      %add3A_229 = arith.addi %mul3A_227, %add3A_228 : i32
      %mul3A_230 = arith.constant 16 : i32
      %mul3A_231 = arith.muli %add3A_229, %mul3A_230 : i32
      %swap3A_232 = arith.index_cast %mul3A_231 : i32 to index
      %swap3A_233 = tpu.vector_load %arg4[%swap3A_232] {strides = array<i32>} : memref<10240xf32, #tpu.memory_space<vmem>>, vector<16xf32>,
      tpu.vector_store %arg4[%swap3A_232], %broadcast_in_dim3A_1 {strides = array<i32>} : memref<10240xf32, #tpu.memory_space<vmem>>, vector<16xf32>,
      %mul3A_234 = arith.constant 4 : i32
      %mul3A_235 = arith.muli %scan3A_194, %mul3A_234 : i32
      %add3A_236 = arith.constant 2 : i32
      %add3A_237 = arith.addi %mul3A_235, %add3A_236 : i32
      %mul3A_238 = arith.constant 16 : i32
      %mul3A_239 = arith.muli %add3A_237, %mul3A_238 : i32
      %swap3A_240 = arith.index_cast %mul3A_239 : i32 to index
      %swap3A_241 = tpu.vector_load %arg5[%swap3A_240] {strides = array<i32>} : memref<10240xf32, #tpu.memory_space<vmem>>, vector<16xf32>,
      tpu.vector_store %arg5[%swap3A_240], %broadcast_in_dim3A_1 {strides = array<i32>} : memref<10240xf32, #tpu.memory_space<vmem>>, vector<16xf32>,
      %mul3A_242 = arith.constant 4 : i32
      %mul3A_243 = arith.muli %scan3A_194, %mul3A_242 : i32
      %add3A_244 = arith.constant 3 : i32
      %add3A_245 = arith.addi %mul3A_243, %add3A_244 : i32
      %mul3A_246 = arith.constant 16 : i32
      %mul3A_247 = arith.muli %add3A_245, %mul3A_246 : i32
      %swap3A_248 = arith.index_cast %mul3A_247 : i32 to index
      %swap3A_249 = tpu.vector_load %arg4[%swap3A_248] {strides = array<i32>} : memref<10240xf32, #tpu.memory_space<vmem>>, vector<16xf32>,
      tpu.vector_store %arg4[%swap3A_248], %broadcast_in_dim3A_1 {strides = array<i32>} : memref<10240xf32, #tpu.memory_space<vmem>>, vector<16xf32>,
      %mul3A_250 = arith.constant 4 : i32
      %mul3A_251 = arith.muli %scan3A_194, %mul3A_250 : i32
      %add3A_252 = arith.constant 3 : i32
      %add3A_253 = arith.addi %mul3A_251, %add3A_252 : i32
      %mul3A_254 = arith.constant 16 : i32
      %mul3A_255 = arith.muli %add3A_253, %mul3A_254 : i32
      %swap3A_256 = arith.index_cast %mul3A_255 : i32 to index
      %swap3A_257 = tpu.vector_load %arg5[%swap3A_256] {strides = array<i32>} : memref<10240xf32, #tpu.memory_space<vmem>>, vector<16xf32>,
      tpu.vector_store %arg5[%swap3A_256], %broadcast_in_dim3A_1 {strides = array<i32>} : memref<10240xf32, #tpu.memory_space<vmem>>, vector<16xf32>,
    }
    %scan3A_7 = arith.constant 160 : i32
    %mul3A_8 = arith.constant 10000 : i32
    %mul3A_9 = arith.muli %add3A, %mul3A_8 : i32
    %add3A_10 = arith.constant 0 : i32
    %add3A_11 = arith.addi %add3A_10, %mul3A_9 : i32
    "tpu.region"() ({
      %run_scoped3A = tpu.sem_alloc : memref<!tpu.dma_semaphore, #tpu.memory_space<semaphore_mem>>
      %dma_start3A = tpu.memref_slice %arg2[%add3A_11] : memref<640000xi32, #tpu.memory_space<hbm>> -> memref<10000xi32, #tpu.memory_space<hbm>>
      %dma_start3A_194 = tpu.memref_slice %arg2[%add3A_11] : memref<640000xi32, #tpu.memory_space<hbm>> -> memref<10000xi32, #tpu.memory_space<hbm>>
      tpu.enqueue_dma source(%dma_start3A_194 : memref<10000xi32, #tpu.memory_space<hbm>>) target(%arg6 : memref<10000xi32, #tpu.memory_space<vmem>>) target_semaphore(%run_scoped3A : memref<!tpu.dma_semaphore, #tpu.memory_space<semaphore_mem>>)
      %dma_wait3A = tpu.memref_slice %arg2[%add3A_11] : memref<640000xi32, #tpu.memory_space<hbm>> -> memref<10000xi32, #tpu.memory_space<hbm>>
      %dma_wait3A_195 = tpu.memref_slice %arg2[%add3A_11] : memref<640000xi32, #tpu.memory_space<hbm>> -> memref<10000xi32, #tpu.memory_space<hbm>>
      tpu.wait_dma2 semaphore(%run_scoped3A : memref<!tpu.dma_semaphore, #tpu.memory_space<semaphore_mem>>) src(%dma_wait3A_195 : memref<10000xi32, #tpu.memory_space<hbm>>) dst(%arg6 : memref<10000xi32, #tpu.memory_space<vmem>>)
      tpu.yield
    }) : () -> ()
    %scan3A_12 = arith.constant 0 : i32
    %scan3A_13 = arith.constant 125 : i32
    %scan3A_14 = arith.addi %scan3A_12, %scan3A_13 : i32
    %scan3A_15 = arith.constant 1 : i32
    scf.for %scan3A_194 = %scan3A_12 to %scan3A_14 step %scan3A_15  : i32 {
      %mul3A_195 = arith.constant 5 : i32
      %mul3A_196 = arith.muli %scan3A_194, %mul3A_195 : i32
      %add3A_197 = arith.constant 0 : i32
      %add3A_198 = arith.addi %mul3A_196, %add3A_197 : i32
      %mul3A_199 = arith.constant 16 : i32
      %mul3A_200 = arith.muli %add3A_198, %mul3A_199 : i32
      %get3A = arith.index_cast %mul3A_200 : i32 to index
      %get3A_201 = tpu.vector_load %arg6[%get3A] {strides = array<i32>} : memref<10000xi32, #tpu.memory_space<vmem>>, vector<16xi32>,
      tpu.vector_store_idx %arg4[%get3A_201], %broadcast_in_dim3A_3 {add = true} : memref<10240xf32, #tpu.memory_space<vmem>>[vector<16xi32>], vector<16xf32>,
      %mul3A_202 = arith.constant 5 : i32
      %mul3A_203 = arith.muli %scan3A_194, %mul3A_202 : i32
      %add3A_204 = arith.constant 1 : i32
      %add3A_205 = arith.addi %mul3A_203, %add3A_204 : i32
      %mul3A_206 = arith.constant 16 : i32
      %mul3A_207 = arith.muli %add3A_205, %mul3A_206 : i32
      %get3A_208 = arith.index_cast %mul3A_207 : i32 to index
      %get3A_209 = tpu.vector_load %arg6[%get3A_208] {strides = array<i32>} : memref<10000xi32, #tpu.memory_space<vmem>>, vector<16xi32>,
      tpu.vector_store_idx %arg4[%get3A_209], %broadcast_in_dim3A_3 {add = true} : memref<10240xf32, #tpu.memory_space<vmem>>[vector<16xi32>], vector<16xf32>,
      %mul3A_210 = arith.constant 5 : i32
      %mul3A_211 = arith.muli %scan3A_194, %mul3A_210 : i32
      %add3A_212 = arith.constant 2 : i32
      %add3A_213 = arith.addi %mul3A_211, %add3A_212 : i32
      %mul3A_214 = arith.constant 16 : i32
      %mul3A_215 = arith.muli %add3A_213, %mul3A_214 : i32
      %get3A_216 = arith.index_cast %mul3A_215 : i32 to index
      %get3A_217 = tpu.vector_load %arg6[%get3A_216] {strides = array<i32>} : memref<10000xi32, #tpu.memory_space<vmem>>, vector<16xi32>,
      tpu.vector_store_idx %arg4[%get3A_217], %broadcast_in_dim3A_3 {add = true} : memref<10240xf32, #tpu.memory_space<vmem>>[vector<16xi32>], vector<16xf32>,
      %mul3A_218 = arith.constant 5 : i32
      %mul3A_219 = arith.muli %scan3A_194, %mul3A_218 : i32
      %add3A_220 = arith.constant 3 : i32
      %add3A_221 = arith.addi %mul3A_219, %add3A_220 : i32
      %mul3A_222 = arith.constant 16 : i32
      %mul3A_223 = arith.muli %add3A_221, %mul3A_222 : i32
      %get3A_224 = arith.index_cast %mul3A_223 : i32 to index
      %get3A_225 = tpu.vector_load %arg6[%get3A_224] {strides = array<i32>} : memref<10000xi32, #tpu.memory_space<vmem>>, vector<16xi32>,
      tpu.vector_store_idx %arg4[%get3A_225], %broadcast_in_dim3A_3 {add = true} : memref<10240xf32, #tpu.memory_space<vmem>>[vector<16xi32>], vector<16xf32>,
      %mul3A_226 = arith.constant 5 : i32
      %mul3A_227 = arith.muli %scan3A_194, %mul3A_226 : i32
      %add3A_228 = arith.constant 4 : i32
      %add3A_229 = arith.addi %mul3A_227, %add3A_228 : i32
      %mul3A_230 = arith.constant 16 : i32
      %mul3A_231 = arith.muli %add3A_229, %mul3A_230 : i32
      %get3A_232 = arith.index_cast %mul3A_231 : i32 to index
      %get3A_233 = tpu.vector_load %arg6[%get3A_232] {strides = array<i32>} : memref<10000xi32, #tpu.memory_space<vmem>>, vector<16xi32>,
      tpu.vector_store_idx %arg4[%get3A_233], %broadcast_in_dim3A_3 {add = true} : memref<10240xf32, #tpu.memory_space<vmem>>[vector<16xi32>], vector<16xf32>,
    }
    %scan3A_16 = arith.constant 125 : i32
    %mul3A_17 = arith.constant 10000 : i32
    %mul3A_18 = arith.muli %add3A, %mul3A_17 : i32
    %add3A_19 = arith.constant 320000 : i32
    %add3A_20 = arith.addi %add3A_19, %mul3A_18 : i32
    "tpu.region"() ({
      %run_scoped3A = tpu.sem_alloc : memref<!tpu.dma_semaphore, #tpu.memory_space<semaphore_mem>>
      %dma_start3A = tpu.memref_slice %arg2[%add3A_20] : memref<640000xi32, #tpu.memory_space<hbm>> -> memref<10000xi32, #tpu.memory_space<hbm>>
      %dma_start3A_194 = tpu.memref_slice %arg2[%add3A_20] : memref<640000xi32, #tpu.memory_space<hbm>> -> memref<10000xi32, #tpu.memory_space<hbm>>
      tpu.enqueue_dma source(%dma_start3A_194 : memref<10000xi32, #tpu.memory_space<hbm>>) target(%arg7 : memref<10000xi32, #tpu.memory_space<vmem>>) target_semaphore(%run_scoped3A : memref<!tpu.dma_semaphore, #tpu.memory_space<semaphore_mem>>)
      %dma_wait3A = tpu.memref_slice %arg2[%add3A_20] : memref<640000xi32, #tpu.memory_space<hbm>> -> memref<10000xi32, #tpu.memory_space<hbm>>
      %dma_wait3A_195 = tpu.memref_slice %arg2[%add3A_20] : memref<640000xi32, #tpu.memory_space<hbm>> -> memref<10000xi32, #tpu.memory_space<hbm>>
      tpu.wait_dma2 semaphore(%run_scoped3A : memref<!tpu.dma_semaphore, #tpu.memory_space<semaphore_mem>>) src(%dma_wait3A_195 : memref<10000xi32, #tpu.memory_space<hbm>>) dst(%arg7 : memref<10000xi32, #tpu.memory_space<vmem>>)
      tpu.yield
    }) : () -> ()
    %scan3A_21 = arith.constant 0 : i32
    %scan3A_22 = arith.constant 125 : i32
    %scan3A_23 = arith.addi %scan3A_21, %scan3A_22 : i32
    %scan3A_24 = arith.constant 1 : i32
    scf.for %scan3A_194 = %scan3A_21 to %scan3A_23 step %scan3A_24  : i32 {
      %mul3A_195 = arith.constant 5 : i32
      %mul3A_196 = arith.muli %scan3A_194, %mul3A_195 : i32
      %add3A_197 = arith.constant 0 : i32
      %add3A_198 = arith.addi %mul3A_196, %add3A_197 : i32
      %mul3A_199 = arith.constant 16 : i32
      %mul3A_200 = arith.muli %add3A_198, %mul3A_199 : i32
      %get3A = arith.index_cast %mul3A_200 : i32 to index
      %get3A_201 = tpu.vector_load %arg7[%get3A] {strides = array<i32>} : memref<10000xi32, #tpu.memory_space<vmem>>, vector<16xi32>,
      tpu.vector_store_idx %arg5[%get3A_201], %broadcast_in_dim3A_3 {add = true} : memref<10240xf32, #tpu.memory_space<vmem>>[vector<16xi32>], vector<16xf32>,
      %mul3A_202 = arith.constant 5 : i32
      %mul3A_203 = arith.muli %scan3A_194, %mul3A_202 : i32
      %add3A_204 = arith.constant 1 : i32
      %add3A_205 = arith.addi %mul3A_203, %add3A_204 : i32
      %mul3A_206 = arith.constant 16 : i32
      %mul3A_207 = arith.muli %add3A_205, %mul3A_206 : i32
      %get3A_208 = arith.index_cast %mul3A_207 : i32 to index
      %get3A_209 = tpu.vector_load %arg7[%get3A_208] {strides = array<i32>} : memref<10000xi32, #tpu.memory_space<vmem>>, vector<16xi32>,
      tpu.vector_store_idx %arg5[%get3A_209], %broadcast_in_dim3A_3 {add = true} : memref<10240xf32, #tpu.memory_space<vmem>>[vector<16xi32>], vector<16xf32>,
      %mul3A_210 = arith.constant 5 : i32
      %mul3A_211 = arith.muli %scan3A_194, %mul3A_210 : i32
      %add3A_212 = arith.constant 2 : i32
      %add3A_213 = arith.addi %mul3A_211, %add3A_212 : i32
      %mul3A_214 = arith.constant 16 : i32
      %mul3A_215 = arith.muli %add3A_213, %mul3A_214 : i32
      %get3A_216 = arith.index_cast %mul3A_215 : i32 to index
      %get3A_217 = tpu.vector_load %arg7[%get3A_216] {strides = array<i32>} : memref<10000xi32, #tpu.memory_space<vmem>>, vector<16xi32>,
      tpu.vector_store_idx %arg5[%get3A_217], %broadcast_in_dim3A_3 {add = true} : memref<10240xf32, #tpu.memory_space<vmem>>[vector<16xi32>], vector<16xf32>,
      %mul3A_218 = arith.constant 5 : i32
      %mul3A_219 = arith.muli %scan3A_194, %mul3A_218 : i32
      %add3A_220 = arith.constant 3 : i32
      %add3A_221 = arith.addi %mul3A_219, %add3A_220 : i32
      %mul3A_222 = arith.constant 16 : i32
      %mul3A_223 = arith.muli %add3A_221, %mul3A_222 : i32
      %get3A_224 = arith.index_cast %mul3A_223 : i32 to index
      %get3A_225 = tpu.vector_load %arg7[%get3A_224] {strides = array<i32>} : memref<10000xi32, #tpu.memory_space<vmem>>, vector<16xi32>,
      tpu.vector_store_idx %arg5[%get3A_225], %broadcast_in_dim3A_3 {add = true} : memref<10240xf32, #tpu.memory_space<vmem>>[vector<16xi32>], vector<16xf32>,
      %mul3A_226 = arith.constant 5 : i32
      %mul3A_227 = arith.muli %scan3A_194, %mul3A_226 : i32
      %add3A_228 = arith.constant 4 : i32
      %add3A_229 = arith.addi %mul3A_227, %add3A_228 : i32
      %mul3A_230 = arith.constant 16 : i32
      %mul3A_231 = arith.muli %add3A_229, %mul3A_230 : i32
      %get3A_232 = arith.index_cast %mul3A_231 : i32 to index
      %get3A_233 = tpu.vector_load %arg7[%get3A_232] {strides = array<i32>} : memref<10000xi32, #tpu.memory_space<vmem>>, vector<16xi32>,
      tpu.vector_store_idx %arg5[%get3A_233], %broadcast_in_dim3A_3 {add = true} : memref<10240xf32, #tpu.memory_space<vmem>>[vector<16xi32>], vector<16xf32>,
    }
    %scan3A_25 = arith.constant 125 : i32
    %mul3A_26 = arith.constant 2 : i32
    %mul3A_27 = arith.muli %arg1, %mul3A_26 : i32
    %add3A_28 = arith.constant 0 : i32
    %add3A_29 = arith.addi %mul3A_27, %add3A_28 : i32
    %mul3A_30 = arith.constant 10240 : i32
    %mul3A_31 = arith.muli %add3A_29, %mul3A_30 : i32
    "tpu.region"() ({
      %run_scoped3A = tpu.sem_alloc : memref<!tpu.dma_semaphore, #tpu.memory_space<semaphore_mem>>
      %dma_start3A = tpu.memref_slice %arg8[%mul3A_31] : memref<327680xf32, #tpu.memory_space<vmem_shared>> -> memref<10240xf32, #tpu.memory_space<vmem_shared>>
      %dma_start3A_194 = tpu.memref_slice %arg8[%mul3A_31] : memref<327680xf32, #tpu.memory_space<vmem_shared>> -> memref<10240xf32, #tpu.memory_space<vmem_shared>>
      tpu.enqueue_dma source(%arg4 : memref<10240xf32, #tpu.memory_space<vmem>>) target(%dma_start3A_194 : memref<10240xf32, #tpu.memory_space<vmem_shared>>) target_semaphore(%run_scoped3A : memref<!tpu.dma_semaphore, #tpu.memory_space<semaphore_mem>>)
      %dma_wait3A = tpu.memref_slice %arg8[%mul3A_31] : memref<327680xf32, #tpu.memory_space<vmem_shared>> -> memref<10240xf32, #tpu.memory_space<vmem_shared>>
      %dma_wait3A_195 = tpu.memref_slice %arg8[%mul3A_31] : memref<327680xf32, #tpu.memory_space<vmem_shared>> -> memref<10240xf32, #tpu.memory_space<vmem_shared>>
      tpu.wait_dma2 semaphore(%run_scoped3A : memref<!tpu.dma_semaphore, #tpu.memory_space<semaphore_mem>>) src(%arg4 : memref<10240xf32, #tpu.memory_space<vmem>>) dst(%dma_wait3A_195 : memref<10240xf32, #tpu.memory_space<vmem_shared>>)
      tpu.yield
    }) : () -> ()
    %mul3A_32 = arith.constant 2 : i32
    %mul3A_33 = arith.muli %arg1, %mul3A_32 : i32
    %add3A_34 = arith.constant 1 : i32
    %add3A_35 = arith.addi %mul3A_33, %add3A_34 : i32
    %mul3A_36 = arith.constant 10240 : i32
    %mul3A_37 = arith.muli %add3A_35, %mul3A_36 : i32
    "tpu.region"() ({
      %run_scoped3A = tpu.sem_alloc : memref<!tpu.dma_semaphore, #tpu.memory_space<semaphore_mem>>
      %dma_start3A = tpu.memref_slice %arg8[%mul3A_37] : memref<327680xf32, #tpu.memory_space<vmem_shared>> -> memref<10240xf32, #tpu.memory_space<vmem_shared>>
      %dma_start3A_194 = tpu.memref_slice %arg8[%mul3A_37] : memref<327680xf32, #tpu.memory_space<vmem_shared>> -> memref<10240xf32, #tpu.memory_space<vmem_shared>>
      tpu.enqueue_dma source(%arg5 : memref<10240xf32, #tpu.memory_space<vmem>>) target(%dma_start3A_194 : memref<10240xf32, #tpu.memory_space<vmem_shared>>) target_semaphore(%run_scoped3A : memref<!tpu.dma_semaphore, #tpu.memory_space<semaphore_mem>>)
      %dma_wait3A = tpu.memref_slice %arg8[%mul3A_37] : memref<327680xf32, #tpu.memory_space<vmem_shared>> -> memref<10240xf32, #tpu.memory_space<vmem_shared>>
      %dma_wait3A_195 = tpu.memref_slice %arg8[%mul3A_37] : memref<327680xf32, #tpu.memory_space<vmem_shared>> -> memref<10240xf32, #tpu.memory_space<vmem_shared>>
      tpu.wait_dma2 semaphore(%run_scoped3A : memref<!tpu.dma_semaphore, #tpu.memory_space<semaphore_mem>>) src(%arg5 : memref<10240xf32, #tpu.memory_space<vmem>>) dst(%dma_wait3A_195 : memref<10240xf32, #tpu.memory_space<vmem_shared>>)
      tpu.yield
    }) : () -> ()
    %barrier3A = arith.constant 0 : index
    tpu.barrier barrier_id(%barrier3A)
    %mul3A_38 = arith.constant 640 : i32
    %mul3A_39 = arith.muli %arg1, %mul3A_38 : i32
    %add3A_40 = arith.constant 0 : i32
    %add3A_41 = arith.addi %add3A_40, %mul3A_39 : i32
    "tpu.region"() ({
      %run_scoped3A = tpu.sem_alloc : memref<!tpu.dma_semaphore, #tpu.memory_space<semaphore_mem>>
      %dma_start3A = arith.constant 0 : i32
      %dma_start3A_194 = tpu.memref_slice %arg9[%dma_start3A] : memref<10240xf32, #tpu.memory_space<vmem>> -> memref<640xf32, #tpu.memory_space<vmem>>
      %dma_start3A_195 = tpu.memref_slice %arg8[%add3A_41] : memref<327680xf32, #tpu.memory_space<vmem_shared>> -> memref<640xf32, #tpu.memory_space<vmem_shared>>
      %dma_start3A_196 = arith.constant 0 : i32
      %dma_start3A_197 = tpu.memref_slice %arg9[%dma_start3A_196] : memref<10240xf32, #tpu.memory_space<vmem>> -> memref<640xf32, #tpu.memory_space<vmem>>
      %dma_start3A_198 = tpu.memref_slice %arg8[%add3A_41] : memref<327680xf32, #tpu.memory_space<vmem_shared>> -> memref<640xf32, #tpu.memory_space<vmem_shared>>
      tpu.enqueue_dma source(%dma_start3A_198 : memref<640xf32, #tpu.memory_space<vmem_shared>>) target(%dma_start3A_197 : memref<640xf32, #tpu.memory_space<vmem>>) target_semaphore(%run_scoped3A : memref<!tpu.dma_semaphore, #tpu.memory_space<semaphore_mem>>)
      %dma_wait3A = arith.constant 0 : i32
      %dma_wait3A_199 = tpu.memref_slice %arg9[%dma_wait3A] : memref<10240xf32, #tpu.memory_space<vmem>> -> memref<640xf32, #tpu.memory_space<vmem>>
      %dma_wait3A_200 = tpu.memref_slice %arg8[%add3A_41] : memref<327680xf32, #tpu.memory_space<vmem_shared>> -> memref<640xf32, #tpu.memory_space<vmem_shared>>
      %dma_wait3A_201 = arith.constant 0 : i32
      %dma_wait3A_202 = tpu.memref_slice %arg9[%dma_wait3A_201] : memref<10240xf32, #tpu.memory_space<vmem>> -> memref<640xf32, #tpu.memory_space<vmem>>
      %dma_wait3A_203 = tpu.memref_slice %arg8[%add3A_41] : memref<327680xf32, #tpu.memory_space<vmem_shared>> -> memref<640xf32, #tpu.memory_space<vmem_shared>>
      tpu.wait_dma2 semaphore(%run_scoped3A : memref<!tpu.dma_semaphore, #tpu.memory_space<semaphore_mem>>) src(%dma_wait3A_203 : memref<640xf32, #tpu.memory_space<vmem_shared>>) dst(%dma_wait3A_202 : memref<640xf32, #tpu.memory_space<vmem>>)
      tpu.yield
    }) : () -> ()
    %mul3A_42 = arith.constant 640 : i32
    %mul3A_43 = arith.muli %arg1, %mul3A_42 : i32
    %add3A_44 = arith.constant 20480 : i32
    %add3A_45 = arith.addi %add3A_44, %mul3A_43 : i32
    "tpu.region"() ({
      %run_scoped3A = tpu.sem_alloc : memref<!tpu.dma_semaphore, #tpu.memory_space<semaphore_mem>>
      %dma_start3A = arith.constant 640 : i32
      %dma_start3A_194 = tpu.memref_slice %arg9[%dma_start3A] : memref<10240xf32, #tpu.memory_space<vmem>> -> memref<640xf32, #tpu.memory_space<vmem>>
      %dma_start3A_195 = tpu.memref_slice %arg8[%add3A_45] : memref<327680xf32, #tpu.memory_space<vmem_shared>> -> memref<640xf32, #tpu.memory_space<vmem_shared>>
      %dma_start3A_196 = arith.constant 640 : i32
      %dma_start3A_197 = tpu.memref_slice %arg9[%dma_start3A_196] : memref<10240xf32, #tpu.memory_space<vmem>> -> memref<640xf32, #tpu.memory_space<vmem>>
      %dma_start3A_198 = tpu.memref_slice %arg8[%add3A_45] : memref<327680xf32, #tpu.memory_space<vmem_shared>> -> memref<640xf32, #tpu.memory_space<vmem_shared>>
      tpu.enqueue_dma source(%dma_start3A_198 : memref<640xf32, #tpu.memory_space<vmem_shared>>) target(%dma_start3A_197 : memref<640xf32, #tpu.memory_space<vmem>>) target_semaphore(%run_scoped3A : memref<!tpu.dma_semaphore, #tpu.memory_space<semaphore_mem>>)
      %dma_wait3A = arith.constant 640 : i32
      %dma_wait3A_199 = tpu.memref_slice %arg9[%dma_wait3A] : memref<10240xf32, #tpu.memory_space<vmem>> -> memref<640xf32, #tpu.memory_space<vmem>>
      %dma_wait3A_200 = tpu.memref_slice %arg8[%add3A_45] : memref<327680xf32, #tpu.memory_space<vmem_shared>> -> memref<640xf32, #tpu.memory_space<vmem_shared>>
      %dma_wait3A_201 = arith.constant 640 : i32
      %dma_wait3A_202 = tpu.memref_slice %arg9[%dma_wait3A_201] : memref<10240xf32, #tpu.memory_space<vmem>> -> memref<640xf32, #tpu.memory_space<vmem>>
      %dma_wait3A_203 = tpu.memref_slice %arg8[%add3A_45] : memref<327680xf32, #tpu.memory_space<vmem_shared>> -> memref<640xf32, #tpu.memory_space<vmem_shared>>
      tpu.wait_dma2 semaphore(%run_scoped3A : memref<!tpu.dma_semaphore, #tpu.memory_space<semaphore_mem>>) src(%dma_wait3A_203 : memref<640xf32, #tpu.memory_space<vmem_shared>>) dst(%dma_wait3A_202 : memref<640xf32, #tpu.memory_space<vmem>>)
      tpu.yield
    }) : () -> ()
    %mul3A_46 = arith.constant 640 : i32
    %mul3A_47 = arith.muli %arg1, %mul3A_46 : i32
    %add3A_48 = arith.constant 40960 : i32
    %add3A_49 = arith.addi %add3A_48, %mul3A_47 : i32
    "tpu.region"() ({
      %run_scoped3A = tpu.sem_alloc : memref<!tpu.dma_semaphore, #tpu.memory_space<semaphore_mem>>
      %dma_start3A = arith.constant 1280 : i32
      %dma_start3A_194 = tpu.memref_slice %arg9[%dma_start3A] : memref<10240xf32, #tpu.memory_space<vmem>> -> memref<640xf32, #tpu.memory_space<vmem>>
      %dma_start3A_195 = tpu.memref_slice %arg8[%add3A_49] : memref<327680xf32, #tpu.memory_space<vmem_shared>> -> memref<640xf32, #tpu.memory_space<vmem_shared>>
      %dma_start3A_196 = arith.constant 1280 : i32
      %dma_start3A_197 = tpu.memref_slice %arg9[%dma_start3A_196] : memref<10240xf32, #tpu.memory_space<vmem>> -> memref<640xf32, #tpu.memory_space<vmem>>
      %dma_start3A_198 = tpu.memref_slice %arg8[%add3A_49] : memref<327680xf32, #tpu.memory_space<vmem_shared>> -> memref<640xf32, #tpu.memory_space<vmem_shared>>
      tpu.enqueue_dma source(%dma_start3A_198 : memref<640xf32, #tpu.memory_space<vmem_shared>>) target(%dma_start3A_197 : memref<640xf32, #tpu.memory_space<vmem>>) target_semaphore(%run_scoped3A : memref<!tpu.dma_semaphore, #tpu.memory_space<semaphore_mem>>)
      %dma_wait3A = arith.constant 1280 : i32
      %dma_wait3A_199 = tpu.memref_slice %arg9[%dma_wait3A] : memref<10240xf32, #tpu.memory_space<vmem>> -> memref<640xf32, #tpu.memory_space<vmem>>
      %dma_wait3A_200 = tpu.memref_slice %arg8[%add3A_49] : memref<327680xf32, #tpu.memory_space<vmem_shared>> -> memref<640xf32, #tpu.memory_space<vmem_shared>>
      %dma_wait3A_201 = arith.constant 1280 : i32
      %dma_wait3A_202 = tpu.memref_slice %arg9[%dma_wait3A_201] : memref<10240xf32, #tpu.memory_space<vmem>> -> memref<640xf32, #tpu.memory_space<vmem>>
      %dma_wait3A_203 = tpu.memref_slice %arg8[%add3A_49] : memref<327680xf32, #tpu.memory_space<vmem_shared>> -> memref<640xf32, #tpu.memory_space<vmem_shared>>
      tpu.wait_dma2 semaphore(%run_scoped3A : memref<!tpu.dma_semaphore, #tpu.memory_space<semaphore_mem>>) src(%dma_wait3A_203 : memref<640xf32, #tpu.memory_space<vmem_shared>>) dst(%dma_wait3A_202 : memref<640xf32, #tpu.memory_space<vmem>>)
      tpu.yield
    }) : () -> ()
    %mul3A_50 = arith.constant 640 : i32
    %mul3A_51 = arith.muli %arg1, %mul3A_50 : i32
    %add3A_52 = arith.constant 61440 : i32
    %add3A_53 = arith.addi %add3A_52, %mul3A_51 : i32
    "tpu.region"() ({
      %run_scoped3A = tpu.sem_alloc : memref<!tpu.dma_semaphore, #tpu.memory_space<semaphore_mem>>
      %dma_start3A = arith.constant 1920 : i32
      %dma_start3A_194 = tpu.memref_slice %arg9[%dma_start3A] : memref<10240xf32, #tpu.memory_space<vmem>> -> memref<640xf32, #tpu.memory_space<vmem>>
      %dma_start3A_195 = tpu.memref_slice %arg8[%add3A_53] : memref<327680xf32, #tpu.memory_space<vmem_shared>> -> memref<640xf32, #tpu.memory_space<vmem_shared>>
      %dma_start3A_196 = arith.constant 1920 : i32
      %dma_start3A_197 = tpu.memref_slice %arg9[%dma_start3A_196] : memref<10240xf32, #tpu.memory_space<vmem>> -> memref<640xf32, #tpu.memory_space<vmem>>
      %dma_start3A_198 = tpu.memref_slice %arg8[%add3A_53] : memref<327680xf32, #tpu.memory_space<vmem_shared>> -> memref<640xf32, #tpu.memory_space<vmem_shared>>
      tpu.enqueue_dma source(%dma_start3A_198 : memref<640xf32, #tpu.memory_space<vmem_shared>>) target(%dma_start3A_197 : memref<640xf32, #tpu.memory_space<vmem>>) target_semaphore(%run_scoped3A : memref<!tpu.dma_semaphore, #tpu.memory_space<semaphore_mem>>)
      %dma_wait3A = arith.constant 1920 : i32
      %dma_wait3A_199 = tpu.memref_slice %arg9[%dma_wait3A] : memref<10240xf32, #tpu.memory_space<vmem>> -> memref<640xf32, #tpu.memory_space<vmem>>
      %dma_wait3A_200 = tpu.memref_slice %arg8[%add3A_53] : memref<327680xf32, #tpu.memory_space<vmem_shared>> -> memref<640xf32, #tpu.memory_space<vmem_shared>>
      %dma_wait3A_201 = arith.constant 1920 : i32
      %dma_wait3A_202 = tpu.memref_slice %arg9[%dma_wait3A_201] : memref<10240xf32, #tpu.memory_space<vmem>> -> memref<640xf32, #tpu.memory_space<vmem>>
      %dma_wait3A_203 = tpu.memref_slice %arg8[%add3A_53] : memref<327680xf32, #tpu.memory_space<vmem_shared>> -> memref<640xf32, #tpu.memory_space<vmem_shared>>
      tpu.wait_dma2 semaphore(%run_scoped3A : memref<!tpu.dma_semaphore, #tpu.memory_space<semaphore_mem>>) src(%dma_wait3A_203 : memref<640xf32, #tpu.memory_space<vmem_shared>>) dst(%dma_wait3A_202 : memref<640xf32, #tpu.memory_space<vmem>>)
      tpu.yield
    }) : () -> ()
    %mul3A_54 = arith.constant 640 : i32
    %mul3A_55 = arith.muli %arg1, %mul3A_54 : i32
    %add3A_56 = arith.constant 81920 : i32
    %add3A_57 = arith.addi %add3A_56, %mul3A_55 : i32
    "tpu.region"() ({
      %run_scoped3A = tpu.sem_alloc : memref<!tpu.dma_semaphore, #tpu.memory_space<semaphore_mem>>
      %dma_start3A = arith.constant 2560 : i32
      %dma_start3A_194 = tpu.memref_slice %arg9[%dma_start3A] : memref<10240xf32, #tpu.memory_space<vmem>> -> memref<640xf32, #tpu.memory_space<vmem>>
      %dma_start3A_195 = tpu.memref_slice %arg8[%add3A_57] : memref<327680xf32, #tpu.memory_space<vmem_shared>> -> memref<640xf32, #tpu.memory_space<vmem_shared>>
      %dma_start3A_196 = arith.constant 2560 : i32
      %dma_start3A_197 = tpu.memref_slice %arg9[%dma_start3A_196] : memref<10240xf32, #tpu.memory_space<vmem>> -> memref<640xf32, #tpu.memory_space<vmem>>
      %dma_start3A_198 = tpu.memref_slice %arg8[%add3A_57] : memref<327680xf32, #tpu.memory_space<vmem_shared>> -> memref<640xf32, #tpu.memory_space<vmem_shared>>
      tpu.enqueue_dma source(%dma_start3A_198 : memref<640xf32, #tpu.memory_space<vmem_shared>>) target(%dma_start3A_197 : memref<640xf32, #tpu.memory_space<vmem>>) target_semaphore(%run_scoped3A : memref<!tpu.dma_semaphore, #tpu.memory_space<semaphore_mem>>)
      %dma_wait3A = arith.constant 2560 : i32
      %dma_wait3A_199 = tpu.memref_slice %arg9[%dma_wait3A] : memref<10240xf32, #tpu.memory_space<vmem>> -> memref<640xf32, #tpu.memory_space<vmem>>
      %dma_wait3A_200 = tpu.memref_slice %arg8[%add3A_57] : memref<327680xf32, #tpu.memory_space<vmem_shared>> -> memref<640xf32, #tpu.memory_space<vmem_shared>>
      %dma_wait3A_201 = arith.constant 2560 : i32
      %dma_wait3A_202 = tpu.memref_slice %arg9[%dma_wait3A_201] : memref<10240xf32, #tpu.memory_space<vmem>> -> memref<640xf32, #tpu.memory_space<vmem>>
      %dma_wait3A_203 = tpu.memref_slice %arg8[%add3A_57] : memref<327680xf32, #tpu.memory_space<vmem_shared>> -> memref<640xf32, #tpu.memory_space<vmem_shared>>
      tpu.wait_dma2 semaphore(%run_scoped3A : memref<!tpu.dma_semaphore, #tpu.memory_space<semaphore_mem>>) src(%dma_wait3A_203 : memref<640xf32, #tpu.memory_space<vmem_shared>>) dst(%dma_wait3A_202 : memref<640xf32, #tpu.memory_space<vmem>>)
      tpu.yield
    }) : () -> ()
    %mul3A_58 = arith.constant 640 : i32
    %mul3A_59 = arith.muli %arg1, %mul3A_58 : i32
    %add3A_60 = arith.constant 102400 : i32
    %add3A_61 = arith.addi %add3A_60, %mul3A_59 : i32
    "tpu.region"() ({
      %run_scoped3A = tpu.sem_alloc : memref<!tpu.dma_semaphore, #tpu.memory_space<semaphore_mem>>
      %dma_start3A = arith.constant 3200 : i32
      %dma_start3A_194 = tpu.memref_slice %arg9[%dma_start3A] : memref<10240xf32, #tpu.memory_space<vmem>> -> memref<640xf32, #tpu.memory_space<vmem>>
      %dma_start3A_195 = tpu.memref_slice %arg8[%add3A_61] : memref<327680xf32, #tpu.memory_space<vmem_shared>> -> memref<640xf32, #tpu.memory_space<vmem_shared>>
      %dma_start3A_196 = arith.constant 3200 : i32
      %dma_start3A_197 = tpu.memref_slice %arg9[%dma_start3A_196] : memref<10240xf32, #tpu.memory_space<vmem>> -> memref<640xf32, #tpu.memory_space<vmem>>
      %dma_start3A_198 = tpu.memref_slice %arg8[%add3A_61] : memref<327680xf32, #tpu.memory_space<vmem_shared>> -> memref<640xf32, #tpu.memory_space<vmem_shared>>
      tpu.enqueue_dma source(%dma_start3A_198 : memref<640xf32, #tpu.memory_space<vmem_shared>>) target(%dma_start3A_197 : memref<640xf32, #tpu.memory_space<vmem>>) target_semaphore(%run_scoped3A : memref<!tpu.dma_semaphore, #tpu.memory_space<semaphore_mem>>)
      %dma_wait3A = arith.constant 3200 : i32
      %dma_wait3A_199 = tpu.memref_slice %arg9[%dma_wait3A] : memref<10240xf32, #tpu.memory_space<vmem>> -> memref<640xf32, #tpu.memory_space<vmem>>
      %dma_wait3A_200 = tpu.memref_slice %arg8[%add3A_61] : memref<327680xf32, #tpu.memory_space<vmem_shared>> -> memref<640xf32, #tpu.memory_space<vmem_shared>>
      %dma_wait3A_201 = arith.constant 3200 : i32
      %dma_wait3A_202 = tpu.memref_slice %arg9[%dma_wait3A_201] : memref<10240xf32, #tpu.memory_space<vmem>> -> memref<640xf32, #tpu.memory_space<vmem>>
      %dma_wait3A_203 = tpu.memref_slice %arg8[%add3A_61] : memref<327680xf32, #tpu.memory_space<vmem_shared>> -> memref<640xf32, #tpu.memory_space<vmem_shared>>
      tpu.wait_dma2 semaphore(%run_scoped3A : memref<!tpu.dma_semaphore, #tpu.memory_space<semaphore_mem>>) src(%dma_wait3A_203 : memref<640xf32, #tpu.memory_space<vmem_shared>>) dst(%dma_wait3A_202 : memref<640xf32, #tpu.memory_space<vmem>>)
      tpu.yield
    }) : () -> ()
    %mul3A_62 = arith.constant 640 : i32
    %mul3A_63 = arith.muli %arg1, %mul3A_62 : i32
    %add3A_64 = arith.constant 122880 : i32
    %add3A_65 = arith.addi %add3A_64, %mul3A_63 : i32
    "tpu.region"() ({
      %run_scoped3A = tpu.sem_alloc : memref<!tpu.dma_semaphore, #tpu.memory_space<semaphore_mem>>
      %dma_start3A = arith.constant 3840 : i32
      %dma_start3A_194 = tpu.memref_slice %arg9[%dma_start3A] : memref<10240xf32, #tpu.memory_space<vmem>> -> memref<640xf32, #tpu.memory_space<vmem>>
      %dma_start3A_195 = tpu.memref_slice %arg8[%add3A_65] : memref<327680xf32, #tpu.memory_space<vmem_shared>> -> memref<640xf32, #tpu.memory_space<vmem_shared>>
      %dma_start3A_196 = arith.constant 3840 : i32
      %dma_start3A_197 = tpu.memref_slice %arg9[%dma_start3A_196] : memref<10240xf32, #tpu.memory_space<vmem>> -> memref<640xf32, #tpu.memory_space<vmem>>
      %dma_start3A_198 = tpu.memref_slice %arg8[%add3A_65] : memref<327680xf32, #tpu.memory_space<vmem_shared>> -> memref<640xf32, #tpu.memory_space<vmem_shared>>
      tpu.enqueue_dma source(%dma_start3A_198 : memref<640xf32, #tpu.memory_space<vmem_shared>>) target(%dma_start3A_197 : memref<640xf32, #tpu.memory_space<vmem>>) target_semaphore(%run_scoped3A : memref<!tpu.dma_semaphore, #tpu.memory_space<semaphore_mem>>)
      %dma_wait3A = arith.constant 3840 : i32
      %dma_wait3A_199 = tpu.memref_slice %arg9[%dma_wait3A] : memref<10240xf32, #tpu.memory_space<vmem>> -> memref<640xf32, #tpu.memory_space<vmem>>
      %dma_wait3A_200 = tpu.memref_slice %arg8[%add3A_65] : memref<327680xf32, #tpu.memory_space<vmem_shared>> -> memref<640xf32, #tpu.memory_space<vmem_shared>>
      %dma_wait3A_201 = arith.constant 3840 : i32
      %dma_wait3A_202 = tpu.memref_slice %arg9[%dma_wait3A_201] : memref<10240xf32, #tpu.memory_space<vmem>> -> memref<640xf32, #tpu.memory_space<vmem>>
      %dma_wait3A_203 = tpu.memref_slice %arg8[%add3A_65] : memref<327680xf32, #tpu.memory_space<vmem_shared>> -> memref<640xf32, #tpu.memory_space<vmem_shared>>
      tpu.wait_dma2 semaphore(%run_scoped3A : memref<!tpu.dma_semaphore, #tpu.memory_space<semaphore_mem>>) src(%dma_wait3A_203 : memref<640xf32, #tpu.memory_space<vmem_shared>>) dst(%dma_wait3A_202 : memref<640xf32, #tpu.memory_space<vmem>>)
      tpu.yield
    }) : () -> ()
    %mul3A_66 = arith.constant 640 : i32
    %mul3A_67 = arith.muli %arg1, %mul3A_66 : i32
    %add3A_68 = arith.constant 143360 : i32
    %add3A_69 = arith.addi %add3A_68, %mul3A_67 : i32
    "tpu.region"() ({
      %run_scoped3A = tpu.sem_alloc : memref<!tpu.dma_semaphore, #tpu.memory_space<semaphore_mem>>
      %dma_start3A = arith.constant 4480 : i32
      %dma_start3A_194 = tpu.memref_slice %arg9[%dma_start3A] : memref<10240xf32, #tpu.memory_space<vmem>> -> memref<640xf32, #tpu.memory_space<vmem>>
      %dma_start3A_195 = tpu.memref_slice %arg8[%add3A_69] : memref<327680xf32, #tpu.memory_space<vmem_shared>> -> memref<640xf32, #tpu.memory_space<vmem_shared>>
      %dma_start3A_196 = arith.constant 4480 : i32
      %dma_start3A_197 = tpu.memref_slice %arg9[%dma_start3A_196] : memref<10240xf32, #tpu.memory_space<vmem>> -> memref<640xf32, #tpu.memory_space<vmem>>
      %dma_start3A_198 = tpu.memref_slice %arg8[%add3A_69] : memref<327680xf32, #tpu.memory_space<vmem_shared>> -> memref<640xf32, #tpu.memory_space<vmem_shared>>
      tpu.enqueue_dma source(%dma_start3A_198 : memref<640xf32, #tpu.memory_space<vmem_shared>>) target(%dma_start3A_197 : memref<640xf32, #tpu.memory_space<vmem>>) target_semaphore(%run_scoped3A : memref<!tpu.dma_semaphore, #tpu.memory_space<semaphore_mem>>)
      %dma_wait3A = arith.constant 4480 : i32
      %dma_wait3A_199 = tpu.memref_slice %arg9[%dma_wait3A] : memref<10240xf32, #tpu.memory_space<vmem>> -> memref<640xf32, #tpu.memory_space<vmem>>
      %dma_wait3A_200 = tpu.memref_slice %arg8[%add3A_69] : memref<327680xf32, #tpu.memory_space<vmem_shared>> -> memref<640xf32, #tpu.memory_space<vmem_shared>>
      %dma_wait3A_201 = arith.constant 4480 : i32
      %dma_wait3A_202 = tpu.memref_slice %arg9[%dma_wait3A_201] : memref<10240xf32, #tpu.memory_space<vmem>> -> memref<640xf32, #tpu.memory_space<vmem>>
      %dma_wait3A_203 = tpu.memref_slice %arg8[%add3A_69] : memref<327680xf32, #tpu.memory_space<vmem_shared>> -> memref<640xf32, #tpu.memory_space<vmem_shared>>
      tpu.wait_dma2 semaphore(%run_scoped3A : memref<!tpu.dma_semaphore, #tpu.memory_space<semaphore_mem>>) src(%dma_wait3A_203 : memref<640xf32, #tpu.memory_space<vmem_shared>>) dst(%dma_wait3A_202 : memref<640xf32, #tpu.memory_space<vmem>>)
      tpu.yield
    }) : () -> ()
    %mul3A_70 = arith.constant 640 : i32
    %mul3A_71 = arith.muli %arg1, %mul3A_70 : i32
    %add3A_72 = arith.constant 163840 : i32
    %add3A_73 = arith.addi %add3A_72, %mul3A_71 : i32
    "tpu.region"() ({
      %run_scoped3A = tpu.sem_alloc : memref<!tpu.dma_semaphore, #tpu.memory_space<semaphore_mem>>
      %dma_start3A = arith.constant 5120 : i32
      %dma_start3A_194 = tpu.memref_slice %arg9[%dma_start3A] : memref<10240xf32, #tpu.memory_space<vmem>> -> memref<640xf32, #tpu.memory_space<vmem>>
      %dma_start3A_195 = tpu.memref_slice %arg8[%add3A_73] : memref<327680xf32, #tpu.memory_space<vmem_shared>> -> memref<640xf32, #tpu.memory_space<vmem_shared>>
      %dma_start3A_196 = arith.constant 5120 : i32
      %dma_start3A_197 = tpu.memref_slice %arg9[%dma_start3A_196] : memref<10240xf32, #tpu.memory_space<vmem>> -> memref<640xf32, #tpu.memory_space<vmem>>
      %dma_start3A_198 = tpu.memref_slice %arg8[%add3A_73] : memref<327680xf32, #tpu.memory_space<vmem_shared>> -> memref<640xf32, #tpu.memory_space<vmem_shared>>
      tpu.enqueue_dma source(%dma_start3A_198 : memref<640xf32, #tpu.memory_space<vmem_shared>>) target(%dma_start3A_197 : memref<640xf32, #tpu.memory_space<vmem>>) target_semaphore(%run_scoped3A : memref<!tpu.dma_semaphore, #tpu.memory_space<semaphore_mem>>)
      %dma_wait3A = arith.constant 5120 : i32
      %dma_wait3A_199 = tpu.memref_slice %arg9[%dma_wait3A] : memref<10240xf32, #tpu.memory_space<vmem>> -> memref<640xf32, #tpu.memory_space<vmem>>
      %dma_wait3A_200 = tpu.memref_slice %arg8[%add3A_73] : memref<327680xf32, #tpu.memory_space<vmem_shared>> -> memref<640xf32, #tpu.memory_space<vmem_shared>>
      %dma_wait3A_201 = arith.constant 5120 : i32
      %dma_wait3A_202 = tpu.memref_slice %arg9[%dma_wait3A_201] : memref<10240xf32, #tpu.memory_space<vmem>> -> memref<640xf32, #tpu.memory_space<vmem>>
      %dma_wait3A_203 = tpu.memref_slice %arg8[%add3A_73] : memref<327680xf32, #tpu.memory_space<vmem_shared>> -> memref<640xf32, #tpu.memory_space<vmem_shared>>
      tpu.wait_dma2 semaphore(%run_scoped3A : memref<!tpu.dma_semaphore, #tpu.memory_space<semaphore_mem>>) src(%dma_wait3A_203 : memref<640xf32, #tpu.memory_space<vmem_shared>>) dst(%dma_wait3A_202 : memref<640xf32, #tpu.memory_space<vmem>>)
      tpu.yield
    }) : () -> ()
    %mul3A_74 = arith.constant 640 : i32
    %mul3A_75 = arith.muli %arg1, %mul3A_74 : i32
    %add3A_76 = arith.constant 184320 : i32
    %add3A_77 = arith.addi %add3A_76, %mul3A_75 : i32
    "tpu.region"() ({
      %run_scoped3A = tpu.sem_alloc : memref<!tpu.dma_semaphore, #tpu.memory_space<semaphore_mem>>
      %dma_start3A = arith.constant 5760 : i32
      %dma_start3A_194 = tpu.memref_slice %arg9[%dma_start3A] : memref<10240xf32, #tpu.memory_space<vmem>> -> memref<640xf32, #tpu.memory_space<vmem>>
      %dma_start3A_195 = tpu.memref_slice %arg8[%add3A_77] : memref<327680xf32, #tpu.memory_space<vmem_shared>> -> memref<640xf32, #tpu.memory_space<vmem_shared>>
      %dma_start3A_196 = arith.constant 5760 : i32
      %dma_start3A_197 = tpu.memref_slice %arg9[%dma_start3A_196] : memref<10240xf32, #tpu.memory_space<vmem>> -> memref<640xf32, #tpu.memory_space<vmem>>
      %dma_start3A_198 = tpu.memref_slice %arg8[%add3A_77] : memref<327680xf32, #tpu.memory_space<vmem_shared>> -> memref<640xf32, #tpu.memory_space<vmem_shared>>
      tpu.enqueue_dma source(%dma_start3A_198 : memref<640xf32, #tpu.memory_space<vmem_shared>>) target(%dma_start3A_197 : memref<640xf32, #tpu.memory_space<vmem>>) target_semaphore(%run_scoped3A : memref<!tpu.dma_semaphore, #tpu.memory_space<semaphore_mem>>)
      %dma_wait3A = arith.constant 5760 : i32
      %dma_wait3A_199 = tpu.memref_slice %arg9[%dma_wait3A] : memref<10240xf32, #tpu.memory_space<vmem>> -> memref<640xf32, #tpu.memory_space<vmem>>
      %dma_wait3A_200 = tpu.memref_slice %arg8[%add3A_77] : memref<327680xf32, #tpu.memory_space<vmem_shared>> -> memref<640xf32, #tpu.memory_space<vmem_shared>>
      %dma_wait3A_201 = arith.constant 5760 : i32
      %dma_wait3A_202 = tpu.memref_slice %arg9[%dma_wait3A_201] : memref<10240xf32, #tpu.memory_space<vmem>> -> memref<640xf32, #tpu.memory_space<vmem>>
      %dma_wait3A_203 = tpu.memref_slice %arg8[%add3A_77] : memref<327680xf32, #tpu.memory_space<vmem_shared>> -> memref<640xf32, #tpu.memory_space<vmem_shared>>
      tpu.wait_dma2 semaphore(%run_scoped3A : memref<!tpu.dma_semaphore, #tpu.memory_space<semaphore_mem>>) src(%dma_wait3A_203 : memref<640xf32, #tpu.memory_space<vmem_shared>>) dst(%dma_wait3A_202 : memref<640xf32, #tpu.memory_space<vmem>>)
      tpu.yield
    }) : () -> ()
    %mul3A_78 = arith.constant 640 : i32
    %mul3A_79 = arith.muli %arg1, %mul3A_78 : i32
    %add3A_80 = arith.constant 204800 : i32
    %add3A_81 = arith.addi %add3A_80, %mul3A_79 : i32
    "tpu.region"() ({
      %run_scoped3A = tpu.sem_alloc : memref<!tpu.dma_semaphore, #tpu.memory_space<semaphore_mem>>
      %dma_start3A = arith.constant 6400 : i32
      %dma_start3A_194 = tpu.memref_slice %arg9[%dma_start3A] : memref<10240xf32, #tpu.memory_space<vmem>> -> memref<640xf32, #tpu.memory_space<vmem>>
      %dma_start3A_195 = tpu.memref_slice %arg8[%add3A_81] : memref<327680xf32, #tpu.memory_space<vmem_shared>> -> memref<640xf32, #tpu.memory_space<vmem_shared>>
      %dma_start3A_196 = arith.constant 6400 : i32
      %dma_start3A_197 = tpu.memref_slice %arg9[%dma_start3A_196] : memref<10240xf32, #tpu.memory_space<vmem>> -> memref<640xf32, #tpu.memory_space<vmem>>
      %dma_start3A_198 = tpu.memref_slice %arg8[%add3A_81] : memref<327680xf32, #tpu.memory_space<vmem_shared>> -> memref<640xf32, #tpu.memory_space<vmem_shared>>
      tpu.enqueue_dma source(%dma_start3A_198 : memref<640xf32, #tpu.memory_space<vmem_shared>>) target(%dma_start3A_197 : memref<640xf32, #tpu.memory_space<vmem>>) target_semaphore(%run_scoped3A : memref<!tpu.dma_semaphore, #tpu.memory_space<semaphore_mem>>)
      %dma_wait3A = arith.constant 6400 : i32
      %dma_wait3A_199 = tpu.memref_slice %arg9[%dma_wait3A] : memref<10240xf32, #tpu.memory_space<vmem>> -> memref<640xf32, #tpu.memory_space<vmem>>
      %dma_wait3A_200 = tpu.memref_slice %arg8[%add3A_81] : memref<327680xf32, #tpu.memory_space<vmem_shared>> -> memref<640xf32, #tpu.memory_space<vmem_shared>>
      %dma_wait3A_201 = arith.constant 6400 : i32
      %dma_wait3A_202 = tpu.memref_slice %arg9[%dma_wait3A_201] : memref<10240xf32, #tpu.memory_space<vmem>> -> memref<640xf32, #tpu.memory_space<vmem>>
      %dma_wait3A_203 = tpu.memref_slice %arg8[%add3A_81] : memref<327680xf32, #tpu.memory_space<vmem_shared>> -> memref<640xf32, #tpu.memory_space<vmem_shared>>
      tpu.wait_dma2 semaphore(%run_scoped3A : memref<!tpu.dma_semaphore, #tpu.memory_space<semaphore_mem>>) src(%dma_wait3A_203 : memref<640xf32, #tpu.memory_space<vmem_shared>>) dst(%dma_wait3A_202 : memref<640xf32, #tpu.memory_space<vmem>>)
      tpu.yield
    }) : () -> ()
    %mul3A_82 = arith.constant 640 : i32
    %mul3A_83 = arith.muli %arg1, %mul3A_82 : i32
    %add3A_84 = arith.constant 225280 : i32
    %add3A_85 = arith.addi %add3A_84, %mul3A_83 : i32
    "tpu.region"() ({
      %run_scoped3A = tpu.sem_alloc : memref<!tpu.dma_semaphore, #tpu.memory_space<semaphore_mem>>
      %dma_start3A = arith.constant 7040 : i32
      %dma_start3A_194 = tpu.memref_slice %arg9[%dma_start3A] : memref<10240xf32, #tpu.memory_space<vmem>> -> memref<640xf32, #tpu.memory_space<vmem>>
      %dma_start3A_195 = tpu.memref_slice %arg8[%add3A_85] : memref<327680xf32, #tpu.memory_space<vmem_shared>> -> memref<640xf32, #tpu.memory_space<vmem_shared>>
      %dma_start3A_196 = arith.constant 7040 : i32
      %dma_start3A_197 = tpu.memref_slice %arg9[%dma_start3A_196] : memref<10240xf32, #tpu.memory_space<vmem>> -> memref<640xf32, #tpu.memory_space<vmem>>
      %dma_start3A_198 = tpu.memref_slice %arg8[%add3A_85] : memref<327680xf32, #tpu.memory_space<vmem_shared>> -> memref<640xf32, #tpu.memory_space<vmem_shared>>
      tpu.enqueue_dma source(%dma_start3A_198 : memref<640xf32, #tpu.memory_space<vmem_shared>>) target(%dma_start3A_197 : memref<640xf32, #tpu.memory_space<vmem>>) target_semaphore(%run_scoped3A : memref<!tpu.dma_semaphore, #tpu.memory_space<semaphore_mem>>)
      %dma_wait3A = arith.constant 7040 : i32
      %dma_wait3A_199 = tpu.memref_slice %arg9[%dma_wait3A] : memref<10240xf32, #tpu.memory_space<vmem>> -> memref<640xf32, #tpu.memory_space<vmem>>
      %dma_wait3A_200 = tpu.memref_slice %arg8[%add3A_85] : memref<327680xf32, #tpu.memory_space<vmem_shared>> -> memref<640xf32, #tpu.memory_space<vmem_shared>>
      %dma_wait3A_201 = arith.constant 7040 : i32
      %dma_wait3A_202 = tpu.memref_slice %arg9[%dma_wait3A_201] : memref<10240xf32, #tpu.memory_space<vmem>> -> memref<640xf32, #tpu.memory_space<vmem>>
      %dma_wait3A_203 = tpu.memref_slice %arg8[%add3A_85] : memref<327680xf32, #tpu.memory_space<vmem_shared>> -> memref<640xf32, #tpu.memory_space<vmem_shared>>
      tpu.wait_dma2 semaphore(%run_scoped3A : memref<!tpu.dma_semaphore, #tpu.memory_space<semaphore_mem>>) src(%dma_wait3A_203 : memref<640xf32, #tpu.memory_space<vmem_shared>>) dst(%dma_wait3A_202 : memref<640xf32, #tpu.memory_space<vmem>>)
      tpu.yield
    }) : () -> ()
    %mul3A_86 = arith.constant 640 : i32
    %mul3A_87 = arith.muli %arg1, %mul3A_86 : i32
    %add3A_88 = arith.constant 245760 : i32
    %add3A_89 = arith.addi %add3A_88, %mul3A_87 : i32
    "tpu.region"() ({
      %run_scoped3A = tpu.sem_alloc : memref<!tpu.dma_semaphore, #tpu.memory_space<semaphore_mem>>
      %dma_start3A = arith.constant 7680 : i32
      %dma_start3A_194 = tpu.memref_slice %arg9[%dma_start3A] : memref<10240xf32, #tpu.memory_space<vmem>> -> memref<640xf32, #tpu.memory_space<vmem>>
      %dma_start3A_195 = tpu.memref_slice %arg8[%add3A_89] : memref<327680xf32, #tpu.memory_space<vmem_shared>> -> memref<640xf32, #tpu.memory_space<vmem_shared>>
      %dma_start3A_196 = arith.constant 7680 : i32
      %dma_start3A_197 = tpu.memref_slice %arg9[%dma_start3A_196] : memref<10240xf32, #tpu.memory_space<vmem>> -> memref<640xf32, #tpu.memory_space<vmem>>
      %dma_start3A_198 = tpu.memref_slice %arg8[%add3A_89] : memref<327680xf32, #tpu.memory_space<vmem_shared>> -> memref<640xf32, #tpu.memory_space<vmem_shared>>
      tpu.enqueue_dma source(%dma_start3A_198 : memref<640xf32, #tpu.memory_space<vmem_shared>>) target(%dma_start3A_197 : memref<640xf32, #tpu.memory_space<vmem>>) target_semaphore(%run_scoped3A : memref<!tpu.dma_semaphore, #tpu.memory_space<semaphore_mem>>)
      %dma_wait3A = arith.constant 7680 : i32
      %dma_wait3A_199 = tpu.memref_slice %arg9[%dma_wait3A] : memref<10240xf32, #tpu.memory_space<vmem>> -> memref<640xf32, #tpu.memory_space<vmem>>
      %dma_wait3A_200 = tpu.memref_slice %arg8[%add3A_89] : memref<327680xf32, #tpu.memory_space<vmem_shared>> -> memref<640xf32, #tpu.memory_space<vmem_shared>>
      %dma_wait3A_201 = arith.constant 7680 : i32
      %dma_wait3A_202 = tpu.memref_slice %arg9[%dma_wait3A_201] : memref<10240xf32, #tpu.memory_space<vmem>> -> memref<640xf32, #tpu.memory_space<vmem>>
      %dma_wait3A_203 = tpu.memref_slice %arg8[%add3A_89] : memref<327680xf32, #tpu.memory_space<vmem_shared>> -> memref<640xf32, #tpu.memory_space<vmem_shared>>
      tpu.wait_dma2 semaphore(%run_scoped3A : memref<!tpu.dma_semaphore, #tpu.memory_space<semaphore_mem>>) src(%dma_wait3A_203 : memref<640xf32, #tpu.memory_space<vmem_shared>>) dst(%dma_wait3A_202 : memref<640xf32, #tpu.memory_space<vmem>>)
      tpu.yield
    }) : () -> ()
    %mul3A_90 = arith.constant 640 : i32
    %mul3A_91 = arith.muli %arg1, %mul3A_90 : i32
    %add3A_92 = arith.constant 266240 : i32
    %add3A_93 = arith.addi %add3A_92, %mul3A_91 : i32
    "tpu.region"() ({
      %run_scoped3A = tpu.sem_alloc : memref<!tpu.dma_semaphore, #tpu.memory_space<semaphore_mem>>
      %dma_start3A = arith.constant 8320 : i32
      %dma_start3A_194 = tpu.memref_slice %arg9[%dma_start3A] : memref<10240xf32, #tpu.memory_space<vmem>> -> memref<640xf32, #tpu.memory_space<vmem>>
      %dma_start3A_195 = tpu.memref_slice %arg8[%add3A_93] : memref<327680xf32, #tpu.memory_space<vmem_shared>> -> memref<640xf32, #tpu.memory_space<vmem_shared>>
      %dma_start3A_196 = arith.constant 8320 : i32
      %dma_start3A_197 = tpu.memref_slice %arg9[%dma_start3A_196] : memref<10240xf32, #tpu.memory_space<vmem>> -> memref<640xf32, #tpu.memory_space<vmem>>
      %dma_start3A_198 = tpu.memref_slice %arg8[%add3A_93] : memref<327680xf32, #tpu.memory_space<vmem_shared>> -> memref<640xf32, #tpu.memory_space<vmem_shared>>
      tpu.enqueue_dma source(%dma_start3A_198 : memref<640xf32, #tpu.memory_space<vmem_shared>>) target(%dma_start3A_197 : memref<640xf32, #tpu.memory_space<vmem>>) target_semaphore(%run_scoped3A : memref<!tpu.dma_semaphore, #tpu.memory_space<semaphore_mem>>)
      %dma_wait3A = arith.constant 8320 : i32
      %dma_wait3A_199 = tpu.memref_slice %arg9[%dma_wait3A] : memref<10240xf32, #tpu.memory_space<vmem>> -> memref<640xf32, #tpu.memory_space<vmem>>
      %dma_wait3A_200 = tpu.memref_slice %arg8[%add3A_93] : memref<327680xf32, #tpu.memory_space<vmem_shared>> -> memref<640xf32, #tpu.memory_space<vmem_shared>>
      %dma_wait3A_201 = arith.constant 8320 : i32
      %dma_wait3A_202 = tpu.memref_slice %arg9[%dma_wait3A_201] : memref<10240xf32, #tpu.memory_space<vmem>> -> memref<640xf32, #tpu.memory_space<vmem>>
      %dma_wait3A_203 = tpu.memref_slice %arg8[%add3A_93] : memref<327680xf32, #tpu.memory_space<vmem_shared>> -> memref<640xf32, #tpu.memory_space<vmem_shared>>
      tpu.wait_dma2 semaphore(%run_scoped3A : memref<!tpu.dma_semaphore, #tpu.memory_space<semaphore_mem>>) src(%dma_wait3A_203 : memref<640xf32, #tpu.memory_space<vmem_shared>>) dst(%dma_wait3A_202 : memref<640xf32, #tpu.memory_space<vmem>>)
      tpu.yield
    }) : () -> ()
    %mul3A_94 = arith.constant 640 : i32
    %mul3A_95 = arith.muli %arg1, %mul3A_94 : i32
    %add3A_96 = arith.constant 286720 : i32
    %add3A_97 = arith.addi %add3A_96, %mul3A_95 : i32
    "tpu.region"() ({
      %run_scoped3A = tpu.sem_alloc : memref<!tpu.dma_semaphore, #tpu.memory_space<semaphore_mem>>
      %dma_start3A = arith.constant 8960 : i32
      %dma_start3A_194 = tpu.memref_slice %arg9[%dma_start3A] : memref<10240xf32, #tpu.memory_space<vmem>> -> memref<640xf32, #tpu.memory_space<vmem>>
      %dma_start3A_195 = tpu.memref_slice %arg8[%add3A_97] : memref<327680xf32, #tpu.memory_space<vmem_shared>> -> memref<640xf32, #tpu.memory_space<vmem_shared>>
      %dma_start3A_196 = arith.constant 8960 : i32
      %dma_start3A_197 = tpu.memref_slice %arg9[%dma_start3A_196] : memref<10240xf32, #tpu.memory_space<vmem>> -> memref<640xf32, #tpu.memory_space<vmem>>
      %dma_start3A_198 = tpu.memref_slice %arg8[%add3A_97] : memref<327680xf32, #tpu.memory_space<vmem_shared>> -> memref<640xf32, #tpu.memory_space<vmem_shared>>
      tpu.enqueue_dma source(%dma_start3A_198 : memref<640xf32, #tpu.memory_space<vmem_shared>>) target(%dma_start3A_197 : memref<640xf32, #tpu.memory_space<vmem>>) target_semaphore(%run_scoped3A : memref<!tpu.dma_semaphore, #tpu.memory_space<semaphore_mem>>)
      %dma_wait3A = arith.constant 8960 : i32
      %dma_wait3A_199 = tpu.memref_slice %arg9[%dma_wait3A] : memref<10240xf32, #tpu.memory_space<vmem>> -> memref<640xf32, #tpu.memory_space<vmem>>
      %dma_wait3A_200 = tpu.memref_slice %arg8[%add3A_97] : memref<327680xf32, #tpu.memory_space<vmem_shared>> -> memref<640xf32, #tpu.memory_space<vmem_shared>>
      %dma_wait3A_201 = arith.constant 8960 : i32
      %dma_wait3A_202 = tpu.memref_slice %arg9[%dma_wait3A_201] : memref<10240xf32, #tpu.memory_space<vmem>> -> memref<640xf32, #tpu.memory_space<vmem>>
      %dma_wait3A_203 = tpu.memref_slice %arg8[%add3A_97] : memref<327680xf32, #tpu.memory_space<vmem_shared>> -> memref<640xf32, #tpu.memory_space<vmem_shared>>
      tpu.wait_dma2 semaphore(%run_scoped3A : memref<!tpu.dma_semaphore, #tpu.memory_space<semaphore_mem>>) src(%dma_wait3A_203 : memref<640xf32, #tpu.memory_space<vmem_shared>>) dst(%dma_wait3A_202 : memref<640xf32, #tpu.memory_space<vmem>>)
      tpu.yield
    }) : () -> ()
    %mul3A_98 = arith.constant 640 : i32
    %mul3A_99 = arith.muli %arg1, %mul3A_98 : i32
    %add3A_100 = arith.constant 307200 : i32
    %add3A_101 = arith.addi %add3A_100, %mul3A_99 : i32
    "tpu.region"() ({
      %run_scoped3A = tpu.sem_alloc : memref<!tpu.dma_semaphore, #tpu.memory_space<semaphore_mem>>
      %dma_start3A = arith.constant 9600 : i32
      %dma_start3A_194 = tpu.memref_slice %arg9[%dma_start3A] : memref<10240xf32, #tpu.memory_space<vmem>> -> memref<640xf32, #tpu.memory_space<vmem>>
      %dma_start3A_195 = tpu.memref_slice %arg8[%add3A_101] : memref<327680xf32, #tpu.memory_space<vmem_shared>> -> memref<640xf32, #tpu.memory_space<vmem_shared>>
      %dma_start3A_196 = arith.constant 9600 : i32
      %dma_start3A_197 = tpu.memref_slice %arg9[%dma_start3A_196] : memref<10240xf32, #tpu.memory_space<vmem>> -> memref<640xf32, #tpu.memory_space<vmem>>
      %dma_start3A_198 = tpu.memref_slice %arg8[%add3A_101] : memref<327680xf32, #tpu.memory_space<vmem_shared>> -> memref<640xf32, #tpu.memory_space<vmem_shared>>
      tpu.enqueue_dma source(%dma_start3A_198 : memref<640xf32, #tpu.memory_space<vmem_shared>>) target(%dma_start3A_197 : memref<640xf32, #tpu.memory_space<vmem>>) target_semaphore(%run_scoped3A : memref<!tpu.dma_semaphore, #tpu.memory_space<semaphore_mem>>)
      %dma_wait3A = arith.constant 9600 : i32
      %dma_wait3A_199 = tpu.memref_slice %arg9[%dma_wait3A] : memref<10240xf32, #tpu.memory_space<vmem>> -> memref<640xf32, #tpu.memory_space<vmem>>
      %dma_wait3A_200 = tpu.memref_slice %arg8[%add3A_101] : memref<327680xf32, #tpu.memory_space<vmem_shared>> -> memref<640xf32, #tpu.memory_space<vmem_shared>>
      %dma_wait3A_201 = arith.constant 9600 : i32
      %dma_wait3A_202 = tpu.memref_slice %arg9[%dma_wait3A_201] : memref<10240xf32, #tpu.memory_space<vmem>> -> memref<640xf32, #tpu.memory_space<vmem>>
      %dma_wait3A_203 = tpu.memref_slice %arg8[%add3A_101] : memref<327680xf32, #tpu.memory_space<vmem_shared>> -> memref<640xf32, #tpu.memory_space<vmem_shared>>
      tpu.wait_dma2 semaphore(%run_scoped3A : memref<!tpu.dma_semaphore, #tpu.memory_space<semaphore_mem>>) src(%dma_wait3A_203 : memref<640xf32, #tpu.memory_space<vmem_shared>>) dst(%dma_wait3A_202 : memref<640xf32, #tpu.memory_space<vmem>>)
      tpu.yield
    }) : () -> ()
    %scan3A_102 = arith.constant 0 : i32
    %scan3A_103 = arith.constant 40 : i32
    %scan3A_104 = arith.addi %scan3A_102, %scan3A_103 : i32
    %scan3A_105 = arith.constant 1 : i32
    scf.for %scan3A_194 = %scan3A_102 to %scan3A_104 step %scan3A_105  : i32 {
      %mul3A_195 = arith.constant 16 : i32
      %mul3A_196 = arith.muli %scan3A_194, %mul3A_195 : i32
      %get3A = arith.index_cast %mul3A_196 : i32 to index
      %get3A_197 = tpu.vector_load %arg9[%get3A] {strides = array<i32>} : memref<10240xf32, #tpu.memory_space<vmem>>, vector<16xf32>,
      %mul3A_198 = arith.constant 16 : i32
      %mul3A_199 = arith.muli %scan3A_194, %mul3A_198 : i32
      %add3A_200 = arith.constant 640 : i32
      %add3A_201 = arith.addi %add3A_200, %mul3A_199 : i32
      %get3A_202 = arith.index_cast %add3A_201 : i32 to index
      %get3A_203 = tpu.vector_load %arg9[%get3A_202] {strides = array<i32>} : memref<10240xf32, #tpu.memory_space<vmem>>, vector<16xf32>,
      %add3A_204 = arith.addf %get3A_197, %get3A_203 : vector<16xf32>
      %mul3A_205 = arith.constant 16 : i32
      %mul3A_206 = arith.muli %scan3A_194, %mul3A_205 : i32
      %add3A_207 = arith.constant 1280 : i32
      %add3A_208 = arith.addi %add3A_207, %mul3A_206 : i32
      %get3A_209 = arith.index_cast %add3A_208 : i32 to index
      %get3A_210 = tpu.vector_load %arg9[%get3A_209] {strides = array<i32>} : memref<10240xf32, #tpu.memory_space<vmem>>, vector<16xf32>,
      %add3A_211 = arith.addf %add3A_204, %get3A_210 : vector<16xf32>
      %mul3A_212 = arith.constant 16 : i32
      %mul3A_213 = arith.muli %scan3A_194, %mul3A_212 : i32
      %add3A_214 = arith.constant 1920 : i32
      %add3A_215 = arith.addi %add3A_214, %mul3A_213 : i32
      %get3A_216 = arith.index_cast %add3A_215 : i32 to index
      %get3A_217 = tpu.vector_load %arg9[%get3A_216] {strides = array<i32>} : memref<10240xf32, #tpu.memory_space<vmem>>, vector<16xf32>,
      %add3A_218 = arith.addf %add3A_211, %get3A_217 : vector<16xf32>
      %mul3A_219 = arith.constant 16 : i32
      %mul3A_220 = arith.muli %scan3A_194, %mul3A_219 : i32
      %add3A_221 = arith.constant 2560 : i32
      %add3A_222 = arith.addi %add3A_221, %mul3A_220 : i32
      %get3A_223 = arith.index_cast %add3A_222 : i32 to index
      %get3A_224 = tpu.vector_load %arg9[%get3A_223] {strides = array<i32>} : memref<10240xf32, #tpu.memory_space<vmem>>, vector<16xf32>,
      %add3A_225 = arith.addf %add3A_218, %get3A_224 : vector<16xf32>
      %mul3A_226 = arith.constant 16 : i32
      %mul3A_227 = arith.muli %scan3A_194, %mul3A_226 : i32
      %add3A_228 = arith.constant 3200 : i32
      %add3A_229 = arith.addi %add3A_228, %mul3A_227 : i32
      %get3A_230 = arith.index_cast %add3A_229 : i32 to index
      %get3A_231 = tpu.vector_load %arg9[%get3A_230] {strides = array<i32>} : memref<10240xf32, #tpu.memory_space<vmem>>, vector<16xf32>,
      %add3A_232 = arith.addf %add3A_225, %get3A_231 : vector<16xf32>
      %mul3A_233 = arith.constant 16 : i32
      %mul3A_234 = arith.muli %scan3A_194, %mul3A_233 : i32
      %add3A_235 = arith.constant 3840 : i32
      %add3A_236 = arith.addi %add3A_235, %mul3A_234 : i32
      %get3A_237 = arith.index_cast %add3A_236 : i32 to index
      %get3A_238 = tpu.vector_load %arg9[%get3A_237] {strides = array<i32>} : memref<10240xf32, #tpu.memory_space<vmem>>, vector<16xf32>,
      %add3A_239 = arith.addf %add3A_232, %get3A_238 : vector<16xf32>
      %mul3A_240 = arith.constant 16 : i32
      %mul3A_241 = arith.muli %scan3A_194, %mul3A_240 : i32
      %add3A_242 = arith.constant 4480 : i32
      %add3A_243 = arith.addi %add3A_242, %mul3A_241 : i32
      %get3A_244 = arith.index_cast %add3A_243 : i32 to index
      %get3A_245 = tpu.vector_load %arg9[%get3A_244] {strides = array<i32>} : memref<10240xf32, #tpu.memory_space<vmem>>, vector<16xf32>,
      %add3A_246 = arith.addf %add3A_239, %get3A_245 : vector<16xf32>
      %mul3A_247 = arith.constant 16 : i32
      %mul3A_248 = arith.muli %scan3A_194, %mul3A_247 : i32
      %add3A_249 = arith.constant 5120 : i32
      %add3A_250 = arith.addi %add3A_249, %mul3A_248 : i32
      %get3A_251 = arith.index_cast %add3A_250 : i32 to index
      %get3A_252 = tpu.vector_load %arg9[%get3A_251] {strides = array<i32>} : memref<10240xf32, #tpu.memory_space<vmem>>, vector<16xf32>,
      %add3A_253 = arith.addf %add3A_246, %get3A_252 : vector<16xf32>
      %mul3A_254 = arith.constant 16 : i32
      %mul3A_255 = arith.muli %scan3A_194, %mul3A_254 : i32
      %add3A_256 = arith.constant 5760 : i32
      %add3A_257 = arith.addi %add3A_256, %mul3A_255 : i32
      %get3A_258 = arith.index_cast %add3A_257 : i32 to index
      %get3A_259 = tpu.vector_load %arg9[%get3A_258] {strides = array<i32>} : memref<10240xf32, #tpu.memory_space<vmem>>, vector<16xf32>,
      %add3A_260 = arith.addf %add3A_253, %get3A_259 : vector<16xf32>
      %mul3A_261 = arith.constant 16 : i32
      %mul3A_262 = arith.muli %scan3A_194, %mul3A_261 : i32
      %add3A_263 = arith.constant 6400 : i32
      %add3A_264 = arith.addi %add3A_263, %mul3A_262 : i32
      %get3A_265 = arith.index_cast %add3A_264 : i32 to index
      %get3A_266 = tpu.vector_load %arg9[%get3A_265] {strides = array<i32>} : memref<10240xf32, #tpu.memory_space<vmem>>, vector<16xf32>,
      %add3A_267 = arith.addf %add3A_260, %get3A_266 : vector<16xf32>
      %mul3A_268 = arith.constant 16 : i32
      %mul3A_269 = arith.muli %scan3A_194, %mul3A_268 : i32
      %add3A_270 = arith.constant 7040 : i32
      %add3A_271 = arith.addi %add3A_270, %mul3A_269 : i32
      %get3A_272 = arith.index_cast %add3A_271 : i32 to index
      %get3A_273 = tpu.vector_load %arg9[%get3A_272] {strides = array<i32>} : memref<10240xf32, #tpu.memory_space<vmem>>, vector<16xf32>,
      %add3A_274 = arith.addf %add3A_267, %get3A_273 : vector<16xf32>
      %mul3A_275 = arith.constant 16 : i32
      %mul3A_276 = arith.muli %scan3A_194, %mul3A_275 : i32
      %add3A_277 = arith.constant 7680 : i32
      %add3A_278 = arith.addi %add3A_277, %mul3A_276 : i32
      %get3A_279 = arith.index_cast %add3A_278 : i32 to index
      %get3A_280 = tpu.vector_load %arg9[%get3A_279] {strides = array<i32>} : memref<10240xf32, #tpu.memory_space<vmem>>, vector<16xf32>,
      %add3A_281 = arith.addf %add3A_274, %get3A_280 : vector<16xf32>
      %mul3A_282 = arith.constant 16 : i32
      %mul3A_283 = arith.muli %scan3A_194, %mul3A_282 : i32
      %add3A_284 = arith.constant 8320 : i32
      %add3A_285 = arith.addi %add3A_284, %mul3A_283 : i32
      %get3A_286 = arith.index_cast %add3A_285 : i32 to index
      %get3A_287 = tpu.vector_load %arg9[%get3A_286] {strides = array<i32>} : memref<10240xf32, #tpu.memory_space<vmem>>, vector<16xf32>,
      %add3A_288 = arith.addf %add3A_281, %get3A_287 : vector<16xf32>
      %mul3A_289 = arith.constant 16 : i32
      %mul3A_290 = arith.muli %scan3A_194, %mul3A_289 : i32
      %add3A_291 = arith.constant 8960 : i32
      %add3A_292 = arith.addi %add3A_291, %mul3A_290 : i32
      %get3A_293 = arith.index_cast %add3A_292 : i32 to index
      %get3A_294 = tpu.vector_load %arg9[%get3A_293] {strides = array<i32>} : memref<10240xf32, #tpu.memory_space<vmem>>, vector<16xf32>,
      %add3A_295 = arith.addf %add3A_288, %get3A_294 : vector<16xf32>
      %mul3A_296 = arith.constant 16 : i32
      %mul3A_297 = arith.muli %scan3A_194, %mul3A_296 : i32
      %add3A_298 = arith.constant 9600 : i32
      %add3A_299 = arith.addi %add3A_298, %mul3A_297 : i32
      %get3A_300 = arith.index_cast %add3A_299 : i32 to index
      %get3A_301 = tpu.vector_load %arg9[%get3A_300] {strides = array<i32>} : memref<10240xf32, #tpu.memory_space<vmem>>, vector<16xf32>,
      %add3A_302 = arith.addf %add3A_295, %get3A_301 : vector<16xf32>
      %mul3A_303 = arith.constant 16 : i32
      %mul3A_304 = arith.muli %scan3A_194, %mul3A_303 : i32
      %swap3A = arith.index_cast %mul3A_304 : i32 to index
      %swap3A_305 = tpu.vector_load %arg10[%swap3A] {strides = array<i32>} : memref<640xf32, #tpu.memory_space<vmem>>, vector<16xf32>,
      tpu.vector_store %arg10[%swap3A], %add3A_302 {strides = array<i32>} : memref<640xf32, #tpu.memory_space<vmem>>, vector<16xf32>,
    }
    %scan3A_106 = arith.constant 40 : i32
    %mul3A_107 = arith.constant 2 : i32
    %mul3A_108 = arith.muli %arg0, %mul3A_107 : i32
    %add3A_109 = arith.constant 0 : i32
    %add3A_110 = arith.addi %mul3A_108, %add3A_109 : i32
    %mul3A_111 = arith.constant 10240 : i32
    %mul3A_112 = arith.muli %add3A_110, %mul3A_111 : i32
    %mul3A_113 = arith.constant 640 : i32
    %mul3A_114 = arith.muli %arg1, %mul3A_113 : i32
    %add3A_115 = arith.addi %mul3A_112, %mul3A_114 : i32
    "tpu.region"() ({
      %run_scoped3A = tpu.sem_alloc : memref<!tpu.dma_semaphore, #tpu.memory_space<semaphore_mem>>
      %dma_start3A = tpu.memref_slice %arg3[%add3A_115] : memref<40960xf32, #tpu.memory_space<hbm>> -> memref<640xf32, #tpu.memory_space<hbm>>
      %dma_start3A_194 = tpu.memref_slice %arg3[%add3A_115] : memref<40960xf32, #tpu.memory_space<hbm>> -> memref<640xf32, #tpu.memory_space<hbm>>
      tpu.enqueue_dma source(%arg10 : memref<640xf32, #tpu.memory_space<vmem>>) target(%dma_start3A_194 : memref<640xf32, #tpu.memory_space<hbm>>) target_semaphore(%run_scoped3A : memref<!tpu.dma_semaphore, #tpu.memory_space<semaphore_mem>>)
      %dma_wait3A = tpu.memref_slice %arg3[%add3A_115] : memref<40960xf32, #tpu.memory_space<hbm>> -> memref<640xf32, #tpu.memory_space<hbm>>
      %dma_wait3A_195 = tpu.memref_slice %arg3[%add3A_115] : memref<40960xf32, #tpu.memory_space<hbm>> -> memref<640xf32, #tpu.memory_space<hbm>>
      tpu.wait_dma2 semaphore(%run_scoped3A : memref<!tpu.dma_semaphore, #tpu.memory_space<semaphore_mem>>) src(%arg10 : memref<640xf32, #tpu.memory_space<vmem>>) dst(%dma_wait3A_195 : memref<640xf32, #tpu.memory_space<hbm>>)
      tpu.yield
    }) : () -> ()
    %mul3A_116 = arith.constant 640 : i32
    %mul3A_117 = arith.muli %arg1, %mul3A_116 : i32
    %add3A_118 = arith.constant 10240 : i32
    %add3A_119 = arith.addi %add3A_118, %mul3A_117 : i32
    "tpu.region"() ({
      %run_scoped3A = tpu.sem_alloc : memref<!tpu.dma_semaphore, #tpu.memory_space<semaphore_mem>>
      %dma_start3A = arith.constant 0 : i32
      %dma_start3A_194 = tpu.memref_slice %arg9[%dma_start3A] : memref<10240xf32, #tpu.memory_space<vmem>> -> memref<640xf32, #tpu.memory_space<vmem>>
      %dma_start3A_195 = tpu.memref_slice %arg8[%add3A_119] : memref<327680xf32, #tpu.memory_space<vmem_shared>> -> memref<640xf32, #tpu.memory_space<vmem_shared>>
      %dma_start3A_196 = arith.constant 0 : i32
      %dma_start3A_197 = tpu.memref_slice %arg9[%dma_start3A_196] : memref<10240xf32, #tpu.memory_space<vmem>> -> memref<640xf32, #tpu.memory_space<vmem>>
      %dma_start3A_198 = tpu.memref_slice %arg8[%add3A_119] : memref<327680xf32, #tpu.memory_space<vmem_shared>> -> memref<640xf32, #tpu.memory_space<vmem_shared>>
      tpu.enqueue_dma source(%dma_start3A_198 : memref<640xf32, #tpu.memory_space<vmem_shared>>) target(%dma_start3A_197 : memref<640xf32, #tpu.memory_space<vmem>>) target_semaphore(%run_scoped3A : memref<!tpu.dma_semaphore, #tpu.memory_space<semaphore_mem>>)
      %dma_wait3A = arith.constant 0 : i32
      %dma_wait3A_199 = tpu.memref_slice %arg9[%dma_wait3A] : memref<10240xf32, #tpu.memory_space<vmem>> -> memref<640xf32, #tpu.memory_space<vmem>>
      %dma_wait3A_200 = tpu.memref_slice %arg8[%add3A_119] : memref<327680xf32, #tpu.memory_space<vmem_shared>> -> memref<640xf32, #tpu.memory_space<vmem_shared>>
      %dma_wait3A_201 = arith.constant 0 : i32
      %dma_wait3A_202 = tpu.memref_slice %arg9[%dma_wait3A_201] : memref<10240xf32, #tpu.memory_space<vmem>> -> memref<640xf32, #tpu.memory_space<vmem>>
      %dma_wait3A_203 = tpu.memref_slice %arg8[%add3A_119] : memref<327680xf32, #tpu.memory_space<vmem_shared>> -> memref<640xf32, #tpu.memory_space<vmem_shared>>
      tpu.wait_dma2 semaphore(%run_scoped3A : memref<!tpu.dma_semaphore, #tpu.memory_space<semaphore_mem>>) src(%dma_wait3A_203 : memref<640xf32, #tpu.memory_space<vmem_shared>>) dst(%dma_wait3A_202 : memref<640xf32, #tpu.memory_space<vmem>>)
      tpu.yield
    }) : () -> ()
    %mul3A_120 = arith.constant 640 : i32
    %mul3A_121 = arith.muli %arg1, %mul3A_120 : i32
    %add3A_122 = arith.constant 30720 : i32
    %add3A_123 = arith.addi %add3A_122, %mul3A_121 : i32
    "tpu.region"() ({
      %run_scoped3A = tpu.sem_alloc : memref<!tpu.dma_semaphore, #tpu.memory_space<semaphore_mem>>
      %dma_start3A = arith.constant 640 : i32
      %dma_start3A_194 = tpu.memref_slice %arg9[%dma_start3A] : memref<10240xf32, #tpu.memory_space<vmem>> -> memref<640xf32, #tpu.memory_space<vmem>>
      %dma_start3A_195 = tpu.memref_slice %arg8[%add3A_123] : memref<327680xf32, #tpu.memory_space<vmem_shared>> -> memref<640xf32, #tpu.memory_space<vmem_shared>>
      %dma_start3A_196 = arith.constant 640 : i32
      %dma_start3A_197 = tpu.memref_slice %arg9[%dma_start3A_196] : memref<10240xf32, #tpu.memory_space<vmem>> -> memref<640xf32, #tpu.memory_space<vmem>>
      %dma_start3A_198 = tpu.memref_slice %arg8[%add3A_123] : memref<327680xf32, #tpu.memory_space<vmem_shared>> -> memref<640xf32, #tpu.memory_space<vmem_shared>>
      tpu.enqueue_dma source(%dma_start3A_198 : memref<640xf32, #tpu.memory_space<vmem_shared>>) target(%dma_start3A_197 : memref<640xf32, #tpu.memory_space<vmem>>) target_semaphore(%run_scoped3A : memref<!tpu.dma_semaphore, #tpu.memory_space<semaphore_mem>>)
      %dma_wait3A = arith.constant 640 : i32
      %dma_wait3A_199 = tpu.memref_slice %arg9[%dma_wait3A] : memref<10240xf32, #tpu.memory_space<vmem>> -> memref<640xf32, #tpu.memory_space<vmem>>
      %dma_wait3A_200 = tpu.memref_slice %arg8[%add3A_123] : memref<327680xf32, #tpu.memory_space<vmem_shared>> -> memref<640xf32, #tpu.memory_space<vmem_shared>>
      %dma_wait3A_201 = arith.constant 640 : i32
      %dma_wait3A_202 = tpu.memref_slice %arg9[%dma_wait3A_201] : memref<10240xf32, #tpu.memory_space<vmem>> -> memref<640xf32, #tpu.memory_space<vmem>>
      %dma_wait3A_203 = tpu.memref_slice %arg8[%add3A_123] : memref<327680xf32, #tpu.memory_space<vmem_shared>> -> memref<640xf32, #tpu.memory_space<vmem_shared>>
      tpu.wait_dma2 semaphore(%run_scoped3A : memref<!tpu.dma_semaphore, #tpu.memory_space<semaphore_mem>>) src(%dma_wait3A_203 : memref<640xf32, #tpu.memory_space<vmem_shared>>) dst(%dma_wait3A_202 : memref<640xf32, #tpu.memory_space<vmem>>)
      tpu.yield
    }) : () -> ()
    %mul3A_124 = arith.constant 640 : i32
    %mul3A_125 = arith.muli %arg1, %mul3A_124 : i32
    %add3A_126 = arith.constant 51200 : i32
    %add3A_127 = arith.addi %add3A_126, %mul3A_125 : i32
    "tpu.region"() ({
      %run_scoped3A = tpu.sem_alloc : memref<!tpu.dma_semaphore, #tpu.memory_space<semaphore_mem>>
      %dma_start3A = arith.constant 1280 : i32
      %dma_start3A_194 = tpu.memref_slice %arg9[%dma_start3A] : memref<10240xf32, #tpu.memory_space<vmem>> -> memref<640xf32, #tpu.memory_space<vmem>>
      %dma_start3A_195 = tpu.memref_slice %arg8[%add3A_127] : memref<327680xf32, #tpu.memory_space<vmem_shared>> -> memref<640xf32, #tpu.memory_space<vmem_shared>>
      %dma_start3A_196 = arith.constant 1280 : i32
      %dma_start3A_197 = tpu.memref_slice %arg9[%dma_start3A_196] : memref<10240xf32, #tpu.memory_space<vmem>> -> memref<640xf32, #tpu.memory_space<vmem>>
      %dma_start3A_198 = tpu.memref_slice %arg8[%add3A_127] : memref<327680xf32, #tpu.memory_space<vmem_shared>> -> memref<640xf32, #tpu.memory_space<vmem_shared>>
      tpu.enqueue_dma source(%dma_start3A_198 : memref<640xf32, #tpu.memory_space<vmem_shared>>) target(%dma_start3A_197 : memref<640xf32, #tpu.memory_space<vmem>>) target_semaphore(%run_scoped3A : memref<!tpu.dma_semaphore, #tpu.memory_space<semaphore_mem>>)
      %dma_wait3A = arith.constant 1280 : i32
      %dma_wait3A_199 = tpu.memref_slice %arg9[%dma_wait3A] : memref<10240xf32, #tpu.memory_space<vmem>> -> memref<640xf32, #tpu.memory_space<vmem>>
      %dma_wait3A_200 = tpu.memref_slice %arg8[%add3A_127] : memref<327680xf32, #tpu.memory_space<vmem_shared>> -> memref<640xf32, #tpu.memory_space<vmem_shared>>
      %dma_wait3A_201 = arith.constant 1280 : i32
      %dma_wait3A_202 = tpu.memref_slice %arg9[%dma_wait3A_201] : memref<10240xf32, #tpu.memory_space<vmem>> -> memref<640xf32, #tpu.memory_space<vmem>>
      %dma_wait3A_203 = tpu.memref_slice %arg8[%add3A_127] : memref<327680xf32, #tpu.memory_space<vmem_shared>> -> memref<640xf32, #tpu.memory_space<vmem_shared>>
      tpu.wait_dma2 semaphore(%run_scoped3A : memref<!tpu.dma_semaphore, #tpu.memory_space<semaphore_mem>>) src(%dma_wait3A_203 : memref<640xf32, #tpu.memory_space<vmem_shared>>) dst(%dma_wait3A_202 : memref<640xf32, #tpu.memory_space<vmem>>)
      tpu.yield
    }) : () -> ()
    %mul3A_128 = arith.constant 640 : i32
    %mul3A_129 = arith.muli %arg1, %mul3A_128 : i32
    %add3A_130 = arith.constant 71680 : i32
    %add3A_131 = arith.addi %add3A_130, %mul3A_129 : i32
    "tpu.region"() ({
      %run_scoped3A = tpu.sem_alloc : memref<!tpu.dma_semaphore, #tpu.memory_space<semaphore_mem>>
      %dma_start3A = arith.constant 1920 : i32
      %dma_start3A_194 = tpu.memref_slice %arg9[%dma_start3A] : memref<10240xf32, #tpu.memory_space<vmem>> -> memref<640xf32, #tpu.memory_space<vmem>>
      %dma_start3A_195 = tpu.memref_slice %arg8[%add3A_131] : memref<327680xf32, #tpu.memory_space<vmem_shared>> -> memref<640xf32, #tpu.memory_space<vmem_shared>>
      %dma_start3A_196 = arith.constant 1920 : i32
      %dma_start3A_197 = tpu.memref_slice %arg9[%dma_start3A_196] : memref<10240xf32, #tpu.memory_space<vmem>> -> memref<640xf32, #tpu.memory_space<vmem>>
      %dma_start3A_198 = tpu.memref_slice %arg8[%add3A_131] : memref<327680xf32, #tpu.memory_space<vmem_shared>> -> memref<640xf32, #tpu.memory_space<vmem_shared>>
      tpu.enqueue_dma source(%dma_start3A_198 : memref<640xf32, #tpu.memory_space<vmem_shared>>) target(%dma_start3A_197 : memref<640xf32, #tpu.memory_space<vmem>>) target_semaphore(%run_scoped3A : memref<!tpu.dma_semaphore, #tpu.memory_space<semaphore_mem>>)
      %dma_wait3A = arith.constant 1920 : i32
      %dma_wait3A_199 = tpu.memref_slice %arg9[%dma_wait3A] : memref<10240xf32, #tpu.memory_space<vmem>> -> memref<640xf32, #tpu.memory_space<vmem>>
      %dma_wait3A_200 = tpu.memref_slice %arg8[%add3A_131] : memref<327680xf32, #tpu.memory_space<vmem_shared>> -> memref<640xf32, #tpu.memory_space<vmem_shared>>
      %dma_wait3A_201 = arith.constant 1920 : i32
      %dma_wait3A_202 = tpu.memref_slice %arg9[%dma_wait3A_201] : memref<10240xf32, #tpu.memory_space<vmem>> -> memref<640xf32, #tpu.memory_space<vmem>>
      %dma_wait3A_203 = tpu.memref_slice %arg8[%add3A_131] : memref<327680xf32, #tpu.memory_space<vmem_shared>> -> memref<640xf32, #tpu.memory_space<vmem_shared>>
      tpu.wait_dma2 semaphore(%run_scoped3A : memref<!tpu.dma_semaphore, #tpu.memory_space<semaphore_mem>>) src(%dma_wait3A_203 : memref<640xf32, #tpu.memory_space<vmem_shared>>) dst(%dma_wait3A_202 : memref<640xf32, #tpu.memory_space<vmem>>)
      tpu.yield
    }) : () -> ()
    %mul3A_132 = arith.constant 640 : i32
    %mul3A_133 = arith.muli %arg1, %mul3A_132 : i32
    %add3A_134 = arith.constant 92160 : i32
    %add3A_135 = arith.addi %add3A_134, %mul3A_133 : i32
    "tpu.region"() ({
      %run_scoped3A = tpu.sem_alloc : memref<!tpu.dma_semaphore, #tpu.memory_space<semaphore_mem>>
      %dma_start3A = arith.constant 2560 : i32
      %dma_start3A_194 = tpu.memref_slice %arg9[%dma_start3A] : memref<10240xf32, #tpu.memory_space<vmem>> -> memref<640xf32, #tpu.memory_space<vmem>>
      %dma_start3A_195 = tpu.memref_slice %arg8[%add3A_135] : memref<327680xf32, #tpu.memory_space<vmem_shared>> -> memref<640xf32, #tpu.memory_space<vmem_shared>>
      %dma_start3A_196 = arith.constant 2560 : i32
      %dma_start3A_197 = tpu.memref_slice %arg9[%dma_start3A_196] : memref<10240xf32, #tpu.memory_space<vmem>> -> memref<640xf32, #tpu.memory_space<vmem>>
      %dma_start3A_198 = tpu.memref_slice %arg8[%add3A_135] : memref<327680xf32, #tpu.memory_space<vmem_shared>> -> memref<640xf32, #tpu.memory_space<vmem_shared>>
      tpu.enqueue_dma source(%dma_start3A_198 : memref<640xf32, #tpu.memory_space<vmem_shared>>) target(%dma_start3A_197 : memref<640xf32, #tpu.memory_space<vmem>>) target_semaphore(%run_scoped3A : memref<!tpu.dma_semaphore, #tpu.memory_space<semaphore_mem>>)
      %dma_wait3A = arith.constant 2560 : i32
      %dma_wait3A_199 = tpu.memref_slice %arg9[%dma_wait3A] : memref<10240xf32, #tpu.memory_space<vmem>> -> memref<640xf32, #tpu.memory_space<vmem>>
      %dma_wait3A_200 = tpu.memref_slice %arg8[%add3A_135] : memref<327680xf32, #tpu.memory_space<vmem_shared>> -> memref<640xf32, #tpu.memory_space<vmem_shared>>
      %dma_wait3A_201 = arith.constant 2560 : i32
      %dma_wait3A_202 = tpu.memref_slice %arg9[%dma_wait3A_201] : memref<10240xf32, #tpu.memory_space<vmem>> -> memref<640xf32, #tpu.memory_space<vmem>>
      %dma_wait3A_203 = tpu.memref_slice %arg8[%add3A_135] : memref<327680xf32, #tpu.memory_space<vmem_shared>> -> memref<640xf32, #tpu.memory_space<vmem_shared>>
      tpu.wait_dma2 semaphore(%run_scoped3A : memref<!tpu.dma_semaphore, #tpu.memory_space<semaphore_mem>>) src(%dma_wait3A_203 : memref<640xf32, #tpu.memory_space<vmem_shared>>) dst(%dma_wait3A_202 : memref<640xf32, #tpu.memory_space<vmem>>)
      tpu.yield
    }) : () -> ()
    %mul3A_136 = arith.constant 640 : i32
    %mul3A_137 = arith.muli %arg1, %mul3A_136 : i32
    %add3A_138 = arith.constant 112640 : i32
    %add3A_139 = arith.addi %add3A_138, %mul3A_137 : i32
    "tpu.region"() ({
      %run_scoped3A = tpu.sem_alloc : memref<!tpu.dma_semaphore, #tpu.memory_space<semaphore_mem>>
      %dma_start3A = arith.constant 3200 : i32
      %dma_start3A_194 = tpu.memref_slice %arg9[%dma_start3A] : memref<10240xf32, #tpu.memory_space<vmem>> -> memref<640xf32, #tpu.memory_space<vmem>>
      %dma_start3A_195 = tpu.memref_slice %arg8[%add3A_139] : memref<327680xf32, #tpu.memory_space<vmem_shared>> -> memref<640xf32, #tpu.memory_space<vmem_shared>>
      %dma_start3A_196 = arith.constant 3200 : i32
      %dma_start3A_197 = tpu.memref_slice %arg9[%dma_start3A_196] : memref<10240xf32, #tpu.memory_space<vmem>> -> memref<640xf32, #tpu.memory_space<vmem>>
      %dma_start3A_198 = tpu.memref_slice %arg8[%add3A_139] : memref<327680xf32, #tpu.memory_space<vmem_shared>> -> memref<640xf32, #tpu.memory_space<vmem_shared>>
      tpu.enqueue_dma source(%dma_start3A_198 : memref<640xf32, #tpu.memory_space<vmem_shared>>) target(%dma_start3A_197 : memref<640xf32, #tpu.memory_space<vmem>>) target_semaphore(%run_scoped3A : memref<!tpu.dma_semaphore, #tpu.memory_space<semaphore_mem>>)
      %dma_wait3A = arith.constant 3200 : i32
      %dma_wait3A_199 = tpu.memref_slice %arg9[%dma_wait3A] : memref<10240xf32, #tpu.memory_space<vmem>> -> memref<640xf32, #tpu.memory_space<vmem>>
      %dma_wait3A_200 = tpu.memref_slice %arg8[%add3A_139] : memref<327680xf32, #tpu.memory_space<vmem_shared>> -> memref<640xf32, #tpu.memory_space<vmem_shared>>
      %dma_wait3A_201 = arith.constant 3200 : i32
      %dma_wait3A_202 = tpu.memref_slice %arg9[%dma_wait3A_201] : memref<10240xf32, #tpu.memory_space<vmem>> -> memref<640xf32, #tpu.memory_space<vmem>>
      %dma_wait3A_203 = tpu.memref_slice %arg8[%add3A_139] : memref<327680xf32, #tpu.memory_space<vmem_shared>> -> memref<640xf32, #tpu.memory_space<vmem_shared>>
      tpu.wait_dma2 semaphore(%run_scoped3A : memref<!tpu.dma_semaphore, #tpu.memory_space<semaphore_mem>>) src(%dma_wait3A_203 : memref<640xf32, #tpu.memory_space<vmem_shared>>) dst(%dma_wait3A_202 : memref<640xf32, #tpu.memory_space<vmem>>)
      tpu.yield
    }) : () -> ()
    %mul3A_140 = arith.constant 640 : i32
    %mul3A_141 = arith.muli %arg1, %mul3A_140 : i32
    %add3A_142 = arith.constant 133120 : i32
    %add3A_143 = arith.addi %add3A_142, %mul3A_141 : i32
    "tpu.region"() ({
      %run_scoped3A = tpu.sem_alloc : memref<!tpu.dma_semaphore, #tpu.memory_space<semaphore_mem>>
      %dma_start3A = arith.constant 3840 : i32
      %dma_start3A_194 = tpu.memref_slice %arg9[%dma_start3A] : memref<10240xf32, #tpu.memory_space<vmem>> -> memref<640xf32, #tpu.memory_space<vmem>>
      %dma_start3A_195 = tpu.memref_slice %arg8[%add3A_143] : memref<327680xf32, #tpu.memory_space<vmem_shared>> -> memref<640xf32, #tpu.memory_space<vmem_shared>>
      %dma_start3A_196 = arith.constant 3840 : i32
      %dma_start3A_197 = tpu.memref_slice %arg9[%dma_start3A_196] : memref<10240xf32, #tpu.memory_space<vmem>> -> memref<640xf32, #tpu.memory_space<vmem>>
      %dma_start3A_198 = tpu.memref_slice %arg8[%add3A_143] : memref<327680xf32, #tpu.memory_space<vmem_shared>> -> memref<640xf32, #tpu.memory_space<vmem_shared>>
      tpu.enqueue_dma source(%dma_start3A_198 : memref<640xf32, #tpu.memory_space<vmem_shared>>) target(%dma_start3A_197 : memref<640xf32, #tpu.memory_space<vmem>>) target_semaphore(%run_scoped3A : memref<!tpu.dma_semaphore, #tpu.memory_space<semaphore_mem>>)
      %dma_wait3A = arith.constant 3840 : i32
      %dma_wait3A_199 = tpu.memref_slice %arg9[%dma_wait3A] : memref<10240xf32, #tpu.memory_space<vmem>> -> memref<640xf32, #tpu.memory_space<vmem>>
      %dma_wait3A_200 = tpu.memref_slice %arg8[%add3A_143] : memref<327680xf32, #tpu.memory_space<vmem_shared>> -> memref<640xf32, #tpu.memory_space<vmem_shared>>
      %dma_wait3A_201 = arith.constant 3840 : i32
      %dma_wait3A_202 = tpu.memref_slice %arg9[%dma_wait3A_201] : memref<10240xf32, #tpu.memory_space<vmem>> -> memref<640xf32, #tpu.memory_space<vmem>>
      %dma_wait3A_203 = tpu.memref_slice %arg8[%add3A_143] : memref<327680xf32, #tpu.memory_space<vmem_shared>> -> memref<640xf32, #tpu.memory_space<vmem_shared>>
      tpu.wait_dma2 semaphore(%run_scoped3A : memref<!tpu.dma_semaphore, #tpu.memory_space<semaphore_mem>>) src(%dma_wait3A_203 : memref<640xf32, #tpu.memory_space<vmem_shared>>) dst(%dma_wait3A_202 : memref<640xf32, #tpu.memory_space<vmem>>)
      tpu.yield
    }) : () -> ()
    %mul3A_144 = arith.constant 640 : i32
    %mul3A_145 = arith.muli %arg1, %mul3A_144 : i32
    %add3A_146 = arith.constant 153600 : i32
    %add3A_147 = arith.addi %add3A_146, %mul3A_145 : i32
    "tpu.region"() ({
      %run_scoped3A = tpu.sem_alloc : memref<!tpu.dma_semaphore, #tpu.memory_space<semaphore_mem>>
      %dma_start3A = arith.constant 4480 : i32
      %dma_start3A_194 = tpu.memref_slice %arg9[%dma_start3A] : memref<10240xf32, #tpu.memory_space<vmem>> -> memref<640xf32, #tpu.memory_space<vmem>>
      %dma_start3A_195 = tpu.memref_slice %arg8[%add3A_147] : memref<327680xf32, #tpu.memory_space<vmem_shared>> -> memref<640xf32, #tpu.memory_space<vmem_shared>>
      %dma_start3A_196 = arith.constant 4480 : i32
      %dma_start3A_197 = tpu.memref_slice %arg9[%dma_start3A_196] : memref<10240xf32, #tpu.memory_space<vmem>> -> memref<640xf32, #tpu.memory_space<vmem>>
      %dma_start3A_198 = tpu.memref_slice %arg8[%add3A_147] : memref<327680xf32, #tpu.memory_space<vmem_shared>> -> memref<640xf32, #tpu.memory_space<vmem_shared>>
      tpu.enqueue_dma source(%dma_start3A_198 : memref<640xf32, #tpu.memory_space<vmem_shared>>) target(%dma_start3A_197 : memref<640xf32, #tpu.memory_space<vmem>>) target_semaphore(%run_scoped3A : memref<!tpu.dma_semaphore, #tpu.memory_space<semaphore_mem>>)
      %dma_wait3A = arith.constant 4480 : i32
      %dma_wait3A_199 = tpu.memref_slice %arg9[%dma_wait3A] : memref<10240xf32, #tpu.memory_space<vmem>> -> memref<640xf32, #tpu.memory_space<vmem>>
      %dma_wait3A_200 = tpu.memref_slice %arg8[%add3A_147] : memref<327680xf32, #tpu.memory_space<vmem_shared>> -> memref<640xf32, #tpu.memory_space<vmem_shared>>
      %dma_wait3A_201 = arith.constant 4480 : i32
      %dma_wait3A_202 = tpu.memref_slice %arg9[%dma_wait3A_201] : memref<10240xf32, #tpu.memory_space<vmem>> -> memref<640xf32, #tpu.memory_space<vmem>>
      %dma_wait3A_203 = tpu.memref_slice %arg8[%add3A_147] : memref<327680xf32, #tpu.memory_space<vmem_shared>> -> memref<640xf32, #tpu.memory_space<vmem_shared>>
      tpu.wait_dma2 semaphore(%run_scoped3A : memref<!tpu.dma_semaphore, #tpu.memory_space<semaphore_mem>>) src(%dma_wait3A_203 : memref<640xf32, #tpu.memory_space<vmem_shared>>) dst(%dma_wait3A_202 : memref<640xf32, #tpu.memory_space<vmem>>)
      tpu.yield
    }) : () -> ()
    %mul3A_148 = arith.constant 640 : i32
    %mul3A_149 = arith.muli %arg1, %mul3A_148 : i32
    %add3A_150 = arith.constant 174080 : i32
    %add3A_151 = arith.addi %add3A_150, %mul3A_149 : i32
    "tpu.region"() ({
      %run_scoped3A = tpu.sem_alloc : memref<!tpu.dma_semaphore, #tpu.memory_space<semaphore_mem>>
      %dma_start3A = arith.constant 5120 : i32
      %dma_start3A_194 = tpu.memref_slice %arg9[%dma_start3A] : memref<10240xf32, #tpu.memory_space<vmem>> -> memref<640xf32, #tpu.memory_space<vmem>>
      %dma_start3A_195 = tpu.memref_slice %arg8[%add3A_151] : memref<327680xf32, #tpu.memory_space<vmem_shared>> -> memref<640xf32, #tpu.memory_space<vmem_shared>>
      %dma_start3A_196 = arith.constant 5120 : i32
      %dma_start3A_197 = tpu.memref_slice %arg9[%dma_start3A_196] : memref<10240xf32, #tpu.memory_space<vmem>> -> memref<640xf32, #tpu.memory_space<vmem>>
      %dma_start3A_198 = tpu.memref_slice %arg8[%add3A_151] : memref<327680xf32, #tpu.memory_space<vmem_shared>> -> memref<640xf32, #tpu.memory_space<vmem_shared>>
      tpu.enqueue_dma source(%dma_start3A_198 : memref<640xf32, #tpu.memory_space<vmem_shared>>) target(%dma_start3A_197 : memref<640xf32, #tpu.memory_space<vmem>>) target_semaphore(%run_scoped3A : memref<!tpu.dma_semaphore, #tpu.memory_space<semaphore_mem>>)
      %dma_wait3A = arith.constant 5120 : i32
      %dma_wait3A_199 = tpu.memref_slice %arg9[%dma_wait3A] : memref<10240xf32, #tpu.memory_space<vmem>> -> memref<640xf32, #tpu.memory_space<vmem>>
      %dma_wait3A_200 = tpu.memref_slice %arg8[%add3A_151] : memref<327680xf32, #tpu.memory_space<vmem_shared>> -> memref<640xf32, #tpu.memory_space<vmem_shared>>
      %dma_wait3A_201 = arith.constant 5120 : i32
      %dma_wait3A_202 = tpu.memref_slice %arg9[%dma_wait3A_201] : memref<10240xf32, #tpu.memory_space<vmem>> -> memref<640xf32, #tpu.memory_space<vmem>>
      %dma_wait3A_203 = tpu.memref_slice %arg8[%add3A_151] : memref<327680xf32, #tpu.memory_space<vmem_shared>> -> memref<640xf32, #tpu.memory_space<vmem_shared>>
      tpu.wait_dma2 semaphore(%run_scoped3A : memref<!tpu.dma_semaphore, #tpu.memory_space<semaphore_mem>>) src(%dma_wait3A_203 : memref<640xf32, #tpu.memory_space<vmem_shared>>) dst(%dma_wait3A_202 : memref<640xf32, #tpu.memory_space<vmem>>)
      tpu.yield
    }) : () -> ()
    %mul3A_152 = arith.constant 640 : i32
    %mul3A_153 = arith.muli %arg1, %mul3A_152 : i32
    %add3A_154 = arith.constant 194560 : i32
    %add3A_155 = arith.addi %add3A_154, %mul3A_153 : i32
    "tpu.region"() ({
      %run_scoped3A = tpu.sem_alloc : memref<!tpu.dma_semaphore, #tpu.memory_space<semaphore_mem>>
      %dma_start3A = arith.constant 5760 : i32
      %dma_start3A_194 = tpu.memref_slice %arg9[%dma_start3A] : memref<10240xf32, #tpu.memory_space<vmem>> -> memref<640xf32, #tpu.memory_space<vmem>>
      %dma_start3A_195 = tpu.memref_slice %arg8[%add3A_155] : memref<327680xf32, #tpu.memory_space<vmem_shared>> -> memref<640xf32, #tpu.memory_space<vmem_shared>>
      %dma_start3A_196 = arith.constant 5760 : i32
      %dma_start3A_197 = tpu.memref_slice %arg9[%dma_start3A_196] : memref<10240xf32, #tpu.memory_space<vmem>> -> memref<640xf32, #tpu.memory_space<vmem>>
      %dma_start3A_198 = tpu.memref_slice %arg8[%add3A_155] : memref<327680xf32, #tpu.memory_space<vmem_shared>> -> memref<640xf32, #tpu.memory_space<vmem_shared>>
      tpu.enqueue_dma source(%dma_start3A_198 : memref<640xf32, #tpu.memory_space<vmem_shared>>) target(%dma_start3A_197 : memref<640xf32, #tpu.memory_space<vmem>>) target_semaphore(%run_scoped3A : memref<!tpu.dma_semaphore, #tpu.memory_space<semaphore_mem>>)
      %dma_wait3A = arith.constant 5760 : i32
      %dma_wait3A_199 = tpu.memref_slice %arg9[%dma_wait3A] : memref<10240xf32, #tpu.memory_space<vmem>> -> memref<640xf32, #tpu.memory_space<vmem>>
      %dma_wait3A_200 = tpu.memref_slice %arg8[%add3A_155] : memref<327680xf32, #tpu.memory_space<vmem_shared>> -> memref<640xf32, #tpu.memory_space<vmem_shared>>
      %dma_wait3A_201 = arith.constant 5760 : i32
      %dma_wait3A_202 = tpu.memref_slice %arg9[%dma_wait3A_201] : memref<10240xf32, #tpu.memory_space<vmem>> -> memref<640xf32, #tpu.memory_space<vmem>>
      %dma_wait3A_203 = tpu.memref_slice %arg8[%add3A_155] : memref<327680xf32, #tpu.memory_space<vmem_shared>> -> memref<640xf32, #tpu.memory_space<vmem_shared>>
      tpu.wait_dma2 semaphore(%run_scoped3A : memref<!tpu.dma_semaphore, #tpu.memory_space<semaphore_mem>>) src(%dma_wait3A_203 : memref<640xf32, #tpu.memory_space<vmem_shared>>) dst(%dma_wait3A_202 : memref<640xf32, #tpu.memory_space<vmem>>)
      tpu.yield
    }) : () -> ()
    %mul3A_156 = arith.constant 640 : i32
    %mul3A_157 = arith.muli %arg1, %mul3A_156 : i32
    %add3A_158 = arith.constant 215040 : i32
    %add3A_159 = arith.addi %add3A_158, %mul3A_157 : i32
    "tpu.region"() ({
      %run_scoped3A = tpu.sem_alloc : memref<!tpu.dma_semaphore, #tpu.memory_space<semaphore_mem>>
      %dma_start3A = arith.constant 6400 : i32
      %dma_start3A_194 = tpu.memref_slice %arg9[%dma_start3A] : memref<10240xf32, #tpu.memory_space<vmem>> -> memref<640xf32, #tpu.memory_space<vmem>>
      %dma_start3A_195 = tpu.memref_slice %arg8[%add3A_159] : memref<327680xf32, #tpu.memory_space<vmem_shared>> -> memref<640xf32, #tpu.memory_space<vmem_shared>>
      %dma_start3A_196 = arith.constant 6400 : i32
      %dma_start3A_197 = tpu.memref_slice %arg9[%dma_start3A_196] : memref<10240xf32, #tpu.memory_space<vmem>> -> memref<640xf32, #tpu.memory_space<vmem>>
      %dma_start3A_198 = tpu.memref_slice %arg8[%add3A_159] : memref<327680xf32, #tpu.memory_space<vmem_shared>> -> memref<640xf32, #tpu.memory_space<vmem_shared>>
      tpu.enqueue_dma source(%dma_start3A_198 : memref<640xf32, #tpu.memory_space<vmem_shared>>) target(%dma_start3A_197 : memref<640xf32, #tpu.memory_space<vmem>>) target_semaphore(%run_scoped3A : memref<!tpu.dma_semaphore, #tpu.memory_space<semaphore_mem>>)
      %dma_wait3A = arith.constant 6400 : i32
      %dma_wait3A_199 = tpu.memref_slice %arg9[%dma_wait3A] : memref<10240xf32, #tpu.memory_space<vmem>> -> memref<640xf32, #tpu.memory_space<vmem>>
      %dma_wait3A_200 = tpu.memref_slice %arg8[%add3A_159] : memref<327680xf32, #tpu.memory_space<vmem_shared>> -> memref<640xf32, #tpu.memory_space<vmem_shared>>
      %dma_wait3A_201 = arith.constant 6400 : i32
      %dma_wait3A_202 = tpu.memref_slice %arg9[%dma_wait3A_201] : memref<10240xf32, #tpu.memory_space<vmem>> -> memref<640xf32, #tpu.memory_space<vmem>>
      %dma_wait3A_203 = tpu.memref_slice %arg8[%add3A_159] : memref<327680xf32, #tpu.memory_space<vmem_shared>> -> memref<640xf32, #tpu.memory_space<vmem_shared>>
      tpu.wait_dma2 semaphore(%run_scoped3A : memref<!tpu.dma_semaphore, #tpu.memory_space<semaphore_mem>>) src(%dma_wait3A_203 : memref<640xf32, #tpu.memory_space<vmem_shared>>) dst(%dma_wait3A_202 : memref<640xf32, #tpu.memory_space<vmem>>)
      tpu.yield
    }) : () -> ()
    %mul3A_160 = arith.constant 640 : i32
    %mul3A_161 = arith.muli %arg1, %mul3A_160 : i32
    %add3A_162 = arith.constant 235520 : i32
    %add3A_163 = arith.addi %add3A_162, %mul3A_161 : i32
    "tpu.region"() ({
      %run_scoped3A = tpu.sem_alloc : memref<!tpu.dma_semaphore, #tpu.memory_space<semaphore_mem>>
      %dma_start3A = arith.constant 7040 : i32
      %dma_start3A_194 = tpu.memref_slice %arg9[%dma_start3A] : memref<10240xf32, #tpu.memory_space<vmem>> -> memref<640xf32, #tpu.memory_space<vmem>>
      %dma_start3A_195 = tpu.memref_slice %arg8[%add3A_163] : memref<327680xf32, #tpu.memory_space<vmem_shared>> -> memref<640xf32, #tpu.memory_space<vmem_shared>>
      %dma_start3A_196 = arith.constant 7040 : i32
      %dma_start3A_197 = tpu.memref_slice %arg9[%dma_start3A_196] : memref<10240xf32, #tpu.memory_space<vmem>> -> memref<640xf32, #tpu.memory_space<vmem>>
      %dma_start3A_198 = tpu.memref_slice %arg8[%add3A_163] : memref<327680xf32, #tpu.memory_space<vmem_shared>> -> memref<640xf32, #tpu.memory_space<vmem_shared>>
      tpu.enqueue_dma source(%dma_start3A_198 : memref<640xf32, #tpu.memory_space<vmem_shared>>) target(%dma_start3A_197 : memref<640xf32, #tpu.memory_space<vmem>>) target_semaphore(%run_scoped3A : memref<!tpu.dma_semaphore, #tpu.memory_space<semaphore_mem>>)
      %dma_wait3A = arith.constant 7040 : i32
      %dma_wait3A_199 = tpu.memref_slice %arg9[%dma_wait3A] : memref<10240xf32, #tpu.memory_space<vmem>> -> memref<640xf32, #tpu.memory_space<vmem>>
      %dma_wait3A_200 = tpu.memref_slice %arg8[%add3A_163] : memref<327680xf32, #tpu.memory_space<vmem_shared>> -> memref<640xf32, #tpu.memory_space<vmem_shared>>
      %dma_wait3A_201 = arith.constant 7040 : i32
      %dma_wait3A_202 = tpu.memref_slice %arg9[%dma_wait3A_201] : memref<10240xf32, #tpu.memory_space<vmem>> -> memref<640xf32, #tpu.memory_space<vmem>>
      %dma_wait3A_203 = tpu.memref_slice %arg8[%add3A_163] : memref<327680xf32, #tpu.memory_space<vmem_shared>> -> memref<640xf32, #tpu.memory_space<vmem_shared>>
      tpu.wait_dma2 semaphore(%run_scoped3A : memref<!tpu.dma_semaphore, #tpu.memory_space<semaphore_mem>>) src(%dma_wait3A_203 : memref<640xf32, #tpu.memory_space<vmem_shared>>) dst(%dma_wait3A_202 : memref<640xf32, #tpu.memory_space<vmem>>)
      tpu.yield
    }) : () -> ()
    %mul3A_164 = arith.constant 640 : i32
    %mul3A_165 = arith.muli %arg1, %mul3A_164 : i32
    %add3A_166 = arith.constant 256000 : i32
    %add3A_167 = arith.addi %add3A_166, %mul3A_165 : i32
    "tpu.region"() ({
      %run_scoped3A = tpu.sem_alloc : memref<!tpu.dma_semaphore, #tpu.memory_space<semaphore_mem>>
      %dma_start3A = arith.constant 7680 : i32
      %dma_start3A_194 = tpu.memref_slice %arg9[%dma_start3A] : memref<10240xf32, #tpu.memory_space<vmem>> -> memref<640xf32, #tpu.memory_space<vmem>>
      %dma_start3A_195 = tpu.memref_slice %arg8[%add3A_167] : memref<327680xf32, #tpu.memory_space<vmem_shared>> -> memref<640xf32, #tpu.memory_space<vmem_shared>>
      %dma_start3A_196 = arith.constant 7680 : i32
      %dma_start3A_197 = tpu.memref_slice %arg9[%dma_start3A_196] : memref<10240xf32, #tpu.memory_space<vmem>> -> memref<640xf32, #tpu.memory_space<vmem>>
      %dma_start3A_198 = tpu.memref_slice %arg8[%add3A_167] : memref<327680xf32, #tpu.memory_space<vmem_shared>> -> memref<640xf32, #tpu.memory_space<vmem_shared>>
      tpu.enqueue_dma source(%dma_start3A_198 : memref<640xf32, #tpu.memory_space<vmem_shared>>) target(%dma_start3A_197 : memref<640xf32, #tpu.memory_space<vmem>>) target_semaphore(%run_scoped3A : memref<!tpu.dma_semaphore, #tpu.memory_space<semaphore_mem>>)
      %dma_wait3A = arith.constant 7680 : i32
      %dma_wait3A_199 = tpu.memref_slice %arg9[%dma_wait3A] : memref<10240xf32, #tpu.memory_space<vmem>> -> memref<640xf32, #tpu.memory_space<vmem>>
      %dma_wait3A_200 = tpu.memref_slice %arg8[%add3A_167] : memref<327680xf32, #tpu.memory_space<vmem_shared>> -> memref<640xf32, #tpu.memory_space<vmem_shared>>
      %dma_wait3A_201 = arith.constant 7680 : i32
      %dma_wait3A_202 = tpu.memref_slice %arg9[%dma_wait3A_201] : memref<10240xf32, #tpu.memory_space<vmem>> -> memref<640xf32, #tpu.memory_space<vmem>>
      %dma_wait3A_203 = tpu.memref_slice %arg8[%add3A_167] : memref<327680xf32, #tpu.memory_space<vmem_shared>> -> memref<640xf32, #tpu.memory_space<vmem_shared>>
      tpu.wait_dma2 semaphore(%run_scoped3A : memref<!tpu.dma_semaphore, #tpu.memory_space<semaphore_mem>>) src(%dma_wait3A_203 : memref<640xf32, #tpu.memory_space<vmem_shared>>) dst(%dma_wait3A_202 : memref<640xf32, #tpu.memory_space<vmem>>)
      tpu.yield
    }) : () -> ()
    %mul3A_168 = arith.constant 640 : i32
    %mul3A_169 = arith.muli %arg1, %mul3A_168 : i32
    %add3A_170 = arith.constant 276480 : i32
    %add3A_171 = arith.addi %add3A_170, %mul3A_169 : i32
    "tpu.region"() ({
      %run_scoped3A = tpu.sem_alloc : memref<!tpu.dma_semaphore, #tpu.memory_space<semaphore_mem>>
      %dma_start3A = arith.constant 8320 : i32
      %dma_start3A_194 = tpu.memref_slice %arg9[%dma_start3A] : memref<10240xf32, #tpu.memory_space<vmem>> -> memref<640xf32, #tpu.memory_space<vmem>>
      %dma_start3A_195 = tpu.memref_slice %arg8[%add3A_171] : memref<327680xf32, #tpu.memory_space<vmem_shared>> -> memref<640xf32, #tpu.memory_space<vmem_shared>>
      %dma_start3A_196 = arith.constant 8320 : i32
      %dma_start3A_197 = tpu.memref_slice %arg9[%dma_start3A_196] : memref<10240xf32, #tpu.memory_space<vmem>> -> memref<640xf32, #tpu.memory_space<vmem>>
      %dma_start3A_198 = tpu.memref_slice %arg8[%add3A_171] : memref<327680xf32, #tpu.memory_space<vmem_shared>> -> memref<640xf32, #tpu.memory_space<vmem_shared>>
      tpu.enqueue_dma source(%dma_start3A_198 : memref<640xf32, #tpu.memory_space<vmem_shared>>) target(%dma_start3A_197 : memref<640xf32, #tpu.memory_space<vmem>>) target_semaphore(%run_scoped3A : memref<!tpu.dma_semaphore, #tpu.memory_space<semaphore_mem>>)
      %dma_wait3A = arith.constant 8320 : i32
      %dma_wait3A_199 = tpu.memref_slice %arg9[%dma_wait3A] : memref<10240xf32, #tpu.memory_space<vmem>> -> memref<640xf32, #tpu.memory_space<vmem>>
      %dma_wait3A_200 = tpu.memref_slice %arg8[%add3A_171] : memref<327680xf32, #tpu.memory_space<vmem_shared>> -> memref<640xf32, #tpu.memory_space<vmem_shared>>
      %dma_wait3A_201 = arith.constant 8320 : i32
      %dma_wait3A_202 = tpu.memref_slice %arg9[%dma_wait3A_201] : memref<10240xf32, #tpu.memory_space<vmem>> -> memref<640xf32, #tpu.memory_space<vmem>>
      %dma_wait3A_203 = tpu.memref_slice %arg8[%add3A_171] : memref<327680xf32, #tpu.memory_space<vmem_shared>> -> memref<640xf32, #tpu.memory_space<vmem_shared>>
      tpu.wait_dma2 semaphore(%run_scoped3A : memref<!tpu.dma_semaphore, #tpu.memory_space<semaphore_mem>>) src(%dma_wait3A_203 : memref<640xf32, #tpu.memory_space<vmem_shared>>) dst(%dma_wait3A_202 : memref<640xf32, #tpu.memory_space<vmem>>)
      tpu.yield
    }) : () -> ()
    %mul3A_172 = arith.constant 640 : i32
    %mul3A_173 = arith.muli %arg1, %mul3A_172 : i32
    %add3A_174 = arith.constant 296960 : i32
    %add3A_175 = arith.addi %add3A_174, %mul3A_173 : i32
    "tpu.region"() ({
      %run_scoped3A = tpu.sem_alloc : memref<!tpu.dma_semaphore, #tpu.memory_space<semaphore_mem>>
      %dma_start3A = arith.constant 8960 : i32
      %dma_start3A_194 = tpu.memref_slice %arg9[%dma_start3A] : memref<10240xf32, #tpu.memory_space<vmem>> -> memref<640xf32, #tpu.memory_space<vmem>>
      %dma_start3A_195 = tpu.memref_slice %arg8[%add3A_175] : memref<327680xf32, #tpu.memory_space<vmem_shared>> -> memref<640xf32, #tpu.memory_space<vmem_shared>>
      %dma_start3A_196 = arith.constant 8960 : i32
      %dma_start3A_197 = tpu.memref_slice %arg9[%dma_start3A_196] : memref<10240xf32, #tpu.memory_space<vmem>> -> memref<640xf32, #tpu.memory_space<vmem>>
      %dma_start3A_198 = tpu.memref_slice %arg8[%add3A_175] : memref<327680xf32, #tpu.memory_space<vmem_shared>> -> memref<640xf32, #tpu.memory_space<vmem_shared>>
      tpu.enqueue_dma source(%dma_start3A_198 : memref<640xf32, #tpu.memory_space<vmem_shared>>) target(%dma_start3A_197 : memref<640xf32, #tpu.memory_space<vmem>>) target_semaphore(%run_scoped3A : memref<!tpu.dma_semaphore, #tpu.memory_space<semaphore_mem>>)
      %dma_wait3A = arith.constant 8960 : i32
      %dma_wait3A_199 = tpu.memref_slice %arg9[%dma_wait3A] : memref<10240xf32, #tpu.memory_space<vmem>> -> memref<640xf32, #tpu.memory_space<vmem>>
      %dma_wait3A_200 = tpu.memref_slice %arg8[%add3A_175] : memref<327680xf32, #tpu.memory_space<vmem_shared>> -> memref<640xf32, #tpu.memory_space<vmem_shared>>
      %dma_wait3A_201 = arith.constant 8960 : i32
      %dma_wait3A_202 = tpu.memref_slice %arg9[%dma_wait3A_201] : memref<10240xf32, #tpu.memory_space<vmem>> -> memref<640xf32, #tpu.memory_space<vmem>>
      %dma_wait3A_203 = tpu.memref_slice %arg8[%add3A_175] : memref<327680xf32, #tpu.memory_space<vmem_shared>> -> memref<640xf32, #tpu.memory_space<vmem_shared>>
      tpu.wait_dma2 semaphore(%run_scoped3A : memref<!tpu.dma_semaphore, #tpu.memory_space<semaphore_mem>>) src(%dma_wait3A_203 : memref<640xf32, #tpu.memory_space<vmem_shared>>) dst(%dma_wait3A_202 : memref<640xf32, #tpu.memory_space<vmem>>)
      tpu.yield
    }) : () -> ()
    %mul3A_176 = arith.constant 640 : i32
    %mul3A_177 = arith.muli %arg1, %mul3A_176 : i32
    %add3A_178 = arith.constant 317440 : i32
    %add3A_179 = arith.addi %add3A_178, %mul3A_177 : i32
    "tpu.region"() ({
      %run_scoped3A = tpu.sem_alloc : memref<!tpu.dma_semaphore, #tpu.memory_space<semaphore_mem>>
      %dma_start3A = arith.constant 9600 : i32
      %dma_start3A_194 = tpu.memref_slice %arg9[%dma_start3A] : memref<10240xf32, #tpu.memory_space<vmem>> -> memref<640xf32, #tpu.memory_space<vmem>>
      %dma_start3A_195 = tpu.memref_slice %arg8[%add3A_179] : memref<327680xf32, #tpu.memory_space<vmem_shared>> -> memref<640xf32, #tpu.memory_space<vmem_shared>>
      %dma_start3A_196 = arith.constant 9600 : i32
      %dma_start3A_197 = tpu.memref_slice %arg9[%dma_start3A_196] : memref<10240xf32, #tpu.memory_space<vmem>> -> memref<640xf32, #tpu.memory_space<vmem>>
      %dma_start3A_198 = tpu.memref_slice %arg8[%add3A_179] : memref<327680xf32, #tpu.memory_space<vmem_shared>> -> memref<640xf32, #tpu.memory_space<vmem_shared>>
      tpu.enqueue_dma source(%dma_start3A_198 : memref<640xf32, #tpu.memory_space<vmem_shared>>) target(%dma_start3A_197 : memref<640xf32, #tpu.memory_space<vmem>>) target_semaphore(%run_scoped3A : memref<!tpu.dma_semaphore, #tpu.memory_space<semaphore_mem>>)
      %dma_wait3A = arith.constant 9600 : i32
      %dma_wait3A_199 = tpu.memref_slice %arg9[%dma_wait3A] : memref<10240xf32, #tpu.memory_space<vmem>> -> memref<640xf32, #tpu.memory_space<vmem>>
      %dma_wait3A_200 = tpu.memref_slice %arg8[%add3A_179] : memref<327680xf32, #tpu.memory_space<vmem_shared>> -> memref<640xf32, #tpu.memory_space<vmem_shared>>
      %dma_wait3A_201 = arith.constant 9600 : i32
      %dma_wait3A_202 = tpu.memref_slice %arg9[%dma_wait3A_201] : memref<10240xf32, #tpu.memory_space<vmem>> -> memref<640xf32, #tpu.memory_space<vmem>>
      %dma_wait3A_203 = tpu.memref_slice %arg8[%add3A_179] : memref<327680xf32, #tpu.memory_space<vmem_shared>> -> memref<640xf32, #tpu.memory_space<vmem_shared>>
      tpu.wait_dma2 semaphore(%run_scoped3A : memref<!tpu.dma_semaphore, #tpu.memory_space<semaphore_mem>>) src(%dma_wait3A_203 : memref<640xf32, #tpu.memory_space<vmem_shared>>) dst(%dma_wait3A_202 : memref<640xf32, #tpu.memory_space<vmem>>)
      tpu.yield
    }) : () -> ()
    %scan3A_180 = arith.constant 0 : i32
    %scan3A_181 = arith.constant 40 : i32
    %scan3A_182 = arith.addi %scan3A_180, %scan3A_181 : i32
    %scan3A_183 = arith.constant 1 : i32
    scf.for %scan3A_194 = %scan3A_180 to %scan3A_182 step %scan3A_183  : i32 {
      %mul3A_195 = arith.constant 16 : i32
      %mul3A_196 = arith.muli %scan3A_194, %mul3A_195 : i32
      %get3A = arith.index_cast %mul3A_196 : i32 to index
      %get3A_197 = tpu.vector_load %arg9[%get3A] {strides = array<i32>} : memref<10240xf32, #tpu.memory_space<vmem>>, vector<16xf32>,
      %mul3A_198 = arith.constant 16 : i32
      %mul3A_199 = arith.muli %scan3A_194, %mul3A_198 : i32
      %add3A_200 = arith.constant 640 : i32
      %add3A_201 = arith.addi %add3A_200, %mul3A_199 : i32
      %get3A_202 = arith.index_cast %add3A_201 : i32 to index
      %get3A_203 = tpu.vector_load %arg9[%get3A_202] {strides = array<i32>} : memref<10240xf32, #tpu.memory_space<vmem>>, vector<16xf32>,
      %add3A_204 = arith.addf %get3A_197, %get3A_203 : vector<16xf32>
      %mul3A_205 = arith.constant 16 : i32
      %mul3A_206 = arith.muli %scan3A_194, %mul3A_205 : i32
      %add3A_207 = arith.constant 1280 : i32
      %add3A_208 = arith.addi %add3A_207, %mul3A_206 : i32
      %get3A_209 = arith.index_cast %add3A_208 : i32 to index
      %get3A_210 = tpu.vector_load %arg9[%get3A_209] {strides = array<i32>} : memref<10240xf32, #tpu.memory_space<vmem>>, vector<16xf32>,
      %add3A_211 = arith.addf %add3A_204, %get3A_210 : vector<16xf32>
      %mul3A_212 = arith.constant 16 : i32
      %mul3A_213 = arith.muli %scan3A_194, %mul3A_212 : i32
      %add3A_214 = arith.constant 1920 : i32
      %add3A_215 = arith.addi %add3A_214, %mul3A_213 : i32
      %get3A_216 = arith.index_cast %add3A_215 : i32 to index
      %get3A_217 = tpu.vector_load %arg9[%get3A_216] {strides = array<i32>} : memref<10240xf32, #tpu.memory_space<vmem>>, vector<16xf32>,
      %add3A_218 = arith.addf %add3A_211, %get3A_217 : vector<16xf32>
      %mul3A_219 = arith.constant 16 : i32
      %mul3A_220 = arith.muli %scan3A_194, %mul3A_219 : i32
      %add3A_221 = arith.constant 2560 : i32
      %add3A_222 = arith.addi %add3A_221, %mul3A_220 : i32
      %get3A_223 = arith.index_cast %add3A_222 : i32 to index
      %get3A_224 = tpu.vector_load %arg9[%get3A_223] {strides = array<i32>} : memref<10240xf32, #tpu.memory_space<vmem>>, vector<16xf32>,
      %add3A_225 = arith.addf %add3A_218, %get3A_224 : vector<16xf32>
      %mul3A_226 = arith.constant 16 : i32
      %mul3A_227 = arith.muli %scan3A_194, %mul3A_226 : i32
      %add3A_228 = arith.constant 3200 : i32
      %add3A_229 = arith.addi %add3A_228, %mul3A_227 : i32
      %get3A_230 = arith.index_cast %add3A_229 : i32 to index
      %get3A_231 = tpu.vector_load %arg9[%get3A_230] {strides = array<i32>} : memref<10240xf32, #tpu.memory_space<vmem>>, vector<16xf32>,
      %add3A_232 = arith.addf %add3A_225, %get3A_231 : vector<16xf32>
      %mul3A_233 = arith.constant 16 : i32
      %mul3A_234 = arith.muli %scan3A_194, %mul3A_233 : i32
      %add3A_235 = arith.constant 3840 : i32
      %add3A_236 = arith.addi %add3A_235, %mul3A_234 : i32
      %get3A_237 = arith.index_cast %add3A_236 : i32 to index
      %get3A_238 = tpu.vector_load %arg9[%get3A_237] {strides = array<i32>} : memref<10240xf32, #tpu.memory_space<vmem>>, vector<16xf32>,
      %add3A_239 = arith.addf %add3A_232, %get3A_238 : vector<16xf32>
      %mul3A_240 = arith.constant 16 : i32
      %mul3A_241 = arith.muli %scan3A_194, %mul3A_240 : i32
      %add3A_242 = arith.constant 4480 : i32
      %add3A_243 = arith.addi %add3A_242, %mul3A_241 : i32
      %get3A_244 = arith.index_cast %add3A_243 : i32 to index
      %get3A_245 = tpu.vector_load %arg9[%get3A_244] {strides = array<i32>} : memref<10240xf32, #tpu.memory_space<vmem>>, vector<16xf32>,
      %add3A_246 = arith.addf %add3A_239, %get3A_245 : vector<16xf32>
      %mul3A_247 = arith.constant 16 : i32
      %mul3A_248 = arith.muli %scan3A_194, %mul3A_247 : i32
      %add3A_249 = arith.constant 5120 : i32
      %add3A_250 = arith.addi %add3A_249, %mul3A_248 : i32
      %get3A_251 = arith.index_cast %add3A_250 : i32 to index
      %get3A_252 = tpu.vector_load %arg9[%get3A_251] {strides = array<i32>} : memref<10240xf32, #tpu.memory_space<vmem>>, vector<16xf32>,
      %add3A_253 = arith.addf %add3A_246, %get3A_252 : vector<16xf32>
      %mul3A_254 = arith.constant 16 : i32
      %mul3A_255 = arith.muli %scan3A_194, %mul3A_254 : i32
      %add3A_256 = arith.constant 5760 : i32
      %add3A_257 = arith.addi %add3A_256, %mul3A_255 : i32
      %get3A_258 = arith.index_cast %add3A_257 : i32 to index
      %get3A_259 = tpu.vector_load %arg9[%get3A_258] {strides = array<i32>} : memref<10240xf32, #tpu.memory_space<vmem>>, vector<16xf32>,
      %add3A_260 = arith.addf %add3A_253, %get3A_259 : vector<16xf32>
      %mul3A_261 = arith.constant 16 : i32
      %mul3A_262 = arith.muli %scan3A_194, %mul3A_261 : i32
      %add3A_263 = arith.constant 6400 : i32
      %add3A_264 = arith.addi %add3A_263, %mul3A_262 : i32
      %get3A_265 = arith.index_cast %add3A_264 : i32 to index
      %get3A_266 = tpu.vector_load %arg9[%get3A_265] {strides = array<i32>} : memref<10240xf32, #tpu.memory_space<vmem>>, vector<16xf32>,
      %add3A_267 = arith.addf %add3A_260, %get3A_266 : vector<16xf32>
      %mul3A_268 = arith.constant 16 : i32
      %mul3A_269 = arith.muli %scan3A_194, %mul3A_268 : i32
      %add3A_270 = arith.constant 7040 : i32
      %add3A_271 = arith.addi %add3A_270, %mul3A_269 : i32
      %get3A_272 = arith.index_cast %add3A_271 : i32 to index
      %get3A_273 = tpu.vector_load %arg9[%get3A_272] {strides = array<i32>} : memref<10240xf32, #tpu.memory_space<vmem>>, vector<16xf32>,
      %add3A_274 = arith.addf %add3A_267, %get3A_273 : vector<16xf32>
      %mul3A_275 = arith.constant 16 : i32
      %mul3A_276 = arith.muli %scan3A_194, %mul3A_275 : i32
      %add3A_277 = arith.constant 7680 : i32
      %add3A_278 = arith.addi %add3A_277, %mul3A_276 : i32
      %get3A_279 = arith.index_cast %add3A_278 : i32 to index
      %get3A_280 = tpu.vector_load %arg9[%get3A_279] {strides = array<i32>} : memref<10240xf32, #tpu.memory_space<vmem>>, vector<16xf32>,
      %add3A_281 = arith.addf %add3A_274, %get3A_280 : vector<16xf32>
      %mul3A_282 = arith.constant 16 : i32
      %mul3A_283 = arith.muli %scan3A_194, %mul3A_282 : i32
      %add3A_284 = arith.constant 8320 : i32
      %add3A_285 = arith.addi %add3A_284, %mul3A_283 : i32
      %get3A_286 = arith.index_cast %add3A_285 : i32 to index
      %get3A_287 = tpu.vector_load %arg9[%get3A_286] {strides = array<i32>} : memref<10240xf32, #tpu.memory_space<vmem>>, vector<16xf32>,
      %add3A_288 = arith.addf %add3A_281, %get3A_287 : vector<16xf32>
      %mul3A_289 = arith.constant 16 : i32
      %mul3A_290 = arith.muli %scan3A_194, %mul3A_289 : i32
      %add3A_291 = arith.constant 8960 : i32
      %add3A_292 = arith.addi %add3A_291, %mul3A_290 : i32
      %get3A_293 = arith.index_cast %add3A_292 : i32 to index
      %get3A_294 = tpu.vector_load %arg9[%get3A_293] {strides = array<i32>} : memref<10240xf32, #tpu.memory_space<vmem>>, vector<16xf32>,
      %add3A_295 = arith.addf %add3A_288, %get3A_294 : vector<16xf32>
      %mul3A_296 = arith.constant 16 : i32
      %mul3A_297 = arith.muli %scan3A_194, %mul3A_296 : i32
      %add3A_298 = arith.constant 9600 : i32
      %add3A_299 = arith.addi %add3A_298, %mul3A_297 : i32
      %get3A_300 = arith.index_cast %add3A_299 : i32 to index
      %get3A_301 = tpu.vector_load %arg9[%get3A_300] {strides = array<i32>} : memref<10240xf32, #tpu.memory_space<vmem>>, vector<16xf32>,
      %add3A_302 = arith.addf %add3A_295, %get3A_301 : vector<16xf32>
      %mul3A_303 = arith.constant 16 : i32
      %mul3A_304 = arith.muli %scan3A_194, %mul3A_303 : i32
      %swap3A = arith.index_cast %mul3A_304 : i32 to index
      %swap3A_305 = tpu.vector_load %arg10[%swap3A] {strides = array<i32>} : memref<640xf32, #tpu.memory_space<vmem>>, vector<16xf32>,
      tpu.vector_store %arg10[%swap3A], %add3A_302 {strides = array<i32>} : memref<640xf32, #tpu.memory_space<vmem>>, vector<16xf32>,
    }
    %scan3A_184 = arith.constant 40 : i32
    %mul3A_185 = arith.constant 2 : i32
    %mul3A_186 = arith.muli %arg0, %mul3A_185 : i32
    %add3A_187 = arith.constant 1 : i32
    %add3A_188 = arith.addi %mul3A_186, %add3A_187 : i32
    %mul3A_189 = arith.constant 10240 : i32
    %mul3A_190 = arith.muli %add3A_188, %mul3A_189 : i32
    %mul3A_191 = arith.constant 640 : i32
    %mul3A_192 = arith.muli %arg1, %mul3A_191 : i32
    %add3A_193 = arith.addi %mul3A_190, %mul3A_192 : i32
    "tpu.region"() ({
      %run_scoped3A = tpu.sem_alloc : memref<!tpu.dma_semaphore, #tpu.memory_space<semaphore_mem>>
      %dma_start3A = tpu.memref_slice %arg3[%add3A_193] : memref<40960xf32, #tpu.memory_space<hbm>> -> memref<640xf32, #tpu.memory_space<hbm>>
      %dma_start3A_194 = tpu.memref_slice %arg3[%add3A_193] : memref<40960xf32, #tpu.memory_space<hbm>> -> memref<640xf32, #tpu.memory_space<hbm>>
      tpu.enqueue_dma source(%arg10 : memref<640xf32, #tpu.memory_space<vmem>>) target(%dma_start3A_194 : memref<640xf32, #tpu.memory_space<hbm>>) target_semaphore(%run_scoped3A : memref<!tpu.dma_semaphore, #tpu.memory_space<semaphore_mem>>)
      %dma_wait3A = tpu.memref_slice %arg3[%add3A_193] : memref<40960xf32, #tpu.memory_space<hbm>> -> memref<640xf32, #tpu.memory_space<hbm>>
      %dma_wait3A_195 = tpu.memref_slice %arg3[%add3A_193] : memref<40960xf32, #tpu.memory_space<hbm>> -> memref<640xf32, #tpu.memory_space<hbm>>
      tpu.wait_dma2 semaphore(%run_scoped3A : memref<!tpu.dma_semaphore, #tpu.memory_space<semaphore_mem>>) src(%arg10 : memref<640xf32, #tpu.memory_space<vmem>>) dst(%dma_wait3A_195 : memref<640xf32, #tpu.memory_space<hbm>>)
      tpu.yield
    }) : () -> ()
    return
  }
}

#map = affine_map<(d0, d1) -> (0, 0)>
#map1 = affine_map<(d0, d1) -> (0)>
#map2 = affine_map<(d0, d1) -> (0, 0, 0)>
module attributes {stable_mosaic.version = 14 : i64} {
  func.func @_agg_body(%arg0: i32, %arg1: i32, %arg2: memref<10000x128xf32, #tpu.memory_space<hbm>>, %arg3: memref<663552xi32, #tpu.memory_space<hbm>>, %arg4: memref<10112x128xf32, #tpu.memory_space<hbm>>, %arg5: memref<2x10112x128xf32, #tpu.memory_space<hbm>>, %arg6: memref<10112x128xf32, #tpu.memory_space<vmem_shared>>, %arg7: memref<128xi32, #tpu.memory_space<vmem>>, %arg8: memref<128xi32, #tpu.memory_space<vmem>>, %arg9: memref<128xi32, #tpu.memory_space<vmem>>, %arg10: memref<128xi32, #tpu.memory_space<vmem>>, %arg11: memref<128xi32, #tpu.memory_space<vmem>>, %arg12: memref<128xi32, #tpu.memory_space<vmem>>, %arg13: memref<128x128xf32, #tpu.memory_space<vmem>>, %arg14: memref<128x128xf32, #tpu.memory_space<vmem>>, %arg15: memref<128x128xf32, #tpu.memory_space<vmem>>, %arg16: memref<!tpu.dma_semaphore, #tpu.memory_space<semaphore_mem>>, %arg17: memref<!tpu.dma_semaphore, #tpu.memory_space<semaphore_mem>>, %arg18: memref<!tpu.dma_semaphore, #tpu.memory_space<semaphore_mem>>, %arg19: memref<!tpu.dma_semaphore, #tpu.memory_space<semaphore_mem>>, %arg20: memref<!tpu.dma_semaphore, #tpu.memory_space<semaphore_mem>>, %arg21: memref<!tpu.dma_semaphore, #tpu.memory_space<semaphore_mem>>) attributes {dimension_semantics = [#tpu.dimension_semantics<core_parallel>, #tpu.dimension_semantics<subcore_parallel>], iteration_bounds = array<i64: 2, 16>, scalar_prefetch = 0 : i64, scratch_operands = 16 : i64, tpu.core_type = #tpu.core_type<sc_vector_subcore>, window_params = [{transform_indices = #map}, {transform_indices = #map1}, {transform_indices = #map}, {transform_indices = #map2}]} {
    %mul3A = arith.constant 632 : i32
    %mul3A_0 = arith.muli %arg1, %mul3A : i32
    %mul3A_1 = arith.constant 632 : i32
    %mul3A_2 = arith.muli %arg1, %mul3A_1 : i32
    %dma_start3A = arith.constant 0 : i32
    %dma_start3A_3 = tpu.memref_slice %arg6[%mul3A_2, %dma_start3A] : memref<10112x128xf32, #tpu.memory_space<vmem_shared>> -> memref<632x128xf32, #tpu.memory_space<vmem_shared>>
    %dma_start3A_4 = arith.constant 0 : i32
    %dma_start3A_5 = tpu.memref_slice %arg4[%mul3A_0, %dma_start3A_4] : memref<10112x128xf32, #tpu.memory_space<hbm>> -> memref<632x128xf32, #tpu.memory_space<hbm>>
    tpu.enqueue_dma source(%dma_start3A_5 : memref<632x128xf32, #tpu.memory_space<hbm>>) target(%dma_start3A_3 : memref<632x128xf32, #tpu.memory_space<vmem_shared>>) target_semaphore(%arg19 : memref<!tpu.dma_semaphore, #tpu.memory_space<semaphore_mem>>)
    %mul3A_6 = arith.constant 16 : i32
    %mul3A_7 = arith.muli %arg0, %mul3A_6 : i32
    %add3A = arith.addi %mul3A_7, %arg1 : i32
    %mul3A_8 = arith.constant 10368 : i32
    %mul3A_9 = arith.muli %add3A, %mul3A_8 : i32
    %add3A_10 = arith.constant 0 : i32
    %add3A_11 = arith.addi %mul3A_9, %add3A_10 : i32
    %multiple_of3A = tpu.assume_multiple %add3A_11, 8 : i32
    "tpu.region"() ({
      %run_scoped3A = tpu.sem_alloc : memref<!tpu.dma_semaphore, #tpu.memory_space<semaphore_mem>>
      %dma_start3A_54 = tpu.memref_slice %arg3[%multiple_of3A] : memref<663552xi32, #tpu.memory_space<hbm>> -> memref<128xi32, #tpu.memory_space<hbm>>
      %dma_start3A_55 = tpu.memref_slice %arg3[%multiple_of3A] : memref<663552xi32, #tpu.memory_space<hbm>> -> memref<128xi32, #tpu.memory_space<hbm>>
      tpu.enqueue_dma source(%dma_start3A_55 : memref<128xi32, #tpu.memory_space<hbm>>) target(%arg7 : memref<128xi32, #tpu.memory_space<vmem>>) target_semaphore(%run_scoped3A : memref<!tpu.dma_semaphore, #tpu.memory_space<semaphore_mem>>)
      %dma_wait3A_56 = tpu.memref_slice %arg3[%multiple_of3A] : memref<663552xi32, #tpu.memory_space<hbm>> -> memref<128xi32, #tpu.memory_space<hbm>>
      %dma_wait3A_57 = tpu.memref_slice %arg3[%multiple_of3A] : memref<663552xi32, #tpu.memory_space<hbm>> -> memref<128xi32, #tpu.memory_space<hbm>>
      tpu.wait_dma2 semaphore(%run_scoped3A : memref<!tpu.dma_semaphore, #tpu.memory_space<semaphore_mem>>) src(%dma_wait3A_57 : memref<128xi32, #tpu.memory_space<hbm>>) dst(%arg7 : memref<128xi32, #tpu.memory_space<vmem>>)
      tpu.yield
    }) : () -> ()
    %add3A_12 = arith.constant 331776 : i32
    %add3A_13 = arith.addi %add3A_12, %multiple_of3A : i32
    "tpu.region"() ({
      %run_scoped3A = tpu.sem_alloc : memref<!tpu.dma_semaphore, #tpu.memory_space<semaphore_mem>>
      %dma_start3A_54 = tpu.memref_slice %arg3[%add3A_13] : memref<663552xi32, #tpu.memory_space<hbm>> -> memref<128xi32, #tpu.memory_space<hbm>>
      %dma_start3A_55 = tpu.memref_slice %arg3[%add3A_13] : memref<663552xi32, #tpu.memory_space<hbm>> -> memref<128xi32, #tpu.memory_space<hbm>>
      tpu.enqueue_dma source(%dma_start3A_55 : memref<128xi32, #tpu.memory_space<hbm>>) target(%arg10 : memref<128xi32, #tpu.memory_space<vmem>>) target_semaphore(%run_scoped3A : memref<!tpu.dma_semaphore, #tpu.memory_space<semaphore_mem>>)
      %dma_wait3A_56 = tpu.memref_slice %arg3[%add3A_13] : memref<663552xi32, #tpu.memory_space<hbm>> -> memref<128xi32, #tpu.memory_space<hbm>>
      %dma_wait3A_57 = tpu.memref_slice %arg3[%add3A_13] : memref<663552xi32, #tpu.memory_space<hbm>> -> memref<128xi32, #tpu.memory_space<hbm>>
      tpu.wait_dma2 semaphore(%run_scoped3A : memref<!tpu.dma_semaphore, #tpu.memory_space<semaphore_mem>>) src(%dma_wait3A_57 : memref<128xi32, #tpu.memory_space<hbm>>) dst(%arg10 : memref<128xi32, #tpu.memory_space<vmem>>)
      tpu.yield
    }) : () -> ()
    %dma_start3A_14 = arith.constant 0 : i32
    %dma_start3A_15 = arith.constant 0 : i32
    %dma_start3A_16 = tpu.memref_slice %arg2[%dma_start3A_14, %dma_start3A_15] : memref<10000x128xf32, #tpu.memory_space<hbm>> -> memref<10000x128xf32, #tpu.memory_space<hbm>>
    tpu.enqueue_indirect_dma source(%dma_start3A_16 : memref<10000x128xf32, #tpu.memory_space<hbm>>) target(%arg13 : memref<128x128xf32, #tpu.memory_space<vmem>>) offsets(%arg7 : memref<128xi32, #tpu.memory_space<vmem>>) semaphore(%arg16 : memref<!tpu.dma_semaphore, #tpu.memory_space<semaphore_mem>>)
    %add3A_17 = arith.constant 128 : i32
    %add3A_18 = arith.addi %mul3A_9, %add3A_17 : i32
    %multiple_of3A_19 = tpu.assume_multiple %add3A_18, 8 : i32
    "tpu.region"() ({
      %run_scoped3A = tpu.sem_alloc : memref<!tpu.dma_semaphore, #tpu.memory_space<semaphore_mem>>
      %dma_start3A_54 = tpu.memref_slice %arg3[%multiple_of3A_19] : memref<663552xi32, #tpu.memory_space<hbm>> -> memref<128xi32, #tpu.memory_space<hbm>>
      %dma_start3A_55 = tpu.memref_slice %arg3[%multiple_of3A_19] : memref<663552xi32, #tpu.memory_space<hbm>> -> memref<128xi32, #tpu.memory_space<hbm>>
      tpu.enqueue_dma source(%dma_start3A_55 : memref<128xi32, #tpu.memory_space<hbm>>) target(%arg8 : memref<128xi32, #tpu.memory_space<vmem>>) target_semaphore(%run_scoped3A : memref<!tpu.dma_semaphore, #tpu.memory_space<semaphore_mem>>)
      %dma_wait3A_56 = tpu.memref_slice %arg3[%multiple_of3A_19] : memref<663552xi32, #tpu.memory_space<hbm>> -> memref<128xi32, #tpu.memory_space<hbm>>
      %dma_wait3A_57 = tpu.memref_slice %arg3[%multiple_of3A_19] : memref<663552xi32, #tpu.memory_space<hbm>> -> memref<128xi32, #tpu.memory_space<hbm>>
      tpu.wait_dma2 semaphore(%run_scoped3A : memref<!tpu.dma_semaphore, #tpu.memory_space<semaphore_mem>>) src(%dma_wait3A_57 : memref<128xi32, #tpu.memory_space<hbm>>) dst(%arg8 : memref<128xi32, #tpu.memory_space<vmem>>)
      tpu.yield
    }) : () -> ()
    %add3A_20 = arith.constant 331776 : i32
    %add3A_21 = arith.addi %add3A_20, %multiple_of3A_19 : i32
    "tpu.region"() ({
      %run_scoped3A = tpu.sem_alloc : memref<!tpu.dma_semaphore, #tpu.memory_space<semaphore_mem>>
      %dma_start3A_54 = tpu.memref_slice %arg3[%add3A_21] : memref<663552xi32, #tpu.memory_space<hbm>> -> memref<128xi32, #tpu.memory_space<hbm>>
      %dma_start3A_55 = tpu.memref_slice %arg3[%add3A_21] : memref<663552xi32, #tpu.memory_space<hbm>> -> memref<128xi32, #tpu.memory_space<hbm>>
      tpu.enqueue_dma source(%dma_start3A_55 : memref<128xi32, #tpu.memory_space<hbm>>) target(%arg11 : memref<128xi32, #tpu.memory_space<vmem>>) target_semaphore(%run_scoped3A : memref<!tpu.dma_semaphore, #tpu.memory_space<semaphore_mem>>)
      %dma_wait3A_56 = tpu.memref_slice %arg3[%add3A_21] : memref<663552xi32, #tpu.memory_space<hbm>> -> memref<128xi32, #tpu.memory_space<hbm>>
      %dma_wait3A_57 = tpu.memref_slice %arg3[%add3A_21] : memref<663552xi32, #tpu.memory_space<hbm>> -> memref<128xi32, #tpu.memory_space<hbm>>
      tpu.wait_dma2 semaphore(%run_scoped3A : memref<!tpu.dma_semaphore, #tpu.memory_space<semaphore_mem>>) src(%dma_wait3A_57 : memref<128xi32, #tpu.memory_space<hbm>>) dst(%arg11 : memref<128xi32, #tpu.memory_space<vmem>>)
      tpu.yield
    }) : () -> ()
    %dma_start3A_22 = arith.constant 0 : i32
    %dma_start3A_23 = arith.constant 0 : i32
    %dma_start3A_24 = tpu.memref_slice %arg2[%dma_start3A_22, %dma_start3A_23] : memref<10000x128xf32, #tpu.memory_space<hbm>> -> memref<10000x128xf32, #tpu.memory_space<hbm>>
    tpu.enqueue_indirect_dma source(%dma_start3A_24 : memref<10000x128xf32, #tpu.memory_space<hbm>>) target(%arg14 : memref<128x128xf32, #tpu.memory_space<vmem>>) offsets(%arg8 : memref<128xi32, #tpu.memory_space<vmem>>) semaphore(%arg17 : memref<!tpu.dma_semaphore, #tpu.memory_space<semaphore_mem>>)
    %add3A_25 = arith.constant 256 : i32
    %add3A_26 = arith.addi %mul3A_9, %add3A_25 : i32
    %multiple_of3A_27 = tpu.assume_multiple %add3A_26, 8 : i32
    "tpu.region"() ({
      %run_scoped3A = tpu.sem_alloc : memref<!tpu.dma_semaphore, #tpu.memory_space<semaphore_mem>>
      %dma_start3A_54 = tpu.memref_slice %arg3[%multiple_of3A_27] : memref<663552xi32, #tpu.memory_space<hbm>> -> memref<128xi32, #tpu.memory_space<hbm>>
      %dma_start3A_55 = tpu.memref_slice %arg3[%multiple_of3A_27] : memref<663552xi32, #tpu.memory_space<hbm>> -> memref<128xi32, #tpu.memory_space<hbm>>
      tpu.enqueue_dma source(%dma_start3A_55 : memref<128xi32, #tpu.memory_space<hbm>>) target(%arg9 : memref<128xi32, #tpu.memory_space<vmem>>) target_semaphore(%run_scoped3A : memref<!tpu.dma_semaphore, #tpu.memory_space<semaphore_mem>>)
      %dma_wait3A_56 = tpu.memref_slice %arg3[%multiple_of3A_27] : memref<663552xi32, #tpu.memory_space<hbm>> -> memref<128xi32, #tpu.memory_space<hbm>>
      %dma_wait3A_57 = tpu.memref_slice %arg3[%multiple_of3A_27] : memref<663552xi32, #tpu.memory_space<hbm>> -> memref<128xi32, #tpu.memory_space<hbm>>
      tpu.wait_dma2 semaphore(%run_scoped3A : memref<!tpu.dma_semaphore, #tpu.memory_space<semaphore_mem>>) src(%dma_wait3A_57 : memref<128xi32, #tpu.memory_space<hbm>>) dst(%arg9 : memref<128xi32, #tpu.memory_space<vmem>>)
      tpu.yield
    }) : () -> ()
    %add3A_28 = arith.constant 331776 : i32
    %add3A_29 = arith.addi %add3A_28, %multiple_of3A_27 : i32
    "tpu.region"() ({
      %run_scoped3A = tpu.sem_alloc : memref<!tpu.dma_semaphore, #tpu.memory_space<semaphore_mem>>
      %dma_start3A_54 = tpu.memref_slice %arg3[%add3A_29] : memref<663552xi32, #tpu.memory_space<hbm>> -> memref<128xi32, #tpu.memory_space<hbm>>
      %dma_start3A_55 = tpu.memref_slice %arg3[%add3A_29] : memref<663552xi32, #tpu.memory_space<hbm>> -> memref<128xi32, #tpu.memory_space<hbm>>
      tpu.enqueue_dma source(%dma_start3A_55 : memref<128xi32, #tpu.memory_space<hbm>>) target(%arg12 : memref<128xi32, #tpu.memory_space<vmem>>) target_semaphore(%run_scoped3A : memref<!tpu.dma_semaphore, #tpu.memory_space<semaphore_mem>>)
      %dma_wait3A_56 = tpu.memref_slice %arg3[%add3A_29] : memref<663552xi32, #tpu.memory_space<hbm>> -> memref<128xi32, #tpu.memory_space<hbm>>
      %dma_wait3A_57 = tpu.memref_slice %arg3[%add3A_29] : memref<663552xi32, #tpu.memory_space<hbm>> -> memref<128xi32, #tpu.memory_space<hbm>>
      tpu.wait_dma2 semaphore(%run_scoped3A : memref<!tpu.dma_semaphore, #tpu.memory_space<semaphore_mem>>) src(%dma_wait3A_57 : memref<128xi32, #tpu.memory_space<hbm>>) dst(%arg12 : memref<128xi32, #tpu.memory_space<vmem>>)
      tpu.yield
    }) : () -> ()
    %dma_start3A_30 = arith.constant 0 : i32
    %dma_start3A_31 = arith.constant 0 : i32
    %dma_start3A_32 = tpu.memref_slice %arg2[%dma_start3A_30, %dma_start3A_31] : memref<10000x128xf32, #tpu.memory_space<hbm>> -> memref<10000x128xf32, #tpu.memory_space<hbm>>
    tpu.enqueue_indirect_dma source(%dma_start3A_32 : memref<10000x128xf32, #tpu.memory_space<hbm>>) target(%arg15 : memref<128x128xf32, #tpu.memory_space<vmem>>) offsets(%arg9 : memref<128xi32, #tpu.memory_space<vmem>>) semaphore(%arg18 : memref<!tpu.dma_semaphore, #tpu.memory_space<semaphore_mem>>)
    %dma_wait3A = arith.constant 0 : i32
    %dma_wait3A_33 = tpu.memref_slice %arg6[%mul3A_2, %dma_wait3A] : memref<10112x128xf32, #tpu.memory_space<vmem_shared>> -> memref<632x128xf32, #tpu.memory_space<vmem_shared>>
    %dma_wait3A_34 = arith.constant 0 : i32
    %dma_wait3A_35 = tpu.memref_slice %arg4[%mul3A_0, %dma_wait3A_34] : memref<10112x128xf32, #tpu.memory_space<hbm>> -> memref<632x128xf32, #tpu.memory_space<hbm>>
    tpu.wait_dma2 semaphore(%arg19 : memref<!tpu.dma_semaphore, #tpu.memory_space<semaphore_mem>>) src(%dma_wait3A_35 : memref<632x128xf32, #tpu.memory_space<hbm>>) dst(%dma_wait3A_33 : memref<632x128xf32, #tpu.memory_space<vmem_shared>>)
    %barrier3A = arith.constant 0 : index
    tpu.barrier barrier_id(%barrier3A)
    %scan3A = arith.constant 0 : i32
    %scan3A_36 = arith.constant 27 : i32
    %scan3A_37 = arith.addi %scan3A, %scan3A_36 : i32
    %scan3A_38 = arith.constant 1 : i32
    scf.for %scan3A_54 = %scan3A to %scan3A_37 step %scan3A_38  : i32 {
      %dma_wait3A_55 = arith.constant 0 : i32
      %dma_wait3A_56 = arith.constant 0 : i32
      %dma_wait3A_57 = tpu.memref_slice %arg2[%dma_wait3A_55, %dma_wait3A_56] : memref<10000x128xf32, #tpu.memory_space<hbm>> -> memref<10000x128xf32, #tpu.memory_space<hbm>>
      tpu.wait_indirect_dma semaphore(%arg16 : memref<!tpu.dma_semaphore, #tpu.memory_space<semaphore_mem>>) src(%dma_wait3A_57 : memref<10000x128xf32, #tpu.memory_space<hbm>>) dst(%arg13 : memref<128x128xf32, #tpu.memory_space<vmem>>)
      %dma_start3A_58 = arith.constant 0 : i32
      %dma_start3A_59 = arith.constant 0 : i32
      %dma_start3A_60 = tpu.memref_slice %arg6[%dma_start3A_58, %dma_start3A_59] : memref<10112x128xf32, #tpu.memory_space<vmem_shared>> -> memref<10112x128xf32, #tpu.memory_space<vmem_shared>>
      tpu.enqueue_indirect_dma source(%arg13 : memref<128x128xf32, #tpu.memory_space<vmem>>) target(%dma_start3A_60 : memref<10112x128xf32, #tpu.memory_space<vmem_shared>>) offsets(%arg10 : memref<128xi32, #tpu.memory_space<vmem>>) semaphore(%arg19 : memref<!tpu.dma_semaphore, #tpu.memory_space<semaphore_mem>>) {add = true}
      %dma_wait3A_61 = arith.constant 0 : i32
      %dma_wait3A_62 = arith.constant 0 : i32
      %dma_wait3A_63 = tpu.memref_slice %arg2[%dma_wait3A_61, %dma_wait3A_62] : memref<10000x128xf32, #tpu.memory_space<hbm>> -> memref<10000x128xf32, #tpu.memory_space<hbm>>
      tpu.wait_indirect_dma semaphore(%arg17 : memref<!tpu.dma_semaphore, #tpu.memory_space<semaphore_mem>>) src(%dma_wait3A_63 : memref<10000x128xf32, #tpu.memory_space<hbm>>) dst(%arg14 : memref<128x128xf32, #tpu.memory_space<vmem>>)
      %dma_start3A_64 = arith.constant 0 : i32
      %dma_start3A_65 = arith.constant 0 : i32
      %dma_start3A_66 = tpu.memref_slice %arg6[%dma_start3A_64, %dma_start3A_65] : memref<10112x128xf32, #tpu.memory_space<vmem_shared>> -> memref<10112x128xf32, #tpu.memory_space<vmem_shared>>
      tpu.enqueue_indirect_dma source(%arg14 : memref<128x128xf32, #tpu.memory_space<vmem>>) target(%dma_start3A_66 : memref<10112x128xf32, #tpu.memory_space<vmem_shared>>) offsets(%arg11 : memref<128xi32, #tpu.memory_space<vmem>>) semaphore(%arg20 : memref<!tpu.dma_semaphore, #tpu.memory_space<semaphore_mem>>) {add = true}
      %dma_wait3A_67 = arith.constant 0 : i32
      %dma_wait3A_68 = arith.constant 0 : i32
      %dma_wait3A_69 = tpu.memref_slice %arg2[%dma_wait3A_67, %dma_wait3A_68] : memref<10000x128xf32, #tpu.memory_space<hbm>> -> memref<10000x128xf32, #tpu.memory_space<hbm>>
      tpu.wait_indirect_dma semaphore(%arg18 : memref<!tpu.dma_semaphore, #tpu.memory_space<semaphore_mem>>) src(%dma_wait3A_69 : memref<10000x128xf32, #tpu.memory_space<hbm>>) dst(%arg15 : memref<128x128xf32, #tpu.memory_space<vmem>>)
      %dma_start3A_70 = arith.constant 0 : i32
      %dma_start3A_71 = arith.constant 0 : i32
      %dma_start3A_72 = tpu.memref_slice %arg6[%dma_start3A_70, %dma_start3A_71] : memref<10112x128xf32, #tpu.memory_space<vmem_shared>> -> memref<10112x128xf32, #tpu.memory_space<vmem_shared>>
      tpu.enqueue_indirect_dma source(%arg15 : memref<128x128xf32, #tpu.memory_space<vmem>>) target(%dma_start3A_72 : memref<10112x128xf32, #tpu.memory_space<vmem_shared>>) offsets(%arg12 : memref<128xi32, #tpu.memory_space<vmem>>) semaphore(%arg21 : memref<!tpu.dma_semaphore, #tpu.memory_space<semaphore_mem>>) {add = true}
      %add3A_73 = arith.constant 1 : i32
      %add3A_74 = arith.addi %scan3A_54, %add3A_73 : i32
      %mul3A_75 = arith.constant 3 : i32
      %mul3A_76 = arith.muli %add3A_74, %mul3A_75 : i32
      %min3A = arith.constant 78 : i32
      %min3A_77 = arith.minsi %mul3A_76, %min3A : i32
      %dma_wait3A_78 = arith.constant 0 : i32
      %dma_wait3A_79 = arith.constant 0 : i32
      %dma_wait3A_80 = tpu.memref_slice %arg6[%dma_wait3A_78, %dma_wait3A_79] : memref<10112x128xf32, #tpu.memory_space<vmem_shared>> -> memref<10112x128xf32, #tpu.memory_space<vmem_shared>>
      tpu.wait_indirect_dma semaphore(%arg19 : memref<!tpu.dma_semaphore, #tpu.memory_space<semaphore_mem>>) src(%arg13 : memref<128x128xf32, #tpu.memory_space<vmem>>) dst(%dma_wait3A_80 : memref<10112x128xf32, #tpu.memory_space<vmem_shared>>)
      %add3A_81 = arith.constant 0 : i32
      %add3A_82 = arith.addi %min3A_77, %add3A_81 : i32
      %mul3A_83 = arith.constant 128 : i32
      %mul3A_84 = arith.muli %add3A_82, %mul3A_83 : i32
      %add3A_85 = arith.addi %mul3A_9, %mul3A_84 : i32
      %multiple_of3A_86 = tpu.assume_multiple %add3A_85, 8 : i32
      "tpu.region"() ({
        %run_scoped3A = tpu.sem_alloc : memref<!tpu.dma_semaphore, #tpu.memory_space<semaphore_mem>>
        %dma_start3A_120 = tpu.memref_slice %arg3[%multiple_of3A_86] : memref<663552xi32, #tpu.memory_space<hbm>> -> memref<128xi32, #tpu.memory_space<hbm>>
        %dma_start3A_121 = tpu.memref_slice %arg3[%multiple_of3A_86] : memref<663552xi32, #tpu.memory_space<hbm>> -> memref<128xi32, #tpu.memory_space<hbm>>
        tpu.enqueue_dma source(%dma_start3A_121 : memref<128xi32, #tpu.memory_space<hbm>>) target(%arg7 : memref<128xi32, #tpu.memory_space<vmem>>) target_semaphore(%run_scoped3A : memref<!tpu.dma_semaphore, #tpu.memory_space<semaphore_mem>>)
        %dma_wait3A_122 = tpu.memref_slice %arg3[%multiple_of3A_86] : memref<663552xi32, #tpu.memory_space<hbm>> -> memref<128xi32, #tpu.memory_space<hbm>>
        %dma_wait3A_123 = tpu.memref_slice %arg3[%multiple_of3A_86] : memref<663552xi32, #tpu.memory_space<hbm>> -> memref<128xi32, #tpu.memory_space<hbm>>
        tpu.wait_dma2 semaphore(%run_scoped3A : memref<!tpu.dma_semaphore, #tpu.memory_space<semaphore_mem>>) src(%dma_wait3A_123 : memref<128xi32, #tpu.memory_space<hbm>>) dst(%arg7 : memref<128xi32, #tpu.memory_space<vmem>>)
        tpu.yield
      }) : () -> ()
      %add3A_87 = arith.constant 331776 : i32
      %add3A_88 = arith.addi %add3A_87, %multiple_of3A_86 : i32
      "tpu.region"() ({
        %run_scoped3A = tpu.sem_alloc : memref<!tpu.dma_semaphore, #tpu.memory_space<semaphore_mem>>
        %dma_start3A_120 = tpu.memref_slice %arg3[%add3A_88] : memref<663552xi32, #tpu.memory_space<hbm>> -> memref<128xi32, #tpu.memory_space<hbm>>
        %dma_start3A_121 = tpu.memref_slice %arg3[%add3A_88] : memref<663552xi32, #tpu.memory_space<hbm>> -> memref<128xi32, #tpu.memory_space<hbm>>
        tpu.enqueue_dma source(%dma_start3A_121 : memref<128xi32, #tpu.memory_space<hbm>>) target(%arg10 : memref<128xi32, #tpu.memory_space<vmem>>) target_semaphore(%run_scoped3A : memref<!tpu.dma_semaphore, #tpu.memory_space<semaphore_mem>>)
        %dma_wait3A_122 = tpu.memref_slice %arg3[%add3A_88] : memref<663552xi32, #tpu.memory_space<hbm>> -> memref<128xi32, #tpu.memory_space<hbm>>
        %dma_wait3A_123 = tpu.memref_slice %arg3[%add3A_88] : memref<663552xi32, #tpu.memory_space<hbm>> -> memref<128xi32, #tpu.memory_space<hbm>>
        tpu.wait_dma2 semaphore(%run_scoped3A : memref<!tpu.dma_semaphore, #tpu.memory_space<semaphore_mem>>) src(%dma_wait3A_123 : memref<128xi32, #tpu.memory_space<hbm>>) dst(%arg10 : memref<128xi32, #tpu.memory_space<vmem>>)
        tpu.yield
      }) : () -> ()
      %dma_start3A_89 = arith.constant 0 : i32
      %dma_start3A_90 = arith.constant 0 : i32
      %dma_start3A_91 = tpu.memref_slice %arg2[%dma_start3A_89, %dma_start3A_90] : memref<10000x128xf32, #tpu.memory_space<hbm>> -> memref<10000x128xf32, #tpu.memory_space<hbm>>
      tpu.enqueue_indirect_dma source(%dma_start3A_91 : memref<10000x128xf32, #tpu.memory_space<hbm>>) target(%arg13 : memref<128x128xf32, #tpu.memory_space<vmem>>) offsets(%arg7 : memref<128xi32, #tpu.memory_space<vmem>>) semaphore(%arg16 : memref<!tpu.dma_semaphore, #tpu.memory_space<semaphore_mem>>)
      %dma_wait3A_92 = arith.constant 0 : i32
      %dma_wait3A_93 = arith.constant 0 : i32
      %dma_wait3A_94 = tpu.memref_slice %arg6[%dma_wait3A_92, %dma_wait3A_93] : memref<10112x128xf32, #tpu.memory_space<vmem_shared>> -> memref<10112x128xf32, #tpu.memory_space<vmem_shared>>
      tpu.wait_indirect_dma semaphore(%arg20 : memref<!tpu.dma_semaphore, #tpu.memory_space<semaphore_mem>>) src(%arg14 : memref<128x128xf32, #tpu.memory_space<vmem>>) dst(%dma_wait3A_94 : memref<10112x128xf32, #tpu.memory_space<vmem_shared>>)
      %add3A_95 = arith.constant 1 : i32
      %add3A_96 = arith.addi %min3A_77, %add3A_95 : i32
      %mul3A_97 = arith.constant 128 : i32
      %mul3A_98 = arith.muli %add3A_96, %mul3A_97 : i32
      %add3A_99 = arith.addi %mul3A_9, %mul3A_98 : i32
      %multiple_of3A_100 = tpu.assume_multiple %add3A_99, 8 : i32
      "tpu.region"() ({
        %run_scoped3A = tpu.sem_alloc : memref<!tpu.dma_semaphore, #tpu.memory_space<semaphore_mem>>
        %dma_start3A_120 = tpu.memref_slice %arg3[%multiple_of3A_100] : memref<663552xi32, #tpu.memory_space<hbm>> -> memref<128xi32, #tpu.memory_space<hbm>>
        %dma_start3A_121 = tpu.memref_slice %arg3[%multiple_of3A_100] : memref<663552xi32, #tpu.memory_space<hbm>> -> memref<128xi32, #tpu.memory_space<hbm>>
        tpu.enqueue_dma source(%dma_start3A_121 : memref<128xi32, #tpu.memory_space<hbm>>) target(%arg8 : memref<128xi32, #tpu.memory_space<vmem>>) target_semaphore(%run_scoped3A : memref<!tpu.dma_semaphore, #tpu.memory_space<semaphore_mem>>)
        %dma_wait3A_122 = tpu.memref_slice %arg3[%multiple_of3A_100] : memref<663552xi32, #tpu.memory_space<hbm>> -> memref<128xi32, #tpu.memory_space<hbm>>
        %dma_wait3A_123 = tpu.memref_slice %arg3[%multiple_of3A_100] : memref<663552xi32, #tpu.memory_space<hbm>> -> memref<128xi32, #tpu.memory_space<hbm>>
        tpu.wait_dma2 semaphore(%run_scoped3A : memref<!tpu.dma_semaphore, #tpu.memory_space<semaphore_mem>>) src(%dma_wait3A_123 : memref<128xi32, #tpu.memory_space<hbm>>) dst(%arg8 : memref<128xi32, #tpu.memory_space<vmem>>)
        tpu.yield
      }) : () -> ()
      %add3A_101 = arith.constant 331776 : i32
      %add3A_102 = arith.addi %add3A_101, %multiple_of3A_100 : i32
      "tpu.region"() ({
        %run_scoped3A = tpu.sem_alloc : memref<!tpu.dma_semaphore, #tpu.memory_space<semaphore_mem>>
        %dma_start3A_120 = tpu.memref_slice %arg3[%add3A_102] : memref<663552xi32, #tpu.memory_space<hbm>> -> memref<128xi32, #tpu.memory_space<hbm>>
        %dma_start3A_121 = tpu.memref_slice %arg3[%add3A_102] : memref<663552xi32, #tpu.memory_space<hbm>> -> memref<128xi32, #tpu.memory_space<hbm>>
        tpu.enqueue_dma source(%dma_start3A_121 : memref<128xi32, #tpu.memory_space<hbm>>) target(%arg11 : memref<128xi32, #tpu.memory_space<vmem>>) target_semaphore(%run_scoped3A : memref<!tpu.dma_semaphore, #tpu.memory_space<semaphore_mem>>)
        %dma_wait3A_122 = tpu.memref_slice %arg3[%add3A_102] : memref<663552xi32, #tpu.memory_space<hbm>> -> memref<128xi32, #tpu.memory_space<hbm>>
        %dma_wait3A_123 = tpu.memref_slice %arg3[%add3A_102] : memref<663552xi32, #tpu.memory_space<hbm>> -> memref<128xi32, #tpu.memory_space<hbm>>
        tpu.wait_dma2 semaphore(%run_scoped3A : memref<!tpu.dma_semaphore, #tpu.memory_space<semaphore_mem>>) src(%dma_wait3A_123 : memref<128xi32, #tpu.memory_space<hbm>>) dst(%arg11 : memref<128xi32, #tpu.memory_space<vmem>>)
        tpu.yield
      }) : () -> ()
      %dma_start3A_103 = arith.constant 0 : i32
      %dma_start3A_104 = arith.constant 0 : i32
      %dma_start3A_105 = tpu.memref_slice %arg2[%dma_start3A_103, %dma_start3A_104] : memref<10000x128xf32, #tpu.memory_space<hbm>> -> memref<10000x128xf32, #tpu.memory_space<hbm>>
      tpu.enqueue_indirect_dma source(%dma_start3A_105 : memref<10000x128xf32, #tpu.memory_space<hbm>>) target(%arg14 : memref<128x128xf32, #tpu.memory_space<vmem>>) offsets(%arg8 : memref<128xi32, #tpu.memory_space<vmem>>) semaphore(%arg17 : memref<!tpu.dma_semaphore, #tpu.memory_space<semaphore_mem>>)
      %dma_wait3A_106 = arith.constant 0 : i32
      %dma_wait3A_107 = arith.constant 0 : i32
      %dma_wait3A_108 = tpu.memref_slice %arg6[%dma_wait3A_106, %dma_wait3A_107] : memref<10112x128xf32, #tpu.memory_space<vmem_shared>> -> memref<10112x128xf32, #tpu.memory_space<vmem_shared>>
      tpu.wait_indirect_dma semaphore(%arg21 : memref<!tpu.dma_semaphore, #tpu.memory_space<semaphore_mem>>) src(%arg15 : memref<128x128xf32, #tpu.memory_space<vmem>>) dst(%dma_wait3A_108 : memref<10112x128xf32, #tpu.memory_space<vmem_shared>>)
      %add3A_109 = arith.constant 2 : i32
      %add3A_110 = arith.addi %min3A_77, %add3A_109 : i32
      %mul3A_111 = arith.constant 128 : i32
      %mul3A_112 = arith.muli %add3A_110, %mul3A_111 : i32
      %add3A_113 = arith.addi %mul3A_9, %mul3A_112 : i32
      %multiple_of3A_114 = tpu.assume_multiple %add3A_113, 8 : i32
      "tpu.region"() ({
        %run_scoped3A = tpu.sem_alloc : memref<!tpu.dma_semaphore, #tpu.memory_space<semaphore_mem>>
        %dma_start3A_120 = tpu.memref_slice %arg3[%multiple_of3A_114] : memref<663552xi32, #tpu.memory_space<hbm>> -> memref<128xi32, #tpu.memory_space<hbm>>
        %dma_start3A_121 = tpu.memref_slice %arg3[%multiple_of3A_114] : memref<663552xi32, #tpu.memory_space<hbm>> -> memref<128xi32, #tpu.memory_space<hbm>>
        tpu.enqueue_dma source(%dma_start3A_121 : memref<128xi32, #tpu.memory_space<hbm>>) target(%arg9 : memref<128xi32, #tpu.memory_space<vmem>>) target_semaphore(%run_scoped3A : memref<!tpu.dma_semaphore, #tpu.memory_space<semaphore_mem>>)
        %dma_wait3A_122 = tpu.memref_slice %arg3[%multiple_of3A_114] : memref<663552xi32, #tpu.memory_space<hbm>> -> memref<128xi32, #tpu.memory_space<hbm>>
        %dma_wait3A_123 = tpu.memref_slice %arg3[%multiple_of3A_114] : memref<663552xi32, #tpu.memory_space<hbm>> -> memref<128xi32, #tpu.memory_space<hbm>>
        tpu.wait_dma2 semaphore(%run_scoped3A : memref<!tpu.dma_semaphore, #tpu.memory_space<semaphore_mem>>) src(%dma_wait3A_123 : memref<128xi32, #tpu.memory_space<hbm>>) dst(%arg9 : memref<128xi32, #tpu.memory_space<vmem>>)
        tpu.yield
      }) : () -> ()
      %add3A_115 = arith.constant 331776 : i32
      %add3A_116 = arith.addi %add3A_115, %multiple_of3A_114 : i32
      "tpu.region"() ({
        %run_scoped3A = tpu.sem_alloc : memref<!tpu.dma_semaphore, #tpu.memory_space<semaphore_mem>>
        %dma_start3A_120 = tpu.memref_slice %arg3[%add3A_116] : memref<663552xi32, #tpu.memory_space<hbm>> -> memref<128xi32, #tpu.memory_space<hbm>>
        %dma_start3A_121 = tpu.memref_slice %arg3[%add3A_116] : memref<663552xi32, #tpu.memory_space<hbm>> -> memref<128xi32, #tpu.memory_space<hbm>>
        tpu.enqueue_dma source(%dma_start3A_121 : memref<128xi32, #tpu.memory_space<hbm>>) target(%arg12 : memref<128xi32, #tpu.memory_space<vmem>>) target_semaphore(%run_scoped3A : memref<!tpu.dma_semaphore, #tpu.memory_space<semaphore_mem>>)
        %dma_wait3A_122 = tpu.memref_slice %arg3[%add3A_116] : memref<663552xi32, #tpu.memory_space<hbm>> -> memref<128xi32, #tpu.memory_space<hbm>>
        %dma_wait3A_123 = tpu.memref_slice %arg3[%add3A_116] : memref<663552xi32, #tpu.memory_space<hbm>> -> memref<128xi32, #tpu.memory_space<hbm>>
        tpu.wait_dma2 semaphore(%run_scoped3A : memref<!tpu.dma_semaphore, #tpu.memory_space<semaphore_mem>>) src(%dma_wait3A_123 : memref<128xi32, #tpu.memory_space<hbm>>) dst(%arg12 : memref<128xi32, #tpu.memory_space<vmem>>)
        tpu.yield
      }) : () -> ()
      %dma_start3A_117 = arith.constant 0 : i32
      %dma_start3A_118 = arith.constant 0 : i32
      %dma_start3A_119 = tpu.memref_slice %arg2[%dma_start3A_117, %dma_start3A_118] : memref<10000x128xf32, #tpu.memory_space<hbm>> -> memref<10000x128xf32, #tpu.memory_space<hbm>>
      tpu.enqueue_indirect_dma source(%dma_start3A_119 : memref<10000x128xf32, #tpu.memory_space<hbm>>) target(%arg15 : memref<128x128xf32, #tpu.memory_space<vmem>>) offsets(%arg9 : memref<128xi32, #tpu.memory_space<vmem>>) semaphore(%arg18 : memref<!tpu.dma_semaphore, #tpu.memory_space<semaphore_mem>>)
    }
    %scan3A_39 = arith.constant 27 : i32
    %dma_wait3A_40 = arith.constant 0 : i32
    %dma_wait3A_41 = arith.constant 0 : i32
    %dma_wait3A_42 = tpu.memref_slice %arg2[%dma_wait3A_40, %dma_wait3A_41] : memref<10000x128xf32, #tpu.memory_space<hbm>> -> memref<10000x128xf32, #tpu.memory_space<hbm>>
    tpu.wait_indirect_dma semaphore(%arg16 : memref<!tpu.dma_semaphore, #tpu.memory_space<semaphore_mem>>) src(%dma_wait3A_42 : memref<10000x128xf32, #tpu.memory_space<hbm>>) dst(%arg13 : memref<128x128xf32, #tpu.memory_space<vmem>>)
    %dma_wait3A_43 = arith.constant 0 : i32
    %dma_wait3A_44 = arith.constant 0 : i32
    %dma_wait3A_45 = tpu.memref_slice %arg2[%dma_wait3A_43, %dma_wait3A_44] : memref<10000x128xf32, #tpu.memory_space<hbm>> -> memref<10000x128xf32, #tpu.memory_space<hbm>>
    tpu.wait_indirect_dma semaphore(%arg17 : memref<!tpu.dma_semaphore, #tpu.memory_space<semaphore_mem>>) src(%dma_wait3A_45 : memref<10000x128xf32, #tpu.memory_space<hbm>>) dst(%arg14 : memref<128x128xf32, #tpu.memory_space<vmem>>)
    %dma_wait3A_46 = arith.constant 0 : i32
    %dma_wait3A_47 = arith.constant 0 : i32
    %dma_wait3A_48 = tpu.memref_slice %arg2[%dma_wait3A_46, %dma_wait3A_47] : memref<10000x128xf32, #tpu.memory_space<hbm>> -> memref<10000x128xf32, #tpu.memory_space<hbm>>
    tpu.wait_indirect_dma semaphore(%arg18 : memref<!tpu.dma_semaphore, #tpu.memory_space<semaphore_mem>>) src(%dma_wait3A_48 : memref<10000x128xf32, #tpu.memory_space<hbm>>) dst(%arg15 : memref<128x128xf32, #tpu.memory_space<vmem>>)
    %barrier3A_49 = arith.constant 0 : index
    tpu.barrier barrier_id(%barrier3A_49)
    %mul3A_50 = arith.constant 632 : i32
    %mul3A_51 = arith.muli %arg1, %mul3A_50 : i32
    %mul3A_52 = arith.constant 632 : i32
    %mul3A_53 = arith.muli %arg1, %mul3A_52 : i32
    "tpu.region"() ({
      %run_scoped3A = tpu.sem_alloc : memref<!tpu.dma_semaphore, #tpu.memory_space<semaphore_mem>>
      %dma_start3A_54 = arith.constant 0 : i32
      %dma_start3A_55 = tpu.memref_slice %arg5[%arg0, %mul3A_53, %dma_start3A_54] : memref<2x10112x128xf32, #tpu.memory_space<hbm>> -> memref<1x632x128xf32, #tpu.memory_space<hbm>>
      %dma_start3A_56 = tpu.memref_squeeze %dma_start3A_55 : memref<1x632x128xf32, #tpu.memory_space<hbm>> -> memref<632x128xf32, #tpu.memory_space<hbm>>
      %dma_start3A_57 = arith.constant 0 : i32
      %dma_start3A_58 = tpu.memref_slice %arg6[%mul3A_51, %dma_start3A_57] : memref<10112x128xf32, #tpu.memory_space<vmem_shared>> -> memref<632x128xf32, #tpu.memory_space<vmem_shared>>
      tpu.enqueue_dma source(%dma_start3A_58 : memref<632x128xf32, #tpu.memory_space<vmem_shared>>) target(%dma_start3A_56 : memref<632x128xf32, #tpu.memory_space<hbm>>) target_semaphore(%run_scoped3A : memref<!tpu.dma_semaphore, #tpu.memory_space<semaphore_mem>>)
      %dma_wait3A_59 = arith.constant 0 : i32
      %dma_wait3A_60 = tpu.memref_slice %arg5[%arg0, %mul3A_53, %dma_wait3A_59] : memref<2x10112x128xf32, #tpu.memory_space<hbm>> -> memref<1x632x128xf32, #tpu.memory_space<hbm>>
      %dma_wait3A_61 = tpu.memref_squeeze %dma_wait3A_60 : memref<1x632x128xf32, #tpu.memory_space<hbm>> -> memref<632x128xf32, #tpu.memory_space<hbm>>
      %dma_wait3A_62 = arith.constant 0 : i32
      %dma_wait3A_63 = tpu.memref_slice %arg6[%mul3A_51, %dma_wait3A_62] : memref<10112x128xf32, #tpu.memory_space<vmem_shared>> -> memref<632x128xf32, #tpu.memory_space<vmem_shared>>
      tpu.wait_dma2 semaphore(%run_scoped3A : memref<!tpu.dma_semaphore, #tpu.memory_space<semaphore_mem>>) src(%dma_wait3A_63 : memref<632x128xf32, #tpu.memory_space<vmem_shared>>) dst(%dma_wait3A_61 : memref<632x128xf32, #tpu.memory_space<hbm>>)
      tpu.yield
    }) : () -> ()
    return
  }
}

#map = affine_map<(d0, d1) -> (0, 0)>
#map1 = affine_map<(d0, d1) -> (0)>
#map2 = affine_map<(d0, d1) -> (0, 0, 0)>
module attributes {stable_mosaic.version = 14 : i64} {
  func.func @_agg_body(%arg0: i32, %arg1: i32, %arg2: memref<10000x128xf32, #tpu.memory_space<hbm>>, %arg3: memref<663552xi32, #tpu.memory_space<hbm>>, %arg4: memref<10112x128xf32, #tpu.memory_space<hbm>>, %arg5: memref<2x10112x128xf32, #tpu.memory_space<hbm>>, %arg6: memref<10112x128xf32, #tpu.memory_space<vmem_shared>>, %arg7: memref<128xi32, #tpu.memory_space<vmem>>, %arg8: memref<128xi32, #tpu.memory_space<vmem>>, %arg9: memref<128xi32, #tpu.memory_space<vmem>>, %arg10: memref<128xi32, #tpu.memory_space<vmem>>, %arg11: memref<128xi32, #tpu.memory_space<vmem>>, %arg12: memref<128xi32, #tpu.memory_space<vmem>>, %arg13: memref<128x128xf32, #tpu.memory_space<vmem>>, %arg14: memref<128x128xf32, #tpu.memory_space<vmem>>, %arg15: memref<128x128xf32, #tpu.memory_space<vmem>>, %arg16: memref<!tpu.dma_semaphore, #tpu.memory_space<semaphore_mem>>, %arg17: memref<!tpu.dma_semaphore, #tpu.memory_space<semaphore_mem>>, %arg18: memref<!tpu.dma_semaphore, #tpu.memory_space<semaphore_mem>>, %arg19: memref<!tpu.dma_semaphore, #tpu.memory_space<semaphore_mem>>, %arg20: memref<!tpu.dma_semaphore, #tpu.memory_space<semaphore_mem>>, %arg21: memref<!tpu.dma_semaphore, #tpu.memory_space<semaphore_mem>>) attributes {dimension_semantics = [#tpu.dimension_semantics<core_parallel>, #tpu.dimension_semantics<subcore_parallel>], iteration_bounds = array<i64: 2, 16>, scalar_prefetch = 0 : i64, scratch_operands = 16 : i64, tpu.core_type = #tpu.core_type<sc_vector_subcore>, window_params = [{transform_indices = #map}, {transform_indices = #map1}, {transform_indices = #map}, {transform_indices = #map2}]} {
    %mul3A = arith.constant 632 : i32
    %mul3A_0 = arith.muli %arg1, %mul3A : i32
    %mul3A_1 = arith.constant 632 : i32
    %mul3A_2 = arith.muli %arg1, %mul3A_1 : i32
    %dma_start3A = arith.constant 0 : i32
    %dma_start3A_3 = tpu.memref_slice %arg6[%mul3A_2, %dma_start3A] : memref<10112x128xf32, #tpu.memory_space<vmem_shared>> -> memref<632x128xf32, #tpu.memory_space<vmem_shared>>
    %dma_start3A_4 = arith.constant 0 : i32
    %dma_start3A_5 = tpu.memref_slice %arg4[%mul3A_0, %dma_start3A_4] : memref<10112x128xf32, #tpu.memory_space<hbm>> -> memref<632x128xf32, #tpu.memory_space<hbm>>
    tpu.enqueue_dma source(%dma_start3A_5 : memref<632x128xf32, #tpu.memory_space<hbm>>) target(%dma_start3A_3 : memref<632x128xf32, #tpu.memory_space<vmem_shared>>) target_semaphore(%arg19 : memref<!tpu.dma_semaphore, #tpu.memory_space<semaphore_mem>>)
    %mul3A_6 = arith.constant 16 : i32
    %mul3A_7 = arith.muli %arg0, %mul3A_6 : i32
    %add3A = arith.addi %mul3A_7, %arg1 : i32
    %mul3A_8 = arith.constant 10368 : i32
    %mul3A_9 = arith.muli %add3A, %mul3A_8 : i32
    %add3A_10 = arith.constant 0 : i32
    %add3A_11 = arith.addi %mul3A_9, %add3A_10 : i32
    %multiple_of3A = tpu.assume_multiple %add3A_11, 8 : i32
    "tpu.region"() ({
      %run_scoped3A = tpu.sem_alloc : memref<!tpu.dma_semaphore, #tpu.memory_space<semaphore_mem>>
      %dma_start3A_54 = tpu.memref_slice %arg3[%multiple_of3A] : memref<663552xi32, #tpu.memory_space<hbm>> -> memref<128xi32, #tpu.memory_space<hbm>>
      %dma_start3A_55 = tpu.memref_slice %arg3[%multiple_of3A] : memref<663552xi32, #tpu.memory_space<hbm>> -> memref<128xi32, #tpu.memory_space<hbm>>
      tpu.enqueue_dma source(%dma_start3A_55 : memref<128xi32, #tpu.memory_space<hbm>>) target(%arg7 : memref<128xi32, #tpu.memory_space<vmem>>) target_semaphore(%run_scoped3A : memref<!tpu.dma_semaphore, #tpu.memory_space<semaphore_mem>>)
      %dma_wait3A_56 = tpu.memref_slice %arg3[%multiple_of3A] : memref<663552xi32, #tpu.memory_space<hbm>> -> memref<128xi32, #tpu.memory_space<hbm>>
      %dma_wait3A_57 = tpu.memref_slice %arg3[%multiple_of3A] : memref<663552xi32, #tpu.memory_space<hbm>> -> memref<128xi32, #tpu.memory_space<hbm>>
      tpu.wait_dma2 semaphore(%run_scoped3A : memref<!tpu.dma_semaphore, #tpu.memory_space<semaphore_mem>>) src(%dma_wait3A_57 : memref<128xi32, #tpu.memory_space<hbm>>) dst(%arg7 : memref<128xi32, #tpu.memory_space<vmem>>)
      tpu.yield
    }) : () -> ()
    %add3A_12 = arith.constant 331776 : i32
    %add3A_13 = arith.addi %add3A_12, %multiple_of3A : i32
    "tpu.region"() ({
      %run_scoped3A = tpu.sem_alloc : memref<!tpu.dma_semaphore, #tpu.memory_space<semaphore_mem>>
      %dma_start3A_54 = tpu.memref_slice %arg3[%add3A_13] : memref<663552xi32, #tpu.memory_space<hbm>> -> memref<128xi32, #tpu.memory_space<hbm>>
      %dma_start3A_55 = tpu.memref_slice %arg3[%add3A_13] : memref<663552xi32, #tpu.memory_space<hbm>> -> memref<128xi32, #tpu.memory_space<hbm>>
      tpu.enqueue_dma source(%dma_start3A_55 : memref<128xi32, #tpu.memory_space<hbm>>) target(%arg10 : memref<128xi32, #tpu.memory_space<vmem>>) target_semaphore(%run_scoped3A : memref<!tpu.dma_semaphore, #tpu.memory_space<semaphore_mem>>)
      %dma_wait3A_56 = tpu.memref_slice %arg3[%add3A_13] : memref<663552xi32, #tpu.memory_space<hbm>> -> memref<128xi32, #tpu.memory_space<hbm>>
      %dma_wait3A_57 = tpu.memref_slice %arg3[%add3A_13] : memref<663552xi32, #tpu.memory_space<hbm>> -> memref<128xi32, #tpu.memory_space<hbm>>
      tpu.wait_dma2 semaphore(%run_scoped3A : memref<!tpu.dma_semaphore, #tpu.memory_space<semaphore_mem>>) src(%dma_wait3A_57 : memref<128xi32, #tpu.memory_space<hbm>>) dst(%arg10 : memref<128xi32, #tpu.memory_space<vmem>>)
      tpu.yield
    }) : () -> ()
    %dma_start3A_14 = arith.constant 0 : i32
    %dma_start3A_15 = arith.constant 0 : i32
    %dma_start3A_16 = tpu.memref_slice %arg2[%dma_start3A_14, %dma_start3A_15] : memref<10000x128xf32, #tpu.memory_space<hbm>> -> memref<10000x128xf32, #tpu.memory_space<hbm>>
    tpu.enqueue_indirect_dma source(%dma_start3A_16 : memref<10000x128xf32, #tpu.memory_space<hbm>>) target(%arg13 : memref<128x128xf32, #tpu.memory_space<vmem>>) offsets(%arg7 : memref<128xi32, #tpu.memory_space<vmem>>) semaphore(%arg16 : memref<!tpu.dma_semaphore, #tpu.memory_space<semaphore_mem>>)
    %add3A_17 = arith.constant 128 : i32
    %add3A_18 = arith.addi %mul3A_9, %add3A_17 : i32
    %multiple_of3A_19 = tpu.assume_multiple %add3A_18, 8 : i32
    "tpu.region"() ({
      %run_scoped3A = tpu.sem_alloc : memref<!tpu.dma_semaphore, #tpu.memory_space<semaphore_mem>>
      %dma_start3A_54 = tpu.memref_slice %arg3[%multiple_of3A_19] : memref<663552xi32, #tpu.memory_space<hbm>> -> memref<128xi32, #tpu.memory_space<hbm>>
      %dma_start3A_55 = tpu.memref_slice %arg3[%multiple_of3A_19] : memref<663552xi32, #tpu.memory_space<hbm>> -> memref<128xi32, #tpu.memory_space<hbm>>
      tpu.enqueue_dma source(%dma_start3A_55 : memref<128xi32, #tpu.memory_space<hbm>>) target(%arg8 : memref<128xi32, #tpu.memory_space<vmem>>) target_semaphore(%run_scoped3A : memref<!tpu.dma_semaphore, #tpu.memory_space<semaphore_mem>>)
      %dma_wait3A_56 = tpu.memref_slice %arg3[%multiple_of3A_19] : memref<663552xi32, #tpu.memory_space<hbm>> -> memref<128xi32, #tpu.memory_space<hbm>>
      %dma_wait3A_57 = tpu.memref_slice %arg3[%multiple_of3A_19] : memref<663552xi32, #tpu.memory_space<hbm>> -> memref<128xi32, #tpu.memory_space<hbm>>
      tpu.wait_dma2 semaphore(%run_scoped3A : memref<!tpu.dma_semaphore, #tpu.memory_space<semaphore_mem>>) src(%dma_wait3A_57 : memref<128xi32, #tpu.memory_space<hbm>>) dst(%arg8 : memref<128xi32, #tpu.memory_space<vmem>>)
      tpu.yield
    }) : () -> ()
    %add3A_20 = arith.constant 331776 : i32
    %add3A_21 = arith.addi %add3A_20, %multiple_of3A_19 : i32
    "tpu.region"() ({
      %run_scoped3A = tpu.sem_alloc : memref<!tpu.dma_semaphore, #tpu.memory_space<semaphore_mem>>
      %dma_start3A_54 = tpu.memref_slice %arg3[%add3A_21] : memref<663552xi32, #tpu.memory_space<hbm>> -> memref<128xi32, #tpu.memory_space<hbm>>
      %dma_start3A_55 = tpu.memref_slice %arg3[%add3A_21] : memref<663552xi32, #tpu.memory_space<hbm>> -> memref<128xi32, #tpu.memory_space<hbm>>
      tpu.enqueue_dma source(%dma_start3A_55 : memref<128xi32, #tpu.memory_space<hbm>>) target(%arg11 : memref<128xi32, #tpu.memory_space<vmem>>) target_semaphore(%run_scoped3A : memref<!tpu.dma_semaphore, #tpu.memory_space<semaphore_mem>>)
      %dma_wait3A_56 = tpu.memref_slice %arg3[%add3A_21] : memref<663552xi32, #tpu.memory_space<hbm>> -> memref<128xi32, #tpu.memory_space<hbm>>
      %dma_wait3A_57 = tpu.memref_slice %arg3[%add3A_21] : memref<663552xi32, #tpu.memory_space<hbm>> -> memref<128xi32, #tpu.memory_space<hbm>>
      tpu.wait_dma2 semaphore(%run_scoped3A : memref<!tpu.dma_semaphore, #tpu.memory_space<semaphore_mem>>) src(%dma_wait3A_57 : memref<128xi32, #tpu.memory_space<hbm>>) dst(%arg11 : memref<128xi32, #tpu.memory_space<vmem>>)
      tpu.yield
    }) : () -> ()
    %dma_start3A_22 = arith.constant 0 : i32
    %dma_start3A_23 = arith.constant 0 : i32
    %dma_start3A_24 = tpu.memref_slice %arg2[%dma_start3A_22, %dma_start3A_23] : memref<10000x128xf32, #tpu.memory_space<hbm>> -> memref<10000x128xf32, #tpu.memory_space<hbm>>
    tpu.enqueue_indirect_dma source(%dma_start3A_24 : memref<10000x128xf32, #tpu.memory_space<hbm>>) target(%arg14 : memref<128x128xf32, #tpu.memory_space<vmem>>) offsets(%arg8 : memref<128xi32, #tpu.memory_space<vmem>>) semaphore(%arg17 : memref<!tpu.dma_semaphore, #tpu.memory_space<semaphore_mem>>)
    %add3A_25 = arith.constant 256 : i32
    %add3A_26 = arith.addi %mul3A_9, %add3A_25 : i32
    %multiple_of3A_27 = tpu.assume_multiple %add3A_26, 8 : i32
    "tpu.region"() ({
      %run_scoped3A = tpu.sem_alloc : memref<!tpu.dma_semaphore, #tpu.memory_space<semaphore_mem>>
      %dma_start3A_54 = tpu.memref_slice %arg3[%multiple_of3A_27] : memref<663552xi32, #tpu.memory_space<hbm>> -> memref<128xi32, #tpu.memory_space<hbm>>
      %dma_start3A_55 = tpu.memref_slice %arg3[%multiple_of3A_27] : memref<663552xi32, #tpu.memory_space<hbm>> -> memref<128xi32, #tpu.memory_space<hbm>>
      tpu.enqueue_dma source(%dma_start3A_55 : memref<128xi32, #tpu.memory_space<hbm>>) target(%arg9 : memref<128xi32, #tpu.memory_space<vmem>>) target_semaphore(%run_scoped3A : memref<!tpu.dma_semaphore, #tpu.memory_space<semaphore_mem>>)
      %dma_wait3A_56 = tpu.memref_slice %arg3[%multiple_of3A_27] : memref<663552xi32, #tpu.memory_space<hbm>> -> memref<128xi32, #tpu.memory_space<hbm>>
      %dma_wait3A_57 = tpu.memref_slice %arg3[%multiple_of3A_27] : memref<663552xi32, #tpu.memory_space<hbm>> -> memref<128xi32, #tpu.memory_space<hbm>>
      tpu.wait_dma2 semaphore(%run_scoped3A : memref<!tpu.dma_semaphore, #tpu.memory_space<semaphore_mem>>) src(%dma_wait3A_57 : memref<128xi32, #tpu.memory_space<hbm>>) dst(%arg9 : memref<128xi32, #tpu.memory_space<vmem>>)
      tpu.yield
    }) : () -> ()
    %add3A_28 = arith.constant 331776 : i32
    %add3A_29 = arith.addi %add3A_28, %multiple_of3A_27 : i32
    "tpu.region"() ({
      %run_scoped3A = tpu.sem_alloc : memref<!tpu.dma_semaphore, #tpu.memory_space<semaphore_mem>>
      %dma_start3A_54 = tpu.memref_slice %arg3[%add3A_29] : memref<663552xi32, #tpu.memory_space<hbm>> -> memref<128xi32, #tpu.memory_space<hbm>>
      %dma_start3A_55 = tpu.memref_slice %arg3[%add3A_29] : memref<663552xi32, #tpu.memory_space<hbm>> -> memref<128xi32, #tpu.memory_space<hbm>>
      tpu.enqueue_dma source(%dma_start3A_55 : memref<128xi32, #tpu.memory_space<hbm>>) target(%arg12 : memref<128xi32, #tpu.memory_space<vmem>>) target_semaphore(%run_scoped3A : memref<!tpu.dma_semaphore, #tpu.memory_space<semaphore_mem>>)
      %dma_wait3A_56 = tpu.memref_slice %arg3[%add3A_29] : memref<663552xi32, #tpu.memory_space<hbm>> -> memref<128xi32, #tpu.memory_space<hbm>>
      %dma_wait3A_57 = tpu.memref_slice %arg3[%add3A_29] : memref<663552xi32, #tpu.memory_space<hbm>> -> memref<128xi32, #tpu.memory_space<hbm>>
      tpu.wait_dma2 semaphore(%run_scoped3A : memref<!tpu.dma_semaphore, #tpu.memory_space<semaphore_mem>>) src(%dma_wait3A_57 : memref<128xi32, #tpu.memory_space<hbm>>) dst(%arg12 : memref<128xi32, #tpu.memory_space<vmem>>)
      tpu.yield
    }) : () -> ()
    %dma_start3A_30 = arith.constant 0 : i32
    %dma_start3A_31 = arith.constant 0 : i32
    %dma_start3A_32 = tpu.memref_slice %arg2[%dma_start3A_30, %dma_start3A_31] : memref<10000x128xf32, #tpu.memory_space<hbm>> -> memref<10000x128xf32, #tpu.memory_space<hbm>>
    tpu.enqueue_indirect_dma source(%dma_start3A_32 : memref<10000x128xf32, #tpu.memory_space<hbm>>) target(%arg15 : memref<128x128xf32, #tpu.memory_space<vmem>>) offsets(%arg9 : memref<128xi32, #tpu.memory_space<vmem>>) semaphore(%arg18 : memref<!tpu.dma_semaphore, #tpu.memory_space<semaphore_mem>>)
    %dma_wait3A = arith.constant 0 : i32
    %dma_wait3A_33 = tpu.memref_slice %arg6[%mul3A_2, %dma_wait3A] : memref<10112x128xf32, #tpu.memory_space<vmem_shared>> -> memref<632x128xf32, #tpu.memory_space<vmem_shared>>
    %dma_wait3A_34 = arith.constant 0 : i32
    %dma_wait3A_35 = tpu.memref_slice %arg4[%mul3A_0, %dma_wait3A_34] : memref<10112x128xf32, #tpu.memory_space<hbm>> -> memref<632x128xf32, #tpu.memory_space<hbm>>
    tpu.wait_dma2 semaphore(%arg19 : memref<!tpu.dma_semaphore, #tpu.memory_space<semaphore_mem>>) src(%dma_wait3A_35 : memref<632x128xf32, #tpu.memory_space<hbm>>) dst(%dma_wait3A_33 : memref<632x128xf32, #tpu.memory_space<vmem_shared>>)
    %barrier3A = arith.constant 0 : index
    tpu.barrier barrier_id(%barrier3A)
    %scan3A = arith.constant 0 : i32
    %scan3A_36 = arith.constant 27 : i32
    %scan3A_37 = arith.addi %scan3A, %scan3A_36 : i32
    %scan3A_38 = arith.constant 1 : i32
    scf.for %scan3A_54 = %scan3A to %scan3A_37 step %scan3A_38  : i32 {
      %dma_wait3A_55 = arith.constant 0 : i32
      %dma_wait3A_56 = arith.constant 0 : i32
      %dma_wait3A_57 = tpu.memref_slice %arg2[%dma_wait3A_55, %dma_wait3A_56] : memref<10000x128xf32, #tpu.memory_space<hbm>> -> memref<10000x128xf32, #tpu.memory_space<hbm>>
      tpu.wait_indirect_dma semaphore(%arg16 : memref<!tpu.dma_semaphore, #tpu.memory_space<semaphore_mem>>) src(%dma_wait3A_57 : memref<10000x128xf32, #tpu.memory_space<hbm>>) dst(%arg13 : memref<128x128xf32, #tpu.memory_space<vmem>>)
      %dma_start3A_58 = arith.constant 0 : i32
      %dma_start3A_59 = arith.constant 0 : i32
      %dma_start3A_60 = tpu.memref_slice %arg6[%dma_start3A_58, %dma_start3A_59] : memref<10112x128xf32, #tpu.memory_space<vmem_shared>> -> memref<10112x128xf32, #tpu.memory_space<vmem_shared>>
      tpu.enqueue_indirect_dma source(%arg13 : memref<128x128xf32, #tpu.memory_space<vmem>>) target(%dma_start3A_60 : memref<10112x128xf32, #tpu.memory_space<vmem_shared>>) offsets(%arg10 : memref<128xi32, #tpu.memory_space<vmem>>) semaphore(%arg19 : memref<!tpu.dma_semaphore, #tpu.memory_space<semaphore_mem>>) {add = true}
      %dma_wait3A_61 = arith.constant 0 : i32
      %dma_wait3A_62 = arith.constant 0 : i32
      %dma_wait3A_63 = tpu.memref_slice %arg2[%dma_wait3A_61, %dma_wait3A_62] : memref<10000x128xf32, #tpu.memory_space<hbm>> -> memref<10000x128xf32, #tpu.memory_space<hbm>>
      tpu.wait_indirect_dma semaphore(%arg17 : memref<!tpu.dma_semaphore, #tpu.memory_space<semaphore_mem>>) src(%dma_wait3A_63 : memref<10000x128xf32, #tpu.memory_space<hbm>>) dst(%arg14 : memref<128x128xf32, #tpu.memory_space<vmem>>)
      %dma_start3A_64 = arith.constant 0 : i32
      %dma_start3A_65 = arith.constant 0 : i32
      %dma_start3A_66 = tpu.memref_slice %arg6[%dma_start3A_64, %dma_start3A_65] : memref<10112x128xf32, #tpu.memory_space<vmem_shared>> -> memref<10112x128xf32, #tpu.memory_space<vmem_shared>>
      tpu.enqueue_indirect_dma source(%arg14 : memref<128x128xf32, #tpu.memory_space<vmem>>) target(%dma_start3A_66 : memref<10112x128xf32, #tpu.memory_space<vmem_shared>>) offsets(%arg11 : memref<128xi32, #tpu.memory_space<vmem>>) semaphore(%arg20 : memref<!tpu.dma_semaphore, #tpu.memory_space<semaphore_mem>>) {add = true}
      %dma_wait3A_67 = arith.constant 0 : i32
      %dma_wait3A_68 = arith.constant 0 : i32
      %dma_wait3A_69 = tpu.memref_slice %arg2[%dma_wait3A_67, %dma_wait3A_68] : memref<10000x128xf32, #tpu.memory_space<hbm>> -> memref<10000x128xf32, #tpu.memory_space<hbm>>
      tpu.wait_indirect_dma semaphore(%arg18 : memref<!tpu.dma_semaphore, #tpu.memory_space<semaphore_mem>>) src(%dma_wait3A_69 : memref<10000x128xf32, #tpu.memory_space<hbm>>) dst(%arg15 : memref<128x128xf32, #tpu.memory_space<vmem>>)
      %dma_start3A_70 = arith.constant 0 : i32
      %dma_start3A_71 = arith.constant 0 : i32
      %dma_start3A_72 = tpu.memref_slice %arg6[%dma_start3A_70, %dma_start3A_71] : memref<10112x128xf32, #tpu.memory_space<vmem_shared>> -> memref<10112x128xf32, #tpu.memory_space<vmem_shared>>
      tpu.enqueue_indirect_dma source(%arg15 : memref<128x128xf32, #tpu.memory_space<vmem>>) target(%dma_start3A_72 : memref<10112x128xf32, #tpu.memory_space<vmem_shared>>) offsets(%arg12 : memref<128xi32, #tpu.memory_space<vmem>>) semaphore(%arg21 : memref<!tpu.dma_semaphore, #tpu.memory_space<semaphore_mem>>) {add = true}
      %add3A_73 = arith.constant 1 : i32
      %add3A_74 = arith.addi %scan3A_54, %add3A_73 : i32
      %mul3A_75 = arith.constant 3 : i32
      %mul3A_76 = arith.muli %add3A_74, %mul3A_75 : i32
      %min3A = arith.constant 78 : i32
      %min3A_77 = arith.minsi %mul3A_76, %min3A : i32
      %dma_wait3A_78 = arith.constant 0 : i32
      %dma_wait3A_79 = arith.constant 0 : i32
      %dma_wait3A_80 = tpu.memref_slice %arg6[%dma_wait3A_78, %dma_wait3A_79] : memref<10112x128xf32, #tpu.memory_space<vmem_shared>> -> memref<10112x128xf32, #tpu.memory_space<vmem_shared>>
      tpu.wait_indirect_dma semaphore(%arg19 : memref<!tpu.dma_semaphore, #tpu.memory_space<semaphore_mem>>) src(%arg13 : memref<128x128xf32, #tpu.memory_space<vmem>>) dst(%dma_wait3A_80 : memref<10112x128xf32, #tpu.memory_space<vmem_shared>>)
      %add3A_81 = arith.constant 0 : i32
      %add3A_82 = arith.addi %min3A_77, %add3A_81 : i32
      %mul3A_83 = arith.constant 128 : i32
      %mul3A_84 = arith.muli %add3A_82, %mul3A_83 : i32
      %add3A_85 = arith.addi %mul3A_9, %mul3A_84 : i32
      %multiple_of3A_86 = tpu.assume_multiple %add3A_85, 8 : i32
      "tpu.region"() ({
        %run_scoped3A = tpu.sem_alloc : memref<!tpu.dma_semaphore, #tpu.memory_space<semaphore_mem>>
        %dma_start3A_120 = tpu.memref_slice %arg3[%multiple_of3A_86] : memref<663552xi32, #tpu.memory_space<hbm>> -> memref<128xi32, #tpu.memory_space<hbm>>
        %dma_start3A_121 = tpu.memref_slice %arg3[%multiple_of3A_86] : memref<663552xi32, #tpu.memory_space<hbm>> -> memref<128xi32, #tpu.memory_space<hbm>>
        tpu.enqueue_dma source(%dma_start3A_121 : memref<128xi32, #tpu.memory_space<hbm>>) target(%arg7 : memref<128xi32, #tpu.memory_space<vmem>>) target_semaphore(%run_scoped3A : memref<!tpu.dma_semaphore, #tpu.memory_space<semaphore_mem>>)
        %dma_wait3A_122 = tpu.memref_slice %arg3[%multiple_of3A_86] : memref<663552xi32, #tpu.memory_space<hbm>> -> memref<128xi32, #tpu.memory_space<hbm>>
        %dma_wait3A_123 = tpu.memref_slice %arg3[%multiple_of3A_86] : memref<663552xi32, #tpu.memory_space<hbm>> -> memref<128xi32, #tpu.memory_space<hbm>>
        tpu.wait_dma2 semaphore(%run_scoped3A : memref<!tpu.dma_semaphore, #tpu.memory_space<semaphore_mem>>) src(%dma_wait3A_123 : memref<128xi32, #tpu.memory_space<hbm>>) dst(%arg7 : memref<128xi32, #tpu.memory_space<vmem>>)
        tpu.yield
      }) : () -> ()
      %add3A_87 = arith.constant 331776 : i32
      %add3A_88 = arith.addi %add3A_87, %multiple_of3A_86 : i32
      "tpu.region"() ({
        %run_scoped3A = tpu.sem_alloc : memref<!tpu.dma_semaphore, #tpu.memory_space<semaphore_mem>>
        %dma_start3A_120 = tpu.memref_slice %arg3[%add3A_88] : memref<663552xi32, #tpu.memory_space<hbm>> -> memref<128xi32, #tpu.memory_space<hbm>>
        %dma_start3A_121 = tpu.memref_slice %arg3[%add3A_88] : memref<663552xi32, #tpu.memory_space<hbm>> -> memref<128xi32, #tpu.memory_space<hbm>>
        tpu.enqueue_dma source(%dma_start3A_121 : memref<128xi32, #tpu.memory_space<hbm>>) target(%arg10 : memref<128xi32, #tpu.memory_space<vmem>>) target_semaphore(%run_scoped3A : memref<!tpu.dma_semaphore, #tpu.memory_space<semaphore_mem>>)
        %dma_wait3A_122 = tpu.memref_slice %arg3[%add3A_88] : memref<663552xi32, #tpu.memory_space<hbm>> -> memref<128xi32, #tpu.memory_space<hbm>>
        %dma_wait3A_123 = tpu.memref_slice %arg3[%add3A_88] : memref<663552xi32, #tpu.memory_space<hbm>> -> memref<128xi32, #tpu.memory_space<hbm>>
        tpu.wait_dma2 semaphore(%run_scoped3A : memref<!tpu.dma_semaphore, #tpu.memory_space<semaphore_mem>>) src(%dma_wait3A_123 : memref<128xi32, #tpu.memory_space<hbm>>) dst(%arg10 : memref<128xi32, #tpu.memory_space<vmem>>)
        tpu.yield
      }) : () -> ()
      %dma_start3A_89 = arith.constant 0 : i32
      %dma_start3A_90 = arith.constant 0 : i32
      %dma_start3A_91 = tpu.memref_slice %arg2[%dma_start3A_89, %dma_start3A_90] : memref<10000x128xf32, #tpu.memory_space<hbm>> -> memref<10000x128xf32, #tpu.memory_space<hbm>>
      tpu.enqueue_indirect_dma source(%dma_start3A_91 : memref<10000x128xf32, #tpu.memory_space<hbm>>) target(%arg13 : memref<128x128xf32, #tpu.memory_space<vmem>>) offsets(%arg7 : memref<128xi32, #tpu.memory_space<vmem>>) semaphore(%arg16 : memref<!tpu.dma_semaphore, #tpu.memory_space<semaphore_mem>>)
      %dma_wait3A_92 = arith.constant 0 : i32
      %dma_wait3A_93 = arith.constant 0 : i32
      %dma_wait3A_94 = tpu.memref_slice %arg6[%dma_wait3A_92, %dma_wait3A_93] : memref<10112x128xf32, #tpu.memory_space<vmem_shared>> -> memref<10112x128xf32, #tpu.memory_space<vmem_shared>>
      tpu.wait_indirect_dma semaphore(%arg20 : memref<!tpu.dma_semaphore, #tpu.memory_space<semaphore_mem>>) src(%arg14 : memref<128x128xf32, #tpu.memory_space<vmem>>) dst(%dma_wait3A_94 : memref<10112x128xf32, #tpu.memory_space<vmem_shared>>)
      %add3A_95 = arith.constant 1 : i32
      %add3A_96 = arith.addi %min3A_77, %add3A_95 : i32
      %mul3A_97 = arith.constant 128 : i32
      %mul3A_98 = arith.muli %add3A_96, %mul3A_97 : i32
      %add3A_99 = arith.addi %mul3A_9, %mul3A_98 : i32
      %multiple_of3A_100 = tpu.assume_multiple %add3A_99, 8 : i32
      "tpu.region"() ({
        %run_scoped3A = tpu.sem_alloc : memref<!tpu.dma_semaphore, #tpu.memory_space<semaphore_mem>>
        %dma_start3A_120 = tpu.memref_slice %arg3[%multiple_of3A_100] : memref<663552xi32, #tpu.memory_space<hbm>> -> memref<128xi32, #tpu.memory_space<hbm>>
        %dma_start3A_121 = tpu.memref_slice %arg3[%multiple_of3A_100] : memref<663552xi32, #tpu.memory_space<hbm>> -> memref<128xi32, #tpu.memory_space<hbm>>
        tpu.enqueue_dma source(%dma_start3A_121 : memref<128xi32, #tpu.memory_space<hbm>>) target(%arg8 : memref<128xi32, #tpu.memory_space<vmem>>) target_semaphore(%run_scoped3A : memref<!tpu.dma_semaphore, #tpu.memory_space<semaphore_mem>>)
        %dma_wait3A_122 = tpu.memref_slice %arg3[%multiple_of3A_100] : memref<663552xi32, #tpu.memory_space<hbm>> -> memref<128xi32, #tpu.memory_space<hbm>>
        %dma_wait3A_123 = tpu.memref_slice %arg3[%multiple_of3A_100] : memref<663552xi32, #tpu.memory_space<hbm>> -> memref<128xi32, #tpu.memory_space<hbm>>
        tpu.wait_dma2 semaphore(%run_scoped3A : memref<!tpu.dma_semaphore, #tpu.memory_space<semaphore_mem>>) src(%dma_wait3A_123 : memref<128xi32, #tpu.memory_space<hbm>>) dst(%arg8 : memref<128xi32, #tpu.memory_space<vmem>>)
        tpu.yield
      }) : () -> ()
      %add3A_101 = arith.constant 331776 : i32
      %add3A_102 = arith.addi %add3A_101, %multiple_of3A_100 : i32
      "tpu.region"() ({
        %run_scoped3A = tpu.sem_alloc : memref<!tpu.dma_semaphore, #tpu.memory_space<semaphore_mem>>
        %dma_start3A_120 = tpu.memref_slice %arg3[%add3A_102] : memref<663552xi32, #tpu.memory_space<hbm>> -> memref<128xi32, #tpu.memory_space<hbm>>
        %dma_start3A_121 = tpu.memref_slice %arg3[%add3A_102] : memref<663552xi32, #tpu.memory_space<hbm>> -> memref<128xi32, #tpu.memory_space<hbm>>
        tpu.enqueue_dma source(%dma_start3A_121 : memref<128xi32, #tpu.memory_space<hbm>>) target(%arg11 : memref<128xi32, #tpu.memory_space<vmem>>) target_semaphore(%run_scoped3A : memref<!tpu.dma_semaphore, #tpu.memory_space<semaphore_mem>>)
        %dma_wait3A_122 = tpu.memref_slice %arg3[%add3A_102] : memref<663552xi32, #tpu.memory_space<hbm>> -> memref<128xi32, #tpu.memory_space<hbm>>
        %dma_wait3A_123 = tpu.memref_slice %arg3[%add3A_102] : memref<663552xi32, #tpu.memory_space<hbm>> -> memref<128xi32, #tpu.memory_space<hbm>>
        tpu.wait_dma2 semaphore(%run_scoped3A : memref<!tpu.dma_semaphore, #tpu.memory_space<semaphore_mem>>) src(%dma_wait3A_123 : memref<128xi32, #tpu.memory_space<hbm>>) dst(%arg11 : memref<128xi32, #tpu.memory_space<vmem>>)
        tpu.yield
      }) : () -> ()
      %dma_start3A_103 = arith.constant 0 : i32
      %dma_start3A_104 = arith.constant 0 : i32
      %dma_start3A_105 = tpu.memref_slice %arg2[%dma_start3A_103, %dma_start3A_104] : memref<10000x128xf32, #tpu.memory_space<hbm>> -> memref<10000x128xf32, #tpu.memory_space<hbm>>
      tpu.enqueue_indirect_dma source(%dma_start3A_105 : memref<10000x128xf32, #tpu.memory_space<hbm>>) target(%arg14 : memref<128x128xf32, #tpu.memory_space<vmem>>) offsets(%arg8 : memref<128xi32, #tpu.memory_space<vmem>>) semaphore(%arg17 : memref<!tpu.dma_semaphore, #tpu.memory_space<semaphore_mem>>)
      %dma_wait3A_106 = arith.constant 0 : i32
      %dma_wait3A_107 = arith.constant 0 : i32
      %dma_wait3A_108 = tpu.memref_slice %arg6[%dma_wait3A_106, %dma_wait3A_107] : memref<10112x128xf32, #tpu.memory_space<vmem_shared>> -> memref<10112x128xf32, #tpu.memory_space<vmem_shared>>
      tpu.wait_indirect_dma semaphore(%arg21 : memref<!tpu.dma_semaphore, #tpu.memory_space<semaphore_mem>>) src(%arg15 : memref<128x128xf32, #tpu.memory_space<vmem>>) dst(%dma_wait3A_108 : memref<10112x128xf32, #tpu.memory_space<vmem_shared>>)
      %add3A_109 = arith.constant 2 : i32
      %add3A_110 = arith.addi %min3A_77, %add3A_109 : i32
      %mul3A_111 = arith.constant 128 : i32
      %mul3A_112 = arith.muli %add3A_110, %mul3A_111 : i32
      %add3A_113 = arith.addi %mul3A_9, %mul3A_112 : i32
      %multiple_of3A_114 = tpu.assume_multiple %add3A_113, 8 : i32
      "tpu.region"() ({
        %run_scoped3A = tpu.sem_alloc : memref<!tpu.dma_semaphore, #tpu.memory_space<semaphore_mem>>
        %dma_start3A_120 = tpu.memref_slice %arg3[%multiple_of3A_114] : memref<663552xi32, #tpu.memory_space<hbm>> -> memref<128xi32, #tpu.memory_space<hbm>>
        %dma_start3A_121 = tpu.memref_slice %arg3[%multiple_of3A_114] : memref<663552xi32, #tpu.memory_space<hbm>> -> memref<128xi32, #tpu.memory_space<hbm>>
        tpu.enqueue_dma source(%dma_start3A_121 : memref<128xi32, #tpu.memory_space<hbm>>) target(%arg9 : memref<128xi32, #tpu.memory_space<vmem>>) target_semaphore(%run_scoped3A : memref<!tpu.dma_semaphore, #tpu.memory_space<semaphore_mem>>)
        %dma_wait3A_122 = tpu.memref_slice %arg3[%multiple_of3A_114] : memref<663552xi32, #tpu.memory_space<hbm>> -> memref<128xi32, #tpu.memory_space<hbm>>
        %dma_wait3A_123 = tpu.memref_slice %arg3[%multiple_of3A_114] : memref<663552xi32, #tpu.memory_space<hbm>> -> memref<128xi32, #tpu.memory_space<hbm>>
        tpu.wait_dma2 semaphore(%run_scoped3A : memref<!tpu.dma_semaphore, #tpu.memory_space<semaphore_mem>>) src(%dma_wait3A_123 : memref<128xi32, #tpu.memory_space<hbm>>) dst(%arg9 : memref<128xi32, #tpu.memory_space<vmem>>)
        tpu.yield
      }) : () -> ()
      %add3A_115 = arith.constant 331776 : i32
      %add3A_116 = arith.addi %add3A_115, %multiple_of3A_114 : i32
      "tpu.region"() ({
        %run_scoped3A = tpu.sem_alloc : memref<!tpu.dma_semaphore, #tpu.memory_space<semaphore_mem>>
        %dma_start3A_120 = tpu.memref_slice %arg3[%add3A_116] : memref<663552xi32, #tpu.memory_space<hbm>> -> memref<128xi32, #tpu.memory_space<hbm>>
        %dma_start3A_121 = tpu.memref_slice %arg3[%add3A_116] : memref<663552xi32, #tpu.memory_space<hbm>> -> memref<128xi32, #tpu.memory_space<hbm>>
        tpu.enqueue_dma source(%dma_start3A_121 : memref<128xi32, #tpu.memory_space<hbm>>) target(%arg12 : memref<128xi32, #tpu.memory_space<vmem>>) target_semaphore(%run_scoped3A : memref<!tpu.dma_semaphore, #tpu.memory_space<semaphore_mem>>)
        %dma_wait3A_122 = tpu.memref_slice %arg3[%add3A_116] : memref<663552xi32, #tpu.memory_space<hbm>> -> memref<128xi32, #tpu.memory_space<hbm>>
        %dma_wait3A_123 = tpu.memref_slice %arg3[%add3A_116] : memref<663552xi32, #tpu.memory_space<hbm>> -> memref<128xi32, #tpu.memory_space<hbm>>
        tpu.wait_dma2 semaphore(%run_scoped3A : memref<!tpu.dma_semaphore, #tpu.memory_space<semaphore_mem>>) src(%dma_wait3A_123 : memref<128xi32, #tpu.memory_space<hbm>>) dst(%arg12 : memref<128xi32, #tpu.memory_space<vmem>>)
        tpu.yield
      }) : () -> ()
      %dma_start3A_117 = arith.constant 0 : i32
      %dma_start3A_118 = arith.constant 0 : i32
      %dma_start3A_119 = tpu.memref_slice %arg2[%dma_start3A_117, %dma_start3A_118] : memref<10000x128xf32, #tpu.memory_space<hbm>> -> memref<10000x128xf32, #tpu.memory_space<hbm>>
      tpu.enqueue_indirect_dma source(%dma_start3A_119 : memref<10000x128xf32, #tpu.memory_space<hbm>>) target(%arg15 : memref<128x128xf32, #tpu.memory_space<vmem>>) offsets(%arg9 : memref<128xi32, #tpu.memory_space<vmem>>) semaphore(%arg18 : memref<!tpu.dma_semaphore, #tpu.memory_space<semaphore_mem>>)
    }
    %scan3A_39 = arith.constant 27 : i32
    %dma_wait3A_40 = arith.constant 0 : i32
    %dma_wait3A_41 = arith.constant 0 : i32
    %dma_wait3A_42 = tpu.memref_slice %arg2[%dma_wait3A_40, %dma_wait3A_41] : memref<10000x128xf32, #tpu.memory_space<hbm>> -> memref<10000x128xf32, #tpu.memory_space<hbm>>
    tpu.wait_indirect_dma semaphore(%arg16 : memref<!tpu.dma_semaphore, #tpu.memory_space<semaphore_mem>>) src(%dma_wait3A_42 : memref<10000x128xf32, #tpu.memory_space<hbm>>) dst(%arg13 : memref<128x128xf32, #tpu.memory_space<vmem>>)
    %dma_wait3A_43 = arith.constant 0 : i32
    %dma_wait3A_44 = arith.constant 0 : i32
    %dma_wait3A_45 = tpu.memref_slice %arg2[%dma_wait3A_43, %dma_wait3A_44] : memref<10000x128xf32, #tpu.memory_space<hbm>> -> memref<10000x128xf32, #tpu.memory_space<hbm>>
    tpu.wait_indirect_dma semaphore(%arg17 : memref<!tpu.dma_semaphore, #tpu.memory_space<semaphore_mem>>) src(%dma_wait3A_45 : memref<10000x128xf32, #tpu.memory_space<hbm>>) dst(%arg14 : memref<128x128xf32, #tpu.memory_space<vmem>>)
    %dma_wait3A_46 = arith.constant 0 : i32
    %dma_wait3A_47 = arith.constant 0 : i32
    %dma_wait3A_48 = tpu.memref_slice %arg2[%dma_wait3A_46, %dma_wait3A_47] : memref<10000x128xf32, #tpu.memory_space<hbm>> -> memref<10000x128xf32, #tpu.memory_space<hbm>>
    tpu.wait_indirect_dma semaphore(%arg18 : memref<!tpu.dma_semaphore, #tpu.memory_space<semaphore_mem>>) src(%dma_wait3A_48 : memref<10000x128xf32, #tpu.memory_space<hbm>>) dst(%arg15 : memref<128x128xf32, #tpu.memory_space<vmem>>)
    %barrier3A_49 = arith.constant 0 : index
    tpu.barrier barrier_id(%barrier3A_49)
    %mul3A_50 = arith.constant 632 : i32
    %mul3A_51 = arith.muli %arg1, %mul3A_50 : i32
    %mul3A_52 = arith.constant 632 : i32
    %mul3A_53 = arith.muli %arg1, %mul3A_52 : i32
    "tpu.region"() ({
      %run_scoped3A = tpu.sem_alloc : memref<!tpu.dma_semaphore, #tpu.memory_space<semaphore_mem>>
      %dma_start3A_54 = arith.constant 0 : i32
      %dma_start3A_55 = tpu.memref_slice %arg5[%arg0, %mul3A_53, %dma_start3A_54] : memref<2x10112x128xf32, #tpu.memory_space<hbm>> -> memref<1x632x128xf32, #tpu.memory_space<hbm>>
      %dma_start3A_56 = tpu.memref_squeeze %dma_start3A_55 : memref<1x632x128xf32, #tpu.memory_space<hbm>> -> memref<632x128xf32, #tpu.memory_space<hbm>>
      %dma_start3A_57 = arith.constant 0 : i32
      %dma_start3A_58 = tpu.memref_slice %arg6[%mul3A_51, %dma_start3A_57] : memref<10112x128xf32, #tpu.memory_space<vmem_shared>> -> memref<632x128xf32, #tpu.memory_space<vmem_shared>>
      tpu.enqueue_dma source(%dma_start3A_58 : memref<632x128xf32, #tpu.memory_space<vmem_shared>>) target(%dma_start3A_56 : memref<632x128xf32, #tpu.memory_space<hbm>>) target_semaphore(%run_scoped3A : memref<!tpu.dma_semaphore, #tpu.memory_space<semaphore_mem>>)
      %dma_wait3A_59 = arith.constant 0 : i32
      %dma_wait3A_60 = tpu.memref_slice %arg5[%arg0, %mul3A_53, %dma_wait3A_59] : memref<2x10112x128xf32, #tpu.memory_space<hbm>> -> memref<1x632x128xf32, #tpu.memory_space<hbm>>
      %dma_wait3A_61 = tpu.memref_squeeze %dma_wait3A_60 : memref<1x632x128xf32, #tpu.memory_space<hbm>> -> memref<632x128xf32, #tpu.memory_space<hbm>>
      %dma_wait3A_62 = arith.constant 0 : i32
      %dma_wait3A_63 = tpu.memref_slice %arg6[%mul3A_51, %dma_wait3A_62] : memref<10112x128xf32, #tpu.memory_space<vmem_shared>> -> memref<632x128xf32, #tpu.memory_space<vmem_shared>>
      tpu.wait_dma2 semaphore(%run_scoped3A : memref<!tpu.dma_semaphore, #tpu.memory_space<semaphore_mem>>) src(%dma_wait3A_63 : memref<632x128xf32, #tpu.memory_space<vmem_shared>>) dst(%dma_wait3A_61 : memref<632x128xf32, #tpu.memory_space<hbm>>)
      tpu.yield
    }) : () -> ()
    return
  }
}

module attributes {stable_mosaic.version = 14 : i64} {
  func.func @_tc1_body(%arg0: i32, %arg1: memref<2000x128xf32, #tpu.memory_space<vmem>>, %arg2: memref<2000x1xf32, #tpu.memory_space<vmem>>, %arg3: memref<128x128xf32, #tpu.memory_space<vmem>>, %arg4: memref<2000x128xf32, #tpu.memory_space<vmem>>) attributes {dimension_semantics = [#tpu.dimension_semantics<arbitrary>], iteration_bounds = array<i64: 5>, scalar_prefetch = 0 : i64, scratch_operands = 0 : i64, tpu.core_type = #tpu.core_type<tc>, window_params = [{transform_indices = @transform_0, window_bounds = array<i64: 2000, 128>}, {transform_indices = @transform_1, window_bounds = array<i64: 2000, 1>}, {pipeline_mode = #tpu.pipeline_mode<synchronous>, transform_indices = @transform_2, window_bounds = array<i64: 128, 128>}, {transform_indices = @transform_3, window_bounds = array<i64: 2000, 128>}]} {
    %get3A = arith.constant 0 : index
    %get3A_0 = arith.constant 0 : index
    %get3A_1 = vector.load %arg1[%get3A, %get3A_0] : memref<2000x128xf32, #tpu.memory_space<vmem>>, vector<2000x128xf32>
    %get3A_2 = arith.constant 0 : index
    %get3A_3 = arith.constant 0 : index
    %get3A_4 = vector.load %arg2[%get3A_2, %get3A_3] : memref<2000x1xf32, #tpu.memory_space<vmem>>, vector<2000x1xf32>
    %mul3A = vector.broadcast %get3A_4 : vector<2000x1xf32> to vector<2000x128xf32>
    %mul3A_5 = arith.mulf %get3A_1, %mul3A : vector<2000x128xf32>
    %get3A_6 = arith.constant 0 : index
    %get3A_7 = arith.constant 0 : index
    %get3A_8 = vector.load %arg3[%get3A_6, %get3A_7] : memref<128x128xf32, #tpu.memory_space<vmem>>, vector<128x128xf32>
    %dot_general3A = arith.constant dense<0.000000e+00> : vector<2000x128xf32>
    %dot_general3A_9 = tpu.matmul %mul3A_5, %get3A_8, %dot_general3A {dimension_numbers = #tpu.dot_dimension_numbers<[1], [0], [0], [1], [0, 0, 1, 1], [], []>, transpose_lhs_hint = false} : vector<2000x128xf32>, vector<128x128xf32>, vector<2000x128xf32> -> vector<2000x128xf32>
    %swap3A = arith.constant 0 : index
    %swap3A_10 = arith.constant 0 : index
    %swap3A_11 = vector.load %arg4[%swap3A, %swap3A_10] : memref<2000x128xf32, #tpu.memory_space<vmem>>, vector<2000x128xf32>
    tpu.vector_store %arg4[%swap3A, %swap3A_10], %dot_general3A_9 {strides = array<i32>} : memref<2000x128xf32, #tpu.memory_space<vmem>>, vector<2000x128xf32>,
    return
  }
  func.func @transform_0(%arg0: i32) -> (i32, i32) {
    %c0_i32 = arith.constant 0 : i32
    %c0_i32_0 = arith.constant 0 : i32
    return %arg0, %c0_i32 : i32, i32
  }
  func.func @transform_1(%arg0: i32) -> (i32, i32) {
    %c0_i32 = arith.constant 0 : i32
    %c0_i32_0 = arith.constant 0 : i32
    return %arg0, %c0_i32 : i32, i32
  }
  func.func @transform_2(%arg0: i32) -> (i32, i32) {
    %c0_i32 = arith.constant 0 : i32
    %c0_i32_0 = arith.constant 0 : i32
    %c0_i32_1 = arith.constant 0 : i32
    return %c0_i32, %c0_i32_0 : i32, i32
  }
  func.func @transform_3(%arg0: i32) -> (i32, i32) {
    %c0_i32 = arith.constant 0 : i32
    %c0_i32_0 = arith.constant 0 : i32
    return %arg0, %c0_i32 : i32, i32
  }
}

module attributes {stable_mosaic.version = 14 : i64} {
  func.func @_tc2_body(%arg0: i32, %arg1: memref<2x2000x128xf32, #tpu.memory_space<vmem>>, %arg2: memref<2000x1xf32, #tpu.memory_space<vmem>>, %arg3: memref<2000x1xf32, #tpu.memory_space<vmem>>, %arg4: memref<1x128xf32, #tpu.memory_space<vmem>>, %arg5: memref<128x128xf32, #tpu.memory_space<vmem>>, %arg6: memref<2000x128xf32, #tpu.memory_space<vmem>>) attributes {dimension_semantics = [#tpu.dimension_semantics<arbitrary>], iteration_bounds = array<i64: 5>, scalar_prefetch = 0 : i64, scratch_operands = 0 : i64, tpu.core_type = #tpu.core_type<tc>, window_params = [{transform_indices = @transform_0, window_bounds = array<i64: 2, 2000, 128>}, {transform_indices = @transform_1, window_bounds = array<i64: 2000, 1>}, {transform_indices = @transform_2, window_bounds = array<i64: 2000, 1>}, {pipeline_mode = #tpu.pipeline_mode<synchronous>, transform_indices = @transform_3, window_bounds = array<i64: 1, 128>}, {pipeline_mode = #tpu.pipeline_mode<synchronous>, transform_indices = @transform_4, window_bounds = array<i64: 128, 128>}, {transform_indices = @transform_5, window_bounds = array<i64: 2000, 128>}]} {
    %get3A = arith.constant 0 : index
    %get3A_0 = arith.constant 0 : index
    %get3A_1 = arith.constant 0 : index
    %get3A_2 = vector.load %arg1[%get3A, %get3A_0, %get3A_1] : memref<2x2000x128xf32, #tpu.memory_space<vmem>>, vector<1x2000x128xf32>
    %get3A_3 = vector.shape_cast %get3A_2 : vector<1x2000x128xf32> to vector<2000x128xf32>
    %get3A_4 = arith.constant 1 : index
    %get3A_5 = arith.constant 0 : index
    %get3A_6 = arith.constant 0 : index
    %get3A_7 = vector.load %arg1[%get3A_4, %get3A_5, %get3A_6] : memref<2x2000x128xf32, #tpu.memory_space<vmem>>, vector<1x2000x128xf32>
    %get3A_8 = vector.shape_cast %get3A_7 : vector<1x2000x128xf32> to vector<2000x128xf32>
    %add3A = arith.addf %get3A_3, %get3A_8 : vector<2000x128xf32>
    %get3A_9 = arith.constant 0 : index
    %get3A_10 = arith.constant 0 : index
    %get3A_11 = vector.load %arg2[%get3A_9, %get3A_10] : memref<2000x1xf32, #tpu.memory_space<vmem>>, vector<2000x1xf32>
    %mul3A = vector.broadcast %get3A_11 : vector<2000x1xf32> to vector<2000x128xf32>
    %mul3A_12 = arith.mulf %add3A, %mul3A : vector<2000x128xf32>
    %get3A_13 = arith.constant 0 : index
    %get3A_14 = arith.constant 0 : index
    %get3A_15 = vector.load %arg4[%get3A_13, %get3A_14] : memref<1x128xf32, #tpu.memory_space<vmem>>, vector<1x128xf32>
    %add3A_16 = vector.broadcast %get3A_15 : vector<1x128xf32> to vector<2000x128xf32>
    %add3A_17 = arith.addf %mul3A_12, %add3A_16 : vector<2000x128xf32>
    %max3A = arith.constant 0.000000e+00 : f32
    %max3A_18 = vector.broadcast %max3A : f32 to vector<2000x128xf32>
    %max3A_19 = arith.maximumf %add3A_17, %max3A_18 : vector<2000x128xf32>
    %get3A_20 = arith.constant 0 : index
    %get3A_21 = arith.constant 0 : index
    %get3A_22 = vector.load %arg3[%get3A_20, %get3A_21] : memref<2000x1xf32, #tpu.memory_space<vmem>>, vector<2000x1xf32>
    %mul3A_23 = vector.broadcast %get3A_22 : vector<2000x1xf32> to vector<2000x128xf32>
    %mul3A_24 = arith.mulf %max3A_19, %mul3A_23 : vector<2000x128xf32>
    %get3A_25 = arith.constant 0 : index
    %get3A_26 = arith.constant 0 : index
    %get3A_27 = vector.load %arg5[%get3A_25, %get3A_26] : memref<128x128xf32, #tpu.memory_space<vmem>>, vector<128x128xf32>
    %dot_general3A = arith.constant dense<0.000000e+00> : vector<2000x128xf32>
    %dot_general3A_28 = tpu.matmul %mul3A_24, %get3A_27, %dot_general3A {dimension_numbers = #tpu.dot_dimension_numbers<[1], [0], [0], [1], [0, 0, 1, 1], [], []>, transpose_lhs_hint = false} : vector<2000x128xf32>, vector<128x128xf32>, vector<2000x128xf32> -> vector<2000x128xf32>
    %swap3A = arith.constant 0 : index
    %swap3A_29 = arith.constant 0 : index
    %swap3A_30 = vector.load %arg6[%swap3A, %swap3A_29] : memref<2000x128xf32, #tpu.memory_space<vmem>>, vector<2000x128xf32>
    tpu.vector_store %arg6[%swap3A, %swap3A_29], %dot_general3A_28 {strides = array<i32>} : memref<2000x128xf32, #tpu.memory_space<vmem>>, vector<2000x128xf32>,
    return
  }
  func.func @transform_0(%arg0: i32) -> (i32, i32, i32) {
    %c0_i32 = arith.constant 0 : i32
    %c0_i32_0 = arith.constant 0 : i32
    %c0_i32_1 = arith.constant 0 : i32
    return %c0_i32, %arg0, %c0_i32_0 : i32, i32, i32
  }
  func.func @transform_1(%arg0: i32) -> (i32, i32) {
    %c0_i32 = arith.constant 0 : i32
    %c0_i32_0 = arith.constant 0 : i32
    return %arg0, %c0_i32 : i32, i32
  }
  func.func @transform_2(%arg0: i32) -> (i32, i32) {
    %c0_i32 = arith.constant 0 : i32
    %c0_i32_0 = arith.constant 0 : i32
    return %arg0, %c0_i32 : i32, i32
  }
  func.func @transform_3(%arg0: i32) -> (i32, i32) {
    %c0_i32 = arith.constant 0 : i32
    %c0_i32_0 = arith.constant 0 : i32
    %c0_i32_1 = arith.constant 0 : i32
    return %c0_i32, %c0_i32_0 : i32, i32
  }
  func.func @transform_4(%arg0: i32) -> (i32, i32) {
    %c0_i32 = arith.constant 0 : i32
    %c0_i32_0 = arith.constant 0 : i32
    %c0_i32_1 = arith.constant 0 : i32
    return %c0_i32, %c0_i32_0 : i32, i32
  }
  func.func @transform_5(%arg0: i32) -> (i32, i32) {
    %c0_i32 = arith.constant 0 : i32
    %c0_i32_0 = arith.constant 0 : i32
    return %arg0, %c0_i32 : i32, i32
  }
}

module attributes {stable_mosaic.version = 14 : i64} {
  func.func @_tc3_body(%arg0: i32, %arg1: memref<2x2000x128xf32, #tpu.memory_space<vmem>>, %arg2: memref<2000x1xf32, #tpu.memory_space<vmem>>, %arg3: memref<1x128xf32, #tpu.memory_space<vmem>>, %arg4: memref<2000x128xf32, #tpu.memory_space<vmem>>) attributes {dimension_semantics = [#tpu.dimension_semantics<arbitrary>], iteration_bounds = array<i64: 5>, scalar_prefetch = 0 : i64, scratch_operands = 0 : i64, tpu.core_type = #tpu.core_type<tc>, window_params = [{transform_indices = @transform_0, window_bounds = array<i64: 2, 2000, 128>}, {transform_indices = @transform_1, window_bounds = array<i64: 2000, 1>}, {pipeline_mode = #tpu.pipeline_mode<synchronous>, transform_indices = @transform_2, window_bounds = array<i64: 1, 128>}, {transform_indices = @transform_3, window_bounds = array<i64: 2000, 128>}]} {
    %get3A = arith.constant 0 : index
    %get3A_0 = arith.constant 0 : index
    %get3A_1 = arith.constant 0 : index
    %get3A_2 = vector.load %arg1[%get3A, %get3A_0, %get3A_1] : memref<2x2000x128xf32, #tpu.memory_space<vmem>>, vector<1x2000x128xf32>
    %get3A_3 = vector.shape_cast %get3A_2 : vector<1x2000x128xf32> to vector<2000x128xf32>
    %get3A_4 = arith.constant 1 : index
    %get3A_5 = arith.constant 0 : index
    %get3A_6 = arith.constant 0 : index
    %get3A_7 = vector.load %arg1[%get3A_4, %get3A_5, %get3A_6] : memref<2x2000x128xf32, #tpu.memory_space<vmem>>, vector<1x2000x128xf32>
    %get3A_8 = vector.shape_cast %get3A_7 : vector<1x2000x128xf32> to vector<2000x128xf32>
    %add3A = arith.addf %get3A_3, %get3A_8 : vector<2000x128xf32>
    %get3A_9 = arith.constant 0 : index
    %get3A_10 = arith.constant 0 : index
    %get3A_11 = vector.load %arg2[%get3A_9, %get3A_10] : memref<2000x1xf32, #tpu.memory_space<vmem>>, vector<2000x1xf32>
    %mul3A = vector.broadcast %get3A_11 : vector<2000x1xf32> to vector<2000x128xf32>
    %mul3A_12 = arith.mulf %add3A, %mul3A : vector<2000x128xf32>
    %get3A_13 = arith.constant 0 : index
    %get3A_14 = arith.constant 0 : index
    %get3A_15 = vector.load %arg3[%get3A_13, %get3A_14] : memref<1x128xf32, #tpu.memory_space<vmem>>, vector<1x128xf32>
    %add3A_16 = vector.broadcast %get3A_15 : vector<1x128xf32> to vector<2000x128xf32>
    %add3A_17 = arith.addf %mul3A_12, %add3A_16 : vector<2000x128xf32>
    %swap3A = arith.constant 0 : index
    %swap3A_18 = arith.constant 0 : index
    %swap3A_19 = vector.load %arg4[%swap3A, %swap3A_18] : memref<2000x128xf32, #tpu.memory_space<vmem>>, vector<2000x128xf32>
    tpu.vector_store %arg4[%swap3A, %swap3A_18], %add3A_17 {strides = array<i32>} : memref<2000x128xf32, #tpu.memory_space<vmem>>, vector<2000x128xf32>,
    return
  }
  func.func @transform_0(%arg0: i32) -> (i32, i32, i32) {
    %c0_i32 = arith.constant 0 : i32
    %c0_i32_0 = arith.constant 0 : i32
    %c0_i32_1 = arith.constant 0 : i32
    return %c0_i32, %arg0, %c0_i32_0 : i32, i32, i32
  }
  func.func @transform_1(%arg0: i32) -> (i32, i32) {
    %c0_i32 = arith.constant 0 : i32
    %c0_i32_0 = arith.constant 0 : i32
    return %arg0, %c0_i32 : i32, i32
  }
  func.func @transform_2(%arg0: i32) -> (i32, i32) {
    %c0_i32 = arith.constant 0 : i32
    %c0_i32_0 = arith.constant 0 : i32
    %c0_i32_1 = arith.constant 0 : i32
    return %c0_i32, %c0_i32_0 : i32, i32
  }
  func.func @transform_3(%arg0: i32) -> (i32, i32) {
    %c0_i32 = arith.constant 0 : i32
    %c0_i32_0 = arith.constant 0 : i32
    return %arg0, %c0_i32 : i32, i32
  }
}

</mosaic_0001>

<sc_bundles>
// kernel: kernel.11.cloned.1.call-start
scs
__scs_entry_jumppad:
0x0: {  	(pc) =	sbr.rel $0x88, $3  }
0x1: {  	(tag) =	ssettag $0x0;
	lr =	simm.s32 $0x1  }
0x2: {  	[smem:$0x3F9B] =	sst lr;
	_ =	strace $0xD0000000  }
0x3: {  	_ = 	snop  }
0x4: {  	_ = 	snop  }
0x5: {  	_ = 	snop  }
0x6: {  	_ = 	snop  }
0x7: {  	_ = 	snop  }
__scs_overlays_trampoline_lowered:
0x8: {  	[smem:$0x3FAA] =	sst s0  }
0x9: {  	[smem:$0x3FAB] =	sst s1  }
0xa: {  	[smem:$0x3FAC] =	sst s2  }
0xb: {  	[smem:$0x3FAD] =	sst s3  }
0xc: {  	[smem:$0x3FAE] =	sst s4  }
0xd: {  	[smem:$0x3FAF] =	sst s5  }
0xe: {  	[smem:$0x3FB0] =	sst s6  }
0xf: {  	[smem:$0x3FB1] =	sst s7  }
0x10: {  	[smem:$0x3FB2] =	sst s8  }
0x11: {  	[smem:$0x3FB3] =	sst s9;
	s0 =	simm.s32 @!p0 $0x0  }
0x12: {  	s1 =	sld [smem:$0x3F99];
	s0 =	simm.s32 @p0 $0x1  }
0x13: {  	[smem:$0x3FB4] =	sst s0;
	s0 =	simm.s32 @!p1 $0x0  }
0x14: {  	s2 =	sld [smem:$0x3F98];
	s0 =	simm.s32 @p1 $0x1  }
0x15: {  	[smem:$0x3FB5] =	sst s0;
	s0 =	simm.s32 @!p2 $0x0  }
0x16: {  	s3 =	sld [smem:$0x3FDB];
	s0 =	simm.s32 @p2 $0x1  }
0x17: {  	s4 =	simm.s32 $0x1BF5;
	[smem:$0x3FB7] =	sst s0  }
0x18: {  	s0 =	sld [smem:$0x3F9A];
	_ =	swait.ge [sflag:s4], $0x0  }
0x19: {  	s7 =	sld [smem:$0x3F9B]  }
0x1a: {  	s8 =	sadd.s32 $0xFFFFE003, lr  }
0x1b: {  	s9 =	sadd.s32 $0xFFFFFEF7, lr;
	s5 =	simm.s32 $0xFFFFFFFF;
	p2 =	slt.u32 s8, $0xFFFFF086  }
0x1c: {  	p1 =	slt.u32 s9, $0xF7A;
	s5 =	simm.s32 @!p2 $0x0  }
0x1d: {  	s5 =	simm.s32 @p1 $0x1;
	p0 =	seq.s32 s7, s2  }
0x1e: {  	s7 =	smul.u32 @!p0 $0xF7A, s2;
	p2 =	seq.s32 @!p0 s5, $0x0  }
0x1f: {  	s9 =	smul.u32 $0xF7A, s1;
	s8 =	simm.s32 @!p0 $0x1BF5;
	p2 =	por !p2, p0  }
0x20: {  	[sflag:s8] =	ssyncset.s32 @!p0 $0xFFFFF086;
	s6 =	sadd.s32 @!p0 s3, s7;
	s7 =	simm.s32 @!p0 $0x108  }
0x21: {  	s3 =	sadd.s32 s3, s9;
	s6 =	sadd.s32 @!p0 $0x88, s6;
	s7 =	simm.s32 @p2 $0x1082  }
0x22: {  	[simem:s7], [sflag:s8] =	dma.local @!p0 [hbm:s6], $0xF7A  }
0x23: {  	s9 =	sor.u32 $0xD0000000, s2;
	s6 =	simm.s32 $0x108;
	_ =	swait.ge @!p0 [sflag:s8], $0x0  }
0x24: {  	s3 =	sadd.s32 $0x88, s3;
	s6 =	simm.s32 @!p1 $0x1082;
	[sflag:s4] =	ssyncset.s32 $0xFFFFF086  }
0x25: {  	[simem:s6], [sflag:s4] =	dma.local [hbm:s3], $0xF7A  }
0x26: {  	[smem:$0x3F9B] =	sst s1;
	(tag) =	ssettag s2;
	_ =	strace s9  }
0x27: {  	s1 =	sld [smem:$0x3FAB]  }
0x28: {  	s2 =	sld [smem:$0x3FAC]  }
0x29: {  	s4 =	sld [smem:$0x3FAE]  }
0x2a: {  	p0 =	seq.s32 s5, $0x0;
	s5 =	sld [smem:$0x3FAF]  }
0x2b: {  	s6 =	sld [smem:$0x3FB0]  }
0x2c: {  	s7 =	sld [smem:$0x3FB1]  }
0x2d: {  	s3 =	simm.s32 $0x108;
	s8 =	sld [smem:$0x3FB2]  }
0x2e: {  	s3 =	simm.s32 @!p0 $0x1082;
	s9 =	sld [smem:$0x3FB3]  }
0x2f: {  	lr =	sadd.s32 s0, s3;
	s0 =	sld [smem:$0x3FAA]  }
0x30: {  	s3 =	sld [smem:$0x3FAD]  }
0x31: {  	[smem:$0x3FB6] =	sst s10  }
0x32: {  	s10 =	sld [smem:$0x3FB4];
	_ =	sdelay $0x3  }
0x33: {  	p0 =	seq.s32 s10, $0x1;
	s10 =	sld [smem:$0x3FB6];
	_ =	sdelay $0x3  }
0x34: {  	[smem:$0x3FB6] =	sst s10  }
0x35: {  	s10 =	sld [smem:$0x3FB5];
	_ =	sdelay $0x3  }
0x36: {  	p1 =	seq.s32 s10, $0x1;
	s10 =	sld [smem:$0x3FB6];
	_ =	sdelay $0x3  }
0x37: {  	[smem:$0x3FB6] =	sst s10  }
0x38: {  	s10 =	sld [smem:$0x3FB7]  }
0x39: {  	_ = 	snop;
	(pc) =	sbr.ind lr, $3  }
0x3a: {  	_ = 	snop  }
0x3b: {  	_ = 	snop  }
0x3c: {  	p2 =	seq.s32 s10, $0x1;
	s10 =	sld [smem:$0x3FB6]  }
0x3d: {  	_ =	shalt  }
0x3e: {  	_ =	shalt  }
0x3f: {  	_ =	shalt  }
0x40: {  	_ =	shalt  }
0x41: {  	_ =	shalt  }
0x42: {  	_ =	shalt  }
0x43: {  	_ =	shalt  }
0x44: {  	_ =	shalt  }
0x45: {  	_ =	shalt  }
0x46: {  	_ =	shalt  }
0x47: {  	_ =	shalt  }
0x48: {  	_ =	shalt  }
0x49: {  	_ =	shalt  }
0x4a: {  	_ =	shalt  }
0x4b: {  	_ =	shalt  }
0x4c: {  	_ =	shalt  }
0x4d: {  	_ =	shalt  }
0x4e: {  	_ =	shalt  }
0x4f: {  	_ =	shalt  }
0x50: {  	_ =	shalt  }
0x51: {  	_ =	shalt  }
0x52: {  	_ =	shalt  }
0x53: {  	_ =	shalt  }
0x54: {  	_ =	shalt  }
0x55: {  	_ =	shalt  }
0x56: {  	_ =	shalt  }
0x57: {  	_ =	shalt  }
0x58: {  	_ =	shalt  }
0x59: {  	_ =	shalt  }
0x5a: {  	_ =	shalt  }
0x5b: {  	_ =	shalt  }
0x5c: {  	_ =	shalt  }
0x5d: {  	_ =	shalt  }
0x5e: {  	_ =	shalt  }
0x5f: {  	_ =	shalt  }
0x60: {  	_ =	shalt  }
0x61: {  	_ =	shalt  }
0x62: {  	_ =	shalt  }
0x63: {  	_ =	shalt  }
0x64: {  	_ =	shalt  }
0x65: {  	_ =	shalt  }
0x66: {  	_ =	shalt  }
0x67: {  	_ =	shalt  }
0x68: {  	_ =	shalt  }
0x69: {  	_ =	shalt  }
0x6a: {  	_ =	shalt  }
0x6b: {  	_ =	shalt  }
0x6c: {  	_ =	shalt  }
0x6d: {  	_ =	shalt  }
0x6e: {  	_ =	shalt  }
0x6f: {  	_ =	shalt  }
0x70: {  	_ =	shalt  }
0x71: {  	_ =	shalt  }
0x72: {  	_ =	shalt  }
0x73: {  	_ =	shalt  }
0x74: {  	_ =	shalt  }
0x75: {  	_ =	shalt  }
0x76: {  	_ =	shalt  }
0x77: {  	_ =	shalt  }
0x78: {  	_ =	shalt  }
0x79: {  	_ =	shalt  }
0x7a: {  	_ =	shalt  }
0x7b: {  	_ =	shalt  }
0x7c: {  	_ =	shalt  }
0x7d: {  	_ =	shalt  }
0x7e: {  	_ =	shalt  }
0x7f: {  	_ =	shalt  }
0x80: {  	_ =	shalt  }
0x81: {  	_ =	shalt  }
0x82: {  	_ =	shalt  }
0x83: {  	_ =	shalt  }
0x84: {  	_ =	shalt  }
0x85: {  	_ =	shalt  }
0x86: {  	_ =	shalt  }
0x87: {  	_ =	shalt  }
.Lfunc_end0:
.L_simem_size_0:
called_computation.1_lowered:
.L_overlay_start_0:
0x88: {  	s2 =	sld [smem:$0x3FD9]  }
0x89: {  	s3 =	sld [smem:$0x3FFE];
	_ =	sdelay $0x1  }
0x8a: {  	s1 =	srdreg.scid  }
0x8b: {  	s0 =	sand.u32 $0x1, s1  }
0x8c: {  	s17 =	sshll.u32 s0, $0xA;
	s2 =	sadd.s32 s3, s2  }
0x8d: {  	s2 =	sadd.s32 s2, s17  }
0x8e: {  	[smem:$0x3FC2] =	sst s2  }
0x8f: {  	_ = 	snop  }
0x90: {  	s2 =	sld [smem:$0x3FD0];
	(tm) =	ssettm $0x1  }
0x91: {  	s18 =	sld [smem:$0x3FFB];
	_ =	sdelay $0x3  }
0x92: {  	_ =	strace s18  }
0x93: {  	s3 =	sld [smem:$0x3FFC];
	_ =	sdelay $0x3  }
0x94: {  	_ =	strace s3  }
0x95: {  	s3 =	sld [smem:$0x3FFD];
	_ =	sdelay $0x3  }
0x96: {  	_ =	strace s3  }
0x97: {  	_ =	strace $0x8FFFFFFF  }
0x98: {  	s19 =	sld [smem:$0x3FDB];
	_ =	sdelay $0x1  }
0x99: {  	s4 =	simm.s32 $_scs_section_size  }
0x9a: {  	s5 =	simm.s32 $_size__tile_overlayer_lowered;
	s6 =	simm.s32 $_tile_overlayer_lowered  }
0x9b: {  	s22 =	simm.s32 $0x1BFF;
	s21 =	sshll.u32 s6, $0x1;
	s3 =	sadd.s32 s4, s19  }
0x9c: {  	s7 =	simm.s32 $0x0;
	s20 =	sshll.u32 s5, $0x1;
	s5 =	sadd.s32 s21, s3  }
0x9d: {  	[timem:s7], [sflag:s22] =	dma.local [hbm:s5], s20  }
0x9e: {  	_ =	swait.ge [sflag:s22], s20  }
0x9f: {  	s4 =	ssub.s32 $0x0, s20;
	[sflag:s22] =	ssyncset.done $0x0  }
0xa0: {  	[sflag:s22] =	ssyncadd.s32 s4;
	_ =	sdelay $0x1  }
0xa1: {  	s23 =	simm.s32 $0x1B8B  }
0xa2: {  	_ =	swait.ge [sflag:s23], $0x1  }
0xa3: {  	[sflag:s23] =	ssyncset.done $0x0  }
0xa4: {  	s25 =	simm.s32 $0x1B8E;
	s24 =	sld [smem:$0x3FFE];
	[sflag:s23] =	ssyncadd.s32 $0xFFFFFFFF  }
0xa5: {  	s26 =	simm.s32 $execute0_lowered;
	[smem:$0x3FD2] =	sst s25  }
0xa6: {  	s5 =	sshll.u32 s26, $0x1;
	_ =	strace $0x80000049;
	[dreg:$0x1] =	wrdreg $0xFFFFFFFF  }
0xa7: {  	s28 =	simm.s32 $_size_execute0_lowered;
	s3 =	sadd.s32 s3, s5;
	[dreg:$0x0] =	wrdreg $0x0  }
0xa8: {  	s5 =	sshll.u32 s28, $0x1;
	[dreg:$0x2] =	wrdreg s3  }
0xa9: {  	[dreg:$0x3] =	wrdreg s5  }
0xaa: {  	[dreg:$0x4] =	wrdreg $0xC0  }
0xab: {  	_ =	task [dreg:s7], $0x5FFFF  }
0xac: {  	[dreg:$0x1] =	wrdreg $0xFFFFFFFF  }
0xad: {  	[dreg:$0x0] =	wrdreg $0x60  }
0xae: {  	[dreg:$0x2] =	wrdreg s2  }
0xaf: {  	[dreg:$0x3] =	wrdreg s24  }
0xb0: {  	[dreg:$0x4] =	wrdreg $0x0  }
0xb1: {  	[dreg:$0x5] =	wrdreg $0x9  }
0xb2: {  	_ =	task.clear_ibuf [dreg:s7], $0x6FFFF;
	_ =	strace $0x90000049  }
0xb3: {  	s29 =	simm.s32 $0x9;
	_ =	strace $0x8000004B  }
0xb4: {  	_ =	swait.ge [sflag:s29], $0x1  }
0xb5: {  	[sflag:s29] =	ssyncadd.s32 $0xFFFFFFFF  }
0xb6: {  	_ =	strace $0x9000004B  }
0xb7: {  	_ =	sfence  }
0xb8: {  	s30 =	sld [smem:$0x0];
	_ =	sdelay $0x2  }
0xb9: {  	s31 =	sshll.u32 s1, $0xD;
	s1 =	sshrl.u32 s1, $0x2  }
0xba: {  	s3 =	sand.u32 $0x4000, s31;
	s1 =	sadd.s32 s1, s30  }
0xbb: {  	s0 =	sor.u32 s3, s0;
	s1 =	sshll.u32 s1, $0x11  }
0xbc: {  	s0 =	sor.u32 s1, s0  }
0xbd: {  	s0 =	sadd.s32 $0x8F2B, s0  }
0xbe: {  	[sflag:s0] =	ssyncadd.remote.s32 $0x1  }
0xbf: {  	_ =	sfence.sel $0xFFFF  }
0xc0: {  	[dreg:$0x0] =	wrdreg $0xFFFFFFFF;
	(pc) =	sbr.abs _section_cstart, $3  }
0xc1: {  	[dreg:$0x1] =	wrdreg $0xFFFFFFFF  }
0xc2: {  	_ =	task.clear_ibuf [dreg:s7], $0x2FFFF;
	_ =	strace $0x9FFFFFFF  }
0xc3: {  	(tm) =	ssettm $0x7FFFFFFF  }
tec
execute0_lowered:
.L_overlay_start_1:
0x0: {  	(tag) =	ssettag $0x1  }
0x1: {  	s1 =	rddreg [dreg:$0x0]  }
0x2: {  	s0 =	rddreg [dreg:$0x1];
	s10 =	stileid.u32  }
0x3: {  	s2 =	srdreg.scid;
	s3 =	rddreg [dreg:$0x2]  }
0x4: {  	s4 =	simm.s32 $0x0;
	s28 =	simm.s32 $0x13E00;
	s29 =	simm.s32 $0x17F00  }
0x5: {  	s30 =	simm.s32 $0x13D00;
	s31 =	simm.s32 $0x13E80;
	s13 =	simm.s32 $0x3  }
0x6: {  	s14 =	simm.s32 $0x5;
	s15 =	simm.s32 $0x0;
	s5 =	smul.u32 $0x13C00, s10  }
0x7: {  	s2 =	sand.u32 $0x1, s2;
	[smem:$0x7FF] =	sst s4;
	s9 =	smul.u32 $0x4F000, s10  }
0x8: {  	s19 =	sshll.u32 s10, $0x6;
	s6 =	smul.u32 $0x13C000, s2;
	_ =	strace $0x8000004A  }
0x9: {  	s8 =	ssub.s32 $0x2, s2;
	s2 =	sshll.u32 s2, $0x4;
	[dreg:$0x5] =	wrdreg s19  }
0xa: {  	s7 =	sshrl.u32 s5, $0x3;
	s17 =	sshrl.u32 s8, $0x1;
	s2 =	sor.u32 s10, s2  }
0xb: {  	s9 =	sshrl.u32 s9, $0x2;
	s6 =	sadd.s32 s5, s6;
	s5 =	sadd.s32 $0x3400, s0  }
0xc: {  	s7 =	sadd.s32 s7, s0;
	s8 =	ssub.s32 s8, s17;
	s18 =	sadd.s32 s9, s3  }
0xd: {  	s9 =	simm.s32 $0x2;
	s6 =	sshrl.u32 s6, $0x3;
	s7 =	sadd.s32 $0x17800, s7  }
0xe: {  	s26 =	smax.u32 s8, $0x1;
	s8 =	simm.s32 $0x6;
	s0 =	sadd.s32 s6, s0  }
0xf: {  	s6 =	smul.u32 $0x2880, s2;
	[dreg:$0x4] =	wrdreg s7;
	s7 =	sor.u32 $0x1C04, s19  }
0x10: {  	[dreg:$0xd] =	wrdreg s26;
	s26 =	simm.s32 $0x13C80;
	s2 =	simm.s32 $0x1BF00  }
0x11: {  	[dreg:$0x6] =	wrdreg s7;
	s0 =	sadd.s32 $0x3F000, s0;
	s20 =	sshrl.u32 s6, $0x3  }
0x12: {  	s10 =	sadd.s32 $0x80, s6;
	s12 =	sadd.s32 $0x100, s6;
	s11 =	sadd.s32 s5, s20  }
0x13: {  	[dreg:$0xc] =	wrdreg s0;
	s21 =	sshrl.u32 s10, $0x3;
	s22 =	sadd.s32 $0xA200, s11  }
0x14: {  	s0 =	simm.s32 $0x4;
	s7 =	sadd.s32 s5, s21;
	[dreg:$0x7] =	wrdreg s22  }
0x15: {  	s23 =	sshrl.u32 s12, $0x3;
	s24 =	sadd.s32 $0xA210, s11;
	[dreg:$0x8] =	wrdreg s7  }
0x16: {  	s20 =	sshrl.u32 s18, $0x3;
	s25 =	sadd.s32 $0xA220, s11;
	[dreg:$0x9] =	wrdreg s24  }
0x17: {  	s21 =	simm.s32 $0x13C00;
	s7 =	sadd.s32 s5, s23;
	[dreg:$0xb] =	wrdreg s25  }
0x18: {  	s22 =	simm.s32 $0x7;
	s23 =	simm.s32 $0x13D80;
	s24 =	simm.s32 $0x80  }
0x19: {  	s25 =	simm.s32 $0x13F00;
	[dreg:$0xa] =	wrdreg s7;
	s7 =	simm.s32 $0x1  }
.LBB2_1:
0x1a: {  	s16 =	rddreg [dreg:$0x4]  }
0x1b: {  	s17 =	rddreg [dreg:$0x6]  }
0x1c: {  	[spmem:s20], [sflag:s17] =	dma.local [hbm:s16], $0x2780  }
0x1d: {  	[tilespmem:s21], [sflag:$0x7] =	stream.linear.gather [hbm4b:s11+s4], $0x80, $0x38;
	[tilespmem:$0x1FF00] =	vst v63  }
0x1e: {  	_ =	swait.ge [sflag:s22], $0x80  }
0x1f: {  	[sflag:s22] =	ssyncset.done $0x0  }
0x20: {  	s18 =	rddreg [dreg:$0x7];
	[sflag:s22] =	ssyncadd.s32 $0xFFFFFF80  }
0x21: {  	[tilespmem:s23], [sflag:$0x7] =	stream.linear.gather [hbm4b:s18+s4], $0x80, $0x38;
	[tilespmem:$0x1FF00] =	vst v63  }
0x22: {  	_ =	swait.ge [sflag:s22], $0x80  }
0x23: {  	[sflag:s22] =	ssyncset.done $0x0  }
0x24: {  	[sflag:s22] =	ssyncadd.s32 $0xFFFFFF80  }
0x25: {  	[tilespmem:s25], [sflag:$0x1] =	stream.indirect.gather [hbm4b:s1+s24], $0x80, s21, s24, $0xb8;
	[tilespmem:$0x1FF00] =	vst v63  }
0x26: {  	s19 =	rddreg [dreg:$0x8]  }
0x27: {  	[tilespmem:s26], [sflag:$0x7] =	stream.linear.gather [hbm4b:s19+s4], $0x80, $0x38;
	[tilespmem:$0x1FF00] =	vst v63  }
0x28: {  	_ =	swait.ge [sflag:s22], $0x80  }
0x29: {  	[sflag:s22] =	ssyncset.done $0x0  }
0x2a: {  	s17 =	rddreg [dreg:$0x9];
	[sflag:s22] =	ssyncadd.s32 $0xFFFFFF80  }
0x2b: {  	[tilespmem:s28], [sflag:$0x7] =	stream.linear.gather [hbm4b:s17+s4], $0x80, $0x38;
	[tilespmem:$0x1FF00] =	vst v63  }
0x2c: {  	_ =	swait.ge [sflag:s22], $0x80  }
0x2d: {  	[sflag:s22] =	ssyncset.done $0x0  }
0x2e: {  	[sflag:s22] =	ssyncadd.s32 $0xFFFFFF80  }
0x2f: {  	[tilespmem:s29], [sflag:$0x2] =	stream.indirect.gather [hbm4b:s1+s24], $0x80, s26, s24, $0xb8;
	[tilespmem:$0x1FF00] =	vst v63  }
0x30: {  	s18 =	rddreg [dreg:$0xa]  }
0x31: {  	[tilespmem:s30], [sflag:$0x7] =	stream.linear.gather [hbm4b:s18+s4], $0x80, $0x38;
	[tilespmem:$0x1FF00] =	vst v63  }
0x32: {  	_ =	swait.ge [sflag:s22], $0x80  }
0x33: {  	[sflag:s22] =	ssyncset.done $0x0  }
0x34: {  	s19 =	rddreg [dreg:$0xb];
	[sflag:s22] =	ssyncadd.s32 $0xFFFFFF80  }
0x35: {  	[tilespmem:s31], [sflag:$0x7] =	stream.linear.gather [hbm4b:s19+s4], $0x80, $0x38;
	[tilespmem:$0x1FF00] =	vst v63  }
0x36: {  	_ =	swait.ge [sflag:s22], $0x80  }
0x37: {  	[sflag:s22] =	ssyncset.done $0x0  }
0x38: {  	[sflag:s22] =	ssyncadd.s32 $0xFFFFFF80  }
0x39: {  	[tilespmem:s2], [sflag:$0x3] =	stream.indirect.gather [hbm4b:s1+s24], $0x80, s30, s24, $0xb8;
	[tilespmem:$0x1FF00] =	vst v63  }
0x3a: {  	_ =	swait.ge [sflag:s0], $0x2780  }
0x3b: {  	[sflag:s0] =	ssyncset.done $0x0  }
0x3c: {  	[sflag:s0] =	ssyncadd.s32 $0xFFFFD880  }
0x3d: {  	[bflag:$0x0] =	sbarrier.arrive $0xFFFF  }
0x3e: {  	_ =	swait.ge [sflag:s7], $0x4000  }
0x3f: {  	[sflag:s7] =	ssyncset.done $0x0  }
0x40: {  	[sflag:s7] =	ssyncadd.s32 $0xFFFFC000  }
0x41: {  	[spmem:s3] =	stream.indirect.scatter.add.f32 [tilespmem:s25], [sflag:$0x4], $0x80, s23, s24, $0xb8;
	[tilespmem:$0x1FF00] =	vst v63  }
0x42: {  	_ =	swait.ge [sflag:s9], $0x4000  }
0x43: {  	[sflag:s9] =	ssyncset.done $0x0  }
0x44: {  	[sflag:s9] =	ssyncadd.s32 $0xFFFFC000  }
0x45: {  	[spmem:s3] =	stream.indirect.scatter.add.f32 [tilespmem:s29], [sflag:$0x5], $0x80, s28, s24, $0xb8;
	[tilespmem:$0x1FF00] =	vst v63  }
0x46: {  	_ =	swait.ge [sflag:s13], $0x4000  }
0x47: {  	s17 =	smin.u32 s13, $0x4E;
	[sflag:s13] =	ssyncset.done $0x0  }
0x48: {  	s16 =	sshll.u32 s17, $0x7;
	[sflag:s13] =	ssyncadd.s32 $0xFFFFC000  }
0x49: {  	[spmem:s3] =	stream.indirect.scatter.add.f32 [tilespmem:s2], [sflag:$0x6], $0x80, s31, s24, $0xb8;
	[tilespmem:$0x1FF00] =	vst v63  }
0x4a: {  	s18 =	sadd.s32 s6, s16;
	_ =	swait.ge [sflag:s0], $0x4000  }
0x4b: {  	s17 =	sshrl.u32 s18, $0x3;
	[sflag:s0] =	ssyncset.done $0x0  }
0x4c: {  	s17 =	sadd.s32 s5, s17;
	[sflag:s0] =	ssyncadd.s32 $0xFFFFC000  }
0x4d: {  	[tilespmem:s21], [sflag:$0x7] =	stream.linear.gather [hbm4b:s17+s4], $0x80, $0x38;
	[tilespmem:$0x1FF00] =	vst v63  }
0x4e: {  	_ =	swait.ge [sflag:s22], $0x80  }
0x4f: {  	[sflag:s22] =	ssyncset.done $0x0  }
0x50: {  	s17 =	sadd.s32 $0xA200, s17;
	[sflag:s22] =	ssyncadd.s32 $0xFFFFFF80  }
0x51: {  	[tilespmem:s23], [sflag:$0x7] =	stream.linear.gather [hbm4b:s17+s4], $0x80, $0x38;
	[tilespmem:$0x1FF00] =	vst v63  }
0x52: {  	_ =	swait.ge [sflag:s22], $0x80  }
0x53: {  	[sflag:s22] =	ssyncset.done $0x0  }
0x54: {  	[sflag:s22] =	ssyncadd.s32 $0xFFFFFF80  }
0x55: {  	[tilespmem:s25], [sflag:$0x1] =	stream.indirect.gather [hbm4b:s1+s24], $0x80, s21, s24, $0xb8;
	[tilespmem:$0x1FF00] =	vst v63  }
0x56: {  	s19 =	sadd.s32 s16, s10;
	_ =	swait.ge [sflag:s14], $0x4000  }
0x57: {  	s17 =	sshrl.u32 s19, $0x3;
	[sflag:s14] =	ssyncset.done $0x0  }
0x58: {  	s17 =	sadd.s32 s5, s17;
	[sflag:s14] =	ssyncadd.s32 $0xFFFFC000  }
0x59: {  	[tilespmem:s26], [sflag:$0x7] =	stream.linear.gather [hbm4b:s17+s4], $0x80, $0x38;
	[tilespmem:$0x1FF00] =	vst v63  }
0x5a: {  	_ =	swait.ge [sflag:s22], $0x80  }
0x5b: {  	[sflag:s22] =	ssyncset.done $0x0  }
0x5c: {  	s17 =	sadd.s32 $0xA200, s17;
	[sflag:s22] =	ssyncadd.s32 $0xFFFFFF80  }
0x5d: {  	[tilespmem:s28], [sflag:$0x7] =	stream.linear.gather [hbm4b:s17+s4], $0x80, $0x38;
	[tilespmem:$0x1FF00] =	vst v63  }
0x5e: {  	_ =	swait.ge [sflag:s22], $0x80  }
0x5f: {  	[sflag:s22] =	ssyncset.done $0x0  }
0x60: {  	[sflag:s22] =	ssyncadd.s32 $0xFFFFFF80  }
0x61: {  	[tilespmem:s29], [sflag:$0x2] =	stream.indirect.gather [hbm4b:s1+s24], $0x80, s26, s24, $0xb8;
	[tilespmem:$0x1FF00] =	vst v63  }
0x62: {  	s16 =	sadd.s32 s16, s12;
	_ =	swait.ge [sflag:s8], $0x4000  }
0x63: {  	s16 =	sshrl.u32 s16, $0x3;
	[sflag:s8] =	ssyncset.done $0x0  }
0x64: {  	s16 =	sadd.s32 s5, s16;
	[sflag:s8] =	ssyncadd.s32 $0xFFFFC000  }
0x65: {  	[tilespmem:s30], [sflag:$0x7] =	stream.linear.gather [hbm4b:s16+s4], $0x80, $0x38;
	[tilespmem:$0x1FF00] =	vst v63  }
0x66: {  	_ =	swait.ge [sflag:s22], $0x80  }
0x67: {  	[sflag:s22] =	ssyncset.done $0x0  }
0x68: {  	s16 =	sadd.s32 $0xA200, s16;
	[sflag:s22] =	ssyncadd.s32 $0xFFFFFF80  }
0x69: {  	[tilespmem:s31], [sflag:$0x7] =	stream.linear.gather [hbm4b:s16+s4], $0x80, $0x38;
	[tilespmem:$0x1FF00] =	vst v63  }
0x6a: {  	_ =	swait.ge [sflag:s22], $0x80  }
0x6b: {  	s16 =	simm.s32 $0x6;
	[sflag:s22] =	ssyncset.done $0x0  }
.LBB2_2:
0x6c: {  	p0 =	sne.s32 s16, $0x51  }
0x6d: {  	[sflag:s22] =	ssyncadd.s32 $0xFFFFFF80;
	s17 =	smov.u32 s16;
	s16 =	sadd.s32 $0x3, s16  }
0x6e: {  	[tilespmem:s2], [sflag:$0x3] =	stream.indirect.gather [hbm4b:s1+s24], $0x80, s30, s24, $0xb8;
	[tilespmem:$0x1FF00] =	vst v63  }
0x6f: {  	_ =	swait.ge [sflag:s7], $0x4000  }
0x70: {  	[sflag:s7] =	ssyncset.done $0x0  }
0x71: {  	[sflag:s7] =	ssyncadd.s32 $0xFFFFC000  }
0x72: {  	[spmem:s3] =	stream.indirect.scatter.add.f32 [tilespmem:s25], [sflag:$0x4], $0x80, s23, s24, $0xb8;
	[tilespmem:$0x1FF00] =	vst v63  }
0x73: {  	_ =	swait.ge [sflag:s9], $0x4000  }
0x74: {  	[sflag:s9] =	ssyncset.done $0x0  }
0x75: {  	[sflag:s9] =	ssyncadd.s32 $0xFFFFC000  }
0x76: {  	[spmem:s3] =	stream.indirect.scatter.add.f32 [tilespmem:s29], [sflag:$0x5], $0x80, s28, s24, $0xb8;
	[tilespmem:$0x1FF00] =	vst v63  }
0x77: {  	_ =	swait.ge [sflag:s13], $0x4000  }
0x78: {  	s17 =	smin.u32 s17, $0x4E;
	[sflag:s13] =	ssyncset.done $0x0  }
0x79: {  	s17 =	sshll.u32 s17, $0x7;
	[sflag:s13] =	ssyncadd.s32 $0xFFFFC000  }
0x7a: {  	[spmem:s3] =	stream.indirect.scatter.add.f32 [tilespmem:s2], [sflag:$0x6], $0x80, s31, s24, $0xb8;
	[tilespmem:$0x1FF00] =	vst v63  }
0x7b: {  	s18 =	sadd.s32 s6, s17;
	s19 =	sadd.s32 s17, s10;
	_ =	swait.ge [sflag:s0], $0x4000  }
0x7c: {  	s18 =	sshrl.u32 s18, $0x3;
	s19 =	sshrl.u32 s19, $0x3;
	[sflag:s0] =	ssyncset.done $0x0  }
0x7d: {  	s17 =	sadd.s32 s17, s12;
	s18 =	sadd.s32 s5, s18;
	[sflag:s0] =	ssyncadd.s32 $0xFFFFC000  }
0x7e: {  	[tilespmem:s21], [sflag:$0x7] =	stream.linear.gather [hbm4b:s18+s4], $0x80, $0x38;
	[tilespmem:$0x1FF00] =	vst v63  }
0x7f: {  	s17 =	sshrl.u32 s17, $0x3;
	_ =	swait.ge [sflag:s22], $0x80  }
0x80: {  	s18 =	sadd.s32 $0xA200, s18;
	[sflag:s22] =	ssyncset.done $0x0  }
0x81: {  	[sflag:s22] =	ssyncadd.s32 $0xFFFFFF80  }
0x82: {  	[tilespmem:s23], [sflag:$0x7] =	stream.linear.gather [hbm4b:s18+s4], $0x80, $0x38;
	[tilespmem:$0x1FF00] =	vst v63  }
0x83: {  	_ =	swait.ge [sflag:s22], $0x80  }
0x84: {  	[sflag:s22] =	ssyncset.done $0x0  }
0x85: {  	[sflag:s22] =	ssyncadd.s32 $0xFFFFFF80  }
0x86: {  	[tilespmem:s25], [sflag:$0x1] =	stream.indirect.gather [hbm4b:s1+s24], $0x80, s21, s24, $0xb8;
	[tilespmem:$0x1FF00] =	vst v63  }
0x87: {  	_ =	swait.ge [sflag:s14], $0x4000  }
0x88: {  	s18 =	sadd.s32 s5, s19;
	[sflag:s14] =	ssyncset.done $0x0  }
0x89: {  	[sflag:s14] =	ssyncadd.s32 $0xFFFFC000  }
0x8a: {  	[tilespmem:s26], [sflag:$0x7] =	stream.linear.gather [hbm4b:s18+s4], $0x80, $0x38;
	[tilespmem:$0x1FF00] =	vst v63  }
0x8b: {  	_ =	swait.ge [sflag:s22], $0x80  }
0x8c: {  	s18 =	sadd.s32 $0xA200, s18;
	[sflag:s22] =	ssyncset.done $0x0  }
0x8d: {  	[sflag:s22] =	ssyncadd.s32 $0xFFFFFF80  }
0x8e: {  	[tilespmem:s28], [sflag:$0x7] =	stream.linear.gather [hbm4b:s18+s4], $0x80, $0x38;
	[tilespmem:$0x1FF00] =	vst v63  }
0x8f: {  	_ =	swait.ge [sflag:s22], $0x80  }
0x90: {  	[sflag:s22] =	ssyncset.done $0x0  }
0x91: {  	[sflag:s22] =	ssyncadd.s32 $0xFFFFFF80  }
0x92: {  	[tilespmem:s29], [sflag:$0x2] =	stream.indirect.gather [hbm4b:s1+s24], $0x80, s26, s24, $0xb8;
	[tilespmem:$0x1FF00] =	vst v63  }
0x93: {  	_ =	swait.ge [sflag:s8], $0x4000  }
0x94: {  	s17 =	sadd.s32 s5, s17;
	[sflag:s8] =	ssyncset.done $0x0  }
0x95: {  	[sflag:s8] =	ssyncadd.s32 $0xFFFFC000  }
0x96: {  	[tilespmem:s30], [sflag:$0x7] =	stream.linear.gather [hbm4b:s17+s4], $0x80, $0x38;
	[tilespmem:$0x1FF00] =	vst v63  }
0x97: {  	_ =	swait.ge [sflag:s22], $0x80  }
.Ltmp0:
0x98: {  	s17 =	sadd.s32 $0xA200, s17;
	[sflag:s22] =	ssyncset.done $0x0;
	(pc) =	sbr.rel @p0 .LBB2_2-.Ltmp0, $4  }
0x99: {  	[sflag:s22] =	ssyncadd.s32 $0xFFFFFF80  }
0x9a: {  	[tilespmem:s31], [sflag:$0x7] =	stream.linear.gather [hbm4b:s17+s4], $0x80, $0x38;
	[tilespmem:$0x1FF00] =	vst v63  }
0x9b: {  	_ =	swait.ge [sflag:s22], $0x80  }
0x9c: {  	[sflag:s22] =	ssyncset.done $0x0  }
0x9d: {  	[sflag:s22] =	ssyncadd.s32 $0xFFFFFF80  }
0x9e: {  	[tilespmem:s2], [sflag:$0x3] =	stream.indirect.gather [hbm4b:s1+s24], $0x80, s30, s24, $0xb8;
	[tilespmem:$0x1FF00] =	vst v63  }
0x9f: {  	_ =	swait.ge [sflag:s7], $0x4000  }
0xa0: {  	[sflag:s7] =	ssyncset.done $0x0  }
0xa1: {  	[sflag:s7] =	ssyncadd.s32 $0xFFFFC000  }
0xa2: {  	_ =	swait.ge [sflag:s9], $0x4000  }
0xa3: {  	[sflag:s9] =	ssyncset.done $0x0  }
0xa4: {  	[sflag:s9] =	ssyncadd.s32 $0xFFFFC000  }
0xa5: {  	_ =	swait.ge [sflag:s13], $0x4000  }
0xa6: {  	[sflag:s13] =	ssyncset.done $0x0  }
0xa7: {  	[sflag:s13] =	ssyncadd.s32 $0xFFFFC000  }
0xa8: {  	[bflag:$0x0] =	sbarrier.arrive $0xFFFF  }
0xa9: {  	s16 =	rddreg [dreg:$0x5]  }
0xaa: {  	s17 =	rddreg [dreg:$0xc];
	s16 =	sor.u32 $0x1C07, s16  }
0xab: {  	[hbm:s17], [sflag:s16] =	dma.local [spmem:s20], $0x2780  }
0xac: {  	_ =	swait.ge [sflag:s22], $0x2780  }
0xad: {  	s15 =	sadd.s32 $0x1, s15;
	s19 =	rddreg [dreg:$0xd]  }
0xae: {  	p0 =	sne.s32 s15, s19  }
.Ltmp1:
0xaf: {  	_ = 	snop;
	(pc) =	sbr.rel @p0 .LBB2_1-.Ltmp1, $3  }
0xb0: {  	_ =	sdelay $0x1  }
0xb1: {  	[sflag:s22] =	ssyncset.done $0x0  }
0xb2: {  	[sflag:s22] =	ssyncadd.s32 $0xFFFFD880  }
0xb3: {  	_ =	sfence.sel $0x180000  }
0xb4: {  	[bflag:$0x0] =	sbarrier.arrive $0xFFFF  }
0xb5: {  	_ =	strace $0x9000004A  }
0xb6: {  	s0 =	stileid.u32;
	[bflag:$0x2] =	sbarrier.arrive $0xFFFF  }
0xb7: {  	p0 =	sne.s32 s0, $0x0;
	s0 =	rddreg [dreg:$0x3]  }
0xb8: {  	s0 =	sadd.s32 @!p0 $0x100000, s0  }
0xb9: {  	[sflag:s0] =	ssyncadd.tile.s32 @!p0 $0x1;
	_ =	shalt  }
.Lfunc_end2:
_tile_overlayer_lowered:
.L_overlay_start_2:
0xba: {  	(tag) =	ssettag $0x2  }
0xbb: {  	s0 =	rddreg [dreg:$0x0];
	s2 =	stileid.u32  }
0xbc: {  	s1 =	rddreg [dreg:$0x1];
	p0 =	sne.s32 s2, $0x0  }
0xbd: {  	s3 =	rddreg [dreg:$0x2];
	[bflag:$0x3] =	sbarrier.arrive $0xFFFF;
	s2 =	simm.s32 @!p0 $0x1C07  }
0xbe: {  	[timem:s3], [sflag:s2] =	dma.local @!p0 [hbm:s0], s1  }
0xbf: {  	s0 =	simm.s32 @!p0 $0x7  }
0xc0: {  	_ =	swait.ge @!p0 [sflag:s0], s1  }
0xc1: {  	s1 =	ssub.s32 @!p0 $0x0, s1;
	[sflag:s0] =	ssyncset.done @!p0 $0x0  }
0xc2: {  	[sflag:s0] =	ssyncadd.s32 @!p0 s1  }
0xc3: {  	[bflag:$0x3] =	sbarrier.arrive $0xFFFF  }
0xc4: {  	_ =	shalt  }

// kernel: kernel.14.cloned.1.call-start
scs
__scs_entry_jumppad:
0x0: {  	(pc) =	sbr.rel $0x88, $3  }
0x1: {  	(tag) =	ssettag $0x0;
	lr =	simm.s32 $0x1  }
0x2: {  	[smem:$0x3F9B] =	sst lr;
	_ =	strace $0xD0000000  }
0x3: {  	_ = 	snop  }
0x4: {  	_ = 	snop  }
0x5: {  	_ = 	snop  }
0x6: {  	_ = 	snop  }
0x7: {  	_ = 	snop  }
__scs_overlays_trampoline_lowered:
0x8: {  	[smem:$0x3FAA] =	sst s0  }
0x9: {  	[smem:$0x3FAB] =	sst s1  }
0xa: {  	[smem:$0x3FAC] =	sst s2  }
0xb: {  	[smem:$0x3FAD] =	sst s3  }
0xc: {  	[smem:$0x3FAE] =	sst s4  }
0xd: {  	[smem:$0x3FAF] =	sst s5  }
0xe: {  	[smem:$0x3FB0] =	sst s6  }
0xf: {  	[smem:$0x3FB1] =	sst s7  }
0x10: {  	[smem:$0x3FB2] =	sst s8  }
0x11: {  	[smem:$0x3FB3] =	sst s9;
	s0 =	simm.s32 @!p0 $0x0  }
0x12: {  	s1 =	sld [smem:$0x3F99];
	s0 =	simm.s32 @p0 $0x1  }
0x13: {  	[smem:$0x3FB4] =	sst s0;
	s0 =	simm.s32 @!p1 $0x0  }
0x14: {  	s2 =	sld [smem:$0x3F98];
	s0 =	simm.s32 @p1 $0x1  }
0x15: {  	[smem:$0x3FB5] =	sst s0;
	s0 =	simm.s32 @!p2 $0x0  }
0x16: {  	s3 =	sld [smem:$0x3FDB];
	s0 =	simm.s32 @p2 $0x1  }
0x17: {  	s4 =	simm.s32 $0x1BF5;
	[smem:$0x3FB7] =	sst s0  }
0x18: {  	s0 =	sld [smem:$0x3F9A];
	_ =	swait.ge [sflag:s4], $0x0  }
0x19: {  	s7 =	sld [smem:$0x3F9B]  }
0x1a: {  	s8 =	sadd.s32 $0xFFFFE003, lr  }
0x1b: {  	s9 =	sadd.s32 $0xFFFFFEF7, lr;
	s5 =	simm.s32 $0xFFFFFFFF;
	p2 =	slt.u32 s8, $0xFFFFF086  }
0x1c: {  	p1 =	slt.u32 s9, $0xF7A;
	s5 =	simm.s32 @!p2 $0x0  }
0x1d: {  	s5 =	simm.s32 @p1 $0x1;
	p0 =	seq.s32 s7, s2  }
0x1e: {  	s7 =	smul.u32 @!p0 $0xF7A, s2;
	p2 =	seq.s32 @!p0 s5, $0x0  }
0x1f: {  	s9 =	smul.u32 $0xF7A, s1;
	s8 =	simm.s32 @!p0 $0x1BF5;
	p2 =	por !p2, p0  }
0x20: {  	[sflag:s8] =	ssyncset.s32 @!p0 $0xFFFFF086;
	s6 =	sadd.s32 @!p0 s3, s7;
	s7 =	simm.s32 @!p0 $0x108  }
0x21: {  	s3 =	sadd.s32 s3, s9;
	s6 =	sadd.s32 @!p0 $0x88, s6;
	s7 =	simm.s32 @p2 $0x1082  }
0x22: {  	[simem:s7], [sflag:s8] =	dma.local @!p0 [hbm:s6], $0xF7A  }
0x23: {  	s9 =	sor.u32 $0xD0000000, s2;
	s6 =	simm.s32 $0x108;
	_ =	swait.ge @!p0 [sflag:s8], $0x0  }
0x24: {  	s3 =	sadd.s32 $0x88, s3;
	s6 =	simm.s32 @!p1 $0x1082;
	[sflag:s4] =	ssyncset.s32 $0xFFFFF086  }
0x25: {  	[simem:s6], [sflag:s4] =	dma.local [hbm:s3], $0xF7A  }
0x26: {  	[smem:$0x3F9B] =	sst s1;
	(tag) =	ssettag s2;
	_ =	strace s9  }
0x27: {  	s1 =	sld [smem:$0x3FAB]  }
0x28: {  	s2 =	sld [smem:$0x3FAC]  }
0x29: {  	s4 =	sld [smem:$0x3FAE]  }
0x2a: {  	p0 =	seq.s32 s5, $0x0;
	s5 =	sld [smem:$0x3FAF]  }
0x2b: {  	s6 =	sld [smem:$0x3FB0]  }
0x2c: {  	s7 =	sld [smem:$0x3FB1]  }
0x2d: {  	s3 =	simm.s32 $0x108;
	s8 =	sld [smem:$0x3FB2]  }
0x2e: {  	s3 =	simm.s32 @!p0 $0x1082;
	s9 =	sld [smem:$0x3FB3]  }
0x2f: {  	lr =	sadd.s32 s0, s3;
	s0 =	sld [smem:$0x3FAA]  }
0x30: {  	s3 =	sld [smem:$0x3FAD]  }
0x31: {  	[smem:$0x3FB6] =	sst s10  }
0x32: {  	s10 =	sld [smem:$0x3FB4];
	_ =	sdelay $0x3  }
0x33: {  	p0 =	seq.s32 s10, $0x1;
	s10 =	sld [smem:$0x3FB6];
	_ =	sdelay $0x3  }
0x34: {  	[smem:$0x3FB6] =	sst s10  }
0x35: {  	s10 =	sld [smem:$0x3FB5];
	_ =	sdelay $0x3  }
0x36: {  	p1 =	seq.s32 s10, $0x1;
	s10 =	sld [smem:$0x3FB6];
	_ =	sdelay $0x3  }
0x37: {  	[smem:$0x3FB6] =	sst s10  }
0x38: {  	s10 =	sld [smem:$0x3FB7]  }
0x39: {  	_ = 	snop;
	(pc) =	sbr.ind lr, $3  }
0x3a: {  	_ = 	snop  }
0x3b: {  	_ = 	snop  }
0x3c: {  	p2 =	seq.s32 s10, $0x1;
	s10 =	sld [smem:$0x3FB6]  }
0x3d: {  	_ =	shalt  }
0x3e: {  	_ =	shalt  }
0x3f: {  	_ =	shalt  }
0x40: {  	_ =	shalt  }
0x41: {  	_ =	shalt  }
0x42: {  	_ =	shalt  }
0x43: {  	_ =	shalt  }
0x44: {  	_ =	shalt  }
0x45: {  	_ =	shalt  }
0x46: {  	_ =	shalt  }
0x47: {  	_ =	shalt  }
0x48: {  	_ =	shalt  }
0x49: {  	_ =	shalt  }
0x4a: {  	_ =	shalt  }
0x4b: {  	_ =	shalt  }
0x4c: {  	_ =	shalt  }
0x4d: {  	_ =	shalt  }
0x4e: {  	_ =	shalt  }
0x4f: {  	_ =	shalt  }
0x50: {  	_ =	shalt  }
0x51: {  	_ =	shalt  }
0x52: {  	_ =	shalt  }
0x53: {  	_ =	shalt  }
0x54: {  	_ =	shalt  }
0x55: {  	_ =	shalt  }
0x56: {  	_ =	shalt  }
0x57: {  	_ =	shalt  }
0x58: {  	_ =	shalt  }
0x59: {  	_ =	shalt  }
0x5a: {  	_ =	shalt  }
0x5b: {  	_ =	shalt  }
0x5c: {  	_ =	shalt  }
0x5d: {  	_ =	shalt  }
0x5e: {  	_ =	shalt  }
0x5f: {  	_ =	shalt  }
0x60: {  	_ =	shalt  }
0x61: {  	_ =	shalt  }
0x62: {  	_ =	shalt  }
0x63: {  	_ =	shalt  }
0x64: {  	_ =	shalt  }
0x65: {  	_ =	shalt  }
0x66: {  	_ =	shalt  }
0x67: {  	_ =	shalt  }
0x68: {  	_ =	shalt  }
0x69: {  	_ =	shalt  }
0x6a: {  	_ =	shalt  }
0x6b: {  	_ =	shalt  }
0x6c: {  	_ =	shalt  }
0x6d: {  	_ =	shalt  }
0x6e: {  	_ =	shalt  }
0x6f: {  	_ =	shalt  }
0x70: {  	_ =	shalt  }
0x71: {  	_ =	shalt  }
0x72: {  	_ =	shalt  }
0x73: {  	_ =	shalt  }
0x74: {  	_ =	shalt  }
0x75: {  	_ =	shalt  }
0x76: {  	_ =	shalt  }
0x77: {  	_ =	shalt  }
0x78: {  	_ =	shalt  }
0x79: {  	_ =	shalt  }
0x7a: {  	_ =	shalt  }
0x7b: {  	_ =	shalt  }
0x7c: {  	_ =	shalt  }
0x7d: {  	_ =	shalt  }
0x7e: {  	_ =	shalt  }
0x7f: {  	_ =	shalt  }
0x80: {  	_ =	shalt  }
0x81: {  	_ =	shalt  }
0x82: {  	_ =	shalt  }
0x83: {  	_ =	shalt  }
0x84: {  	_ =	shalt  }
0x85: {  	_ =	shalt  }
0x86: {  	_ =	shalt  }
0x87: {  	_ =	shalt  }
.Lfunc_end0:
.L_simem_size_0:
called_computation.2_lowered:
.L_overlay_start_0:
0x88: {  	s2 =	sld [smem:$0x3FD9]  }
0x89: {  	s3 =	sld [smem:$0x3FFE];
	_ =	sdelay $0x1  }
0x8a: {  	s1 =	srdreg.scid  }
0x8b: {  	s0 =	sand.u32 $0x1, s1  }
0x8c: {  	s17 =	sshll.u32 s0, $0xA;
	s2 =	sadd.s32 s3, s2  }
0x8d: {  	s2 =	sadd.s32 s2, s17  }
0x8e: {  	[smem:$0x3FC2] =	sst s2  }
0x8f: {  	_ = 	snop  }
0x90: {  	s2 =	sld [smem:$0x3FD0];
	(tm) =	ssettm $0x1  }
0x91: {  	s18 =	sld [smem:$0x3FFB];
	_ =	sdelay $0x3  }
0x92: {  	_ =	strace s18  }
0x93: {  	s3 =	sld [smem:$0x3FFC];
	_ =	sdelay $0x3  }
0x94: {  	_ =	strace s3  }
0x95: {  	s3 =	sld [smem:$0x3FFD];
	_ =	sdelay $0x3  }
0x96: {  	_ =	strace s3  }
0x97: {  	_ =	strace $0x8FFFFFFF  }
0x98: {  	s19 =	sld [smem:$0x3FDB];
	_ =	sdelay $0x1  }
0x99: {  	s4 =	simm.s32 $_scs_section_size  }
0x9a: {  	s5 =	simm.s32 $_size__tile_overlayer_lowered;
	s6 =	simm.s32 $_tile_overlayer_lowered  }
0x9b: {  	s22 =	simm.s32 $0x1BFF;
	s21 =	sshll.u32 s6, $0x1;
	s3 =	sadd.s32 s4, s19  }
0x9c: {  	s7 =	simm.s32 $0x0;
	s20 =	sshll.u32 s5, $0x1;
	s5 =	sadd.s32 s21, s3  }
0x9d: {  	[timem:s7], [sflag:s22] =	dma.local [hbm:s5], s20  }
0x9e: {  	_ =	swait.ge [sflag:s22], s20  }
0x9f: {  	s4 =	ssub.s32 $0x0, s20;
	[sflag:s22] =	ssyncset.done $0x0  }
0xa0: {  	[sflag:s22] =	ssyncadd.s32 s4;
	_ =	sdelay $0x1  }
0xa1: {  	s23 =	simm.s32 $0x1B8B  }
0xa2: {  	_ =	swait.ge [sflag:s23], $0x1  }
0xa3: {  	[sflag:s23] =	ssyncset.done $0x0  }
0xa4: {  	s25 =	simm.s32 $0x1B8E;
	s24 =	sld [smem:$0x3FFE];
	[sflag:s23] =	ssyncadd.s32 $0xFFFFFFFF  }
0xa5: {  	s26 =	simm.s32 $execute0_lowered;
	[smem:$0x3FD2] =	sst s25  }
0xa6: {  	s5 =	sshll.u32 s26, $0x1;
	_ =	strace $0x8000004C;
	[dreg:$0x1] =	wrdreg $0xFFFFFFFF  }
0xa7: {  	s28 =	simm.s32 $_size_execute0_lowered;
	s3 =	sadd.s32 s3, s5;
	[dreg:$0x0] =	wrdreg $0x0  }
0xa8: {  	s5 =	sshll.u32 s28, $0x1;
	[dreg:$0x2] =	wrdreg s3  }
0xa9: {  	[dreg:$0x3] =	wrdreg s5  }
0xaa: {  	[dreg:$0x4] =	wrdreg $0xC0  }
0xab: {  	_ =	task [dreg:s7], $0x5FFFF  }
0xac: {  	[dreg:$0x1] =	wrdreg $0xFFFFFFFF  }
0xad: {  	[dreg:$0x0] =	wrdreg $0x60  }
0xae: {  	[dreg:$0x2] =	wrdreg s2  }
0xaf: {  	[dreg:$0x3] =	wrdreg s24  }
0xb0: {  	[dreg:$0x4] =	wrdreg $0x0  }
0xb1: {  	[dreg:$0x5] =	wrdreg $0x9  }
0xb2: {  	_ =	task.clear_ibuf [dreg:s7], $0x6FFFF;
	_ =	strace $0x9000004C  }
0xb3: {  	s29 =	simm.s32 $0x9;
	_ =	strace $0x8000004E  }
0xb4: {  	_ =	swait.ge [sflag:s29], $0x1  }
0xb5: {  	[sflag:s29] =	ssyncadd.s32 $0xFFFFFFFF  }
0xb6: {  	_ =	strace $0x9000004E  }
0xb7: {  	_ =	sfence  }
0xb8: {  	s30 =	sld [smem:$0x0];
	_ =	sdelay $0x2  }
0xb9: {  	s31 =	sshll.u32 s1, $0xD;
	s1 =	sshrl.u32 s1, $0x2  }
0xba: {  	s3 =	sand.u32 $0x4000, s31;
	s1 =	sadd.s32 s1, s30  }
0xbb: {  	s0 =	sor.u32 s3, s0;
	s1 =	sshll.u32 s1, $0x11  }
0xbc: {  	s0 =	sor.u32 s1, s0  }
0xbd: {  	s0 =	sadd.s32 $0x8F2B, s0  }
0xbe: {  	[sflag:s0] =	ssyncadd.remote.s32 $0x1  }
0xbf: {  	_ =	sfence.sel $0xFFFF  }
0xc0: {  	[dreg:$0x0] =	wrdreg $0xFFFFFFFF;
	(pc) =	sbr.abs _section_cstart, $3  }
0xc1: {  	[dreg:$0x1] =	wrdreg $0xFFFFFFFF  }
0xc2: {  	_ =	task.clear_ibuf [dreg:s7], $0x2FFFF;
	_ =	strace $0x9FFFFFFF  }
0xc3: {  	(tm) =	ssettm $0x7FFFFFFF  }
tec
execute0_lowered:
.L_overlay_start_1:
0x0: {  	(tag) =	ssettag $0x1  }
0x1: {  	s1 =	rddreg [dreg:$0x0]  }
0x2: {  	s0 =	rddreg [dreg:$0x1];
	s10 =	stileid.u32  }
0x3: {  	s2 =	srdreg.scid;
	s3 =	rddreg [dreg:$0x2]  }
0x4: {  	s4 =	simm.s32 $0x0;
	s28 =	simm.s32 $0x13E00;
	s29 =	simm.s32 $0x17F00  }
0x5: {  	s30 =	simm.s32 $0x13D00;
	s31 =	simm.s32 $0x13E80;
	s13 =	simm.s32 $0x3  }
0x6: {  	s14 =	simm.s32 $0x5;
	s15 =	simm.s32 $0x0;
	s5 =	smul.u32 $0x13C00, s10  }
0x7: {  	s2 =	sand.u32 $0x1, s2;
	[smem:$0x7FF] =	sst s4;
	s9 =	smul.u32 $0x4F000, s10  }
0x8: {  	s19 =	sshll.u32 s10, $0x6;
	s6 =	smul.u32 $0x13C000, s2;
	_ =	strace $0x8000004D  }
0x9: {  	s8 =	ssub.s32 $0x2, s2;
	s2 =	sshll.u32 s2, $0x4;
	[dreg:$0x5] =	wrdreg s19  }
0xa: {  	s7 =	sshrl.u32 s5, $0x3;
	s17 =	sshrl.u32 s8, $0x1;
	s2 =	sor.u32 s10, s2  }
0xb: {  	s9 =	sshrl.u32 s9, $0x2;
	s6 =	sadd.s32 s5, s6;
	s5 =	sadd.s32 $0x3400, s0  }
0xc: {  	s7 =	sadd.s32 s7, s0;
	s8 =	ssub.s32 s8, s17;
	s18 =	sadd.s32 s9, s3  }
0xd: {  	s9 =	simm.s32 $0x2;
	s6 =	sshrl.u32 s6, $0x3;
	s7 =	sadd.s32 $0x17800, s7  }
0xe: {  	s26 =	smax.u32 s8, $0x1;
	s8 =	simm.s32 $0x6;
	s0 =	sadd.s32 s6, s0  }
0xf: {  	s6 =	smul.u32 $0x2880, s2;
	[dreg:$0x4] =	wrdreg s7;
	s7 =	sor.u32 $0x1C04, s19  }
0x10: {  	[dreg:$0xd] =	wrdreg s26;
	s26 =	simm.s32 $0x13C80;
	s2 =	simm.s32 $0x1BF00  }
0x11: {  	[dreg:$0x6] =	wrdreg s7;
	s0 =	sadd.s32 $0x3F000, s0;
	s20 =	sshrl.u32 s6, $0x3  }
0x12: {  	s10 =	sadd.s32 $0x80, s6;
	s12 =	sadd.s32 $0x100, s6;
	s11 =	sadd.s32 s5, s20  }
0x13: {  	[dreg:$0xc] =	wrdreg s0;
	s21 =	sshrl.u32 s10, $0x3;
	s22 =	sadd.s32 $0xA200, s11  }
0x14: {  	s0 =	simm.s32 $0x4;
	s7 =	sadd.s32 s5, s21;
	[dreg:$0x7] =	wrdreg s22  }
0x15: {  	s23 =	sshrl.u32 s12, $0x3;
	s24 =	sadd.s32 $0xA210, s11;
	[dreg:$0x8] =	wrdreg s7  }
0x16: {  	s20 =	sshrl.u32 s18, $0x3;
	s25 =	sadd.s32 $0xA220, s11;
	[dreg:$0x9] =	wrdreg s24  }
0x17: {  	s21 =	simm.s32 $0x13C00;
	s7 =	sadd.s32 s5, s23;
	[dreg:$0xb] =	wrdreg s25  }
0x18: {  	s22 =	simm.s32 $0x7;
	s23 =	simm.s32 $0x13D80;
	s24 =	simm.s32 $0x80  }
0x19: {  	s25 =	simm.s32 $0x13F00;
	[dreg:$0xa] =	wrdreg s7;
	s7 =	simm.s32 $0x1  }
.LBB2_1:
0x1a: {  	s16 =	rddreg [dreg:$0x4]  }
0x1b: {  	s17 =	rddreg [dreg:$0x6]  }
0x1c: {  	[spmem:s20], [sflag:s17] =	dma.local [hbm:s16], $0x2780  }
0x1d: {  	[tilespmem:s21], [sflag:$0x7] =	stream.linear.gather [hbm4b:s11+s4], $0x80, $0x38;
	[tilespmem:$0x1FF00] =	vst v63  }
0x1e: {  	_ =	swait.ge [sflag:s22], $0x80  }
0x1f: {  	[sflag:s22] =	ssyncset.done $0x0  }
0x20: {  	s18 =	rddreg [dreg:$0x7];
	[sflag:s22] =	ssyncadd.s32 $0xFFFFFF80  }
0x21: {  	[tilespmem:s23], [sflag:$0x7] =	stream.linear.gather [hbm4b:s18+s4], $0x80, $0x38;
	[tilespmem:$0x1FF00] =	vst v63  }
0x22: {  	_ =	swait.ge [sflag:s22], $0x80  }
0x23: {  	[sflag:s22] =	ssyncset.done $0x0  }
0x24: {  	[sflag:s22] =	ssyncadd.s32 $0xFFFFFF80  }
0x25: {  	[tilespmem:s25], [sflag:$0x1] =	stream.indirect.gather [hbm4b:s1+s24], $0x80, s21, s24, $0xb8;
	[tilespmem:$0x1FF00] =	vst v63  }
0x26: {  	s19 =	rddreg [dreg:$0x8]  }
0x27: {  	[tilespmem:s26], [sflag:$0x7] =	stream.linear.gather [hbm4b:s19+s4], $0x80, $0x38;
	[tilespmem:$0x1FF00] =	vst v63  }
0x28: {  	_ =	swait.ge [sflag:s22], $0x80  }
0x29: {  	[sflag:s22] =	ssyncset.done $0x0  }
0x2a: {  	s17 =	rddreg [dreg:$0x9];
	[sflag:s22] =	ssyncadd.s32 $0xFFFFFF80  }
0x2b: {  	[tilespmem:s28], [sflag:$0x7] =	stream.linear.gather [hbm4b:s17+s4], $0x80, $0x38;
	[tilespmem:$0x1FF00] =	vst v63  }
0x2c: {  	_ =	swait.ge [sflag:s22], $0x80  }
0x2d: {  	[sflag:s22] =	ssyncset.done $0x0  }
0x2e: {  	[sflag:s22] =	ssyncadd.s32 $0xFFFFFF80  }
0x2f: {  	[tilespmem:s29], [sflag:$0x2] =	stream.indirect.gather [hbm4b:s1+s24], $0x80, s26, s24, $0xb8;
	[tilespmem:$0x1FF00] =	vst v63  }
0x30: {  	s18 =	rddreg [dreg:$0xa]  }
0x31: {  	[tilespmem:s30], [sflag:$0x7] =	stream.linear.gather [hbm4b:s18+s4], $0x80, $0x38;
	[tilespmem:$0x1FF00] =	vst v63  }
0x32: {  	_ =	swait.ge [sflag:s22], $0x80  }
0x33: {  	[sflag:s22] =	ssyncset.done $0x0  }
0x34: {  	s19 =	rddreg [dreg:$0xb];
	[sflag:s22] =	ssyncadd.s32 $0xFFFFFF80  }
0x35: {  	[tilespmem:s31], [sflag:$0x7] =	stream.linear.gather [hbm4b:s19+s4], $0x80, $0x38;
	[tilespmem:$0x1FF00] =	vst v63  }
0x36: {  	_ =	swait.ge [sflag:s22], $0x80  }
0x37: {  	[sflag:s22] =	ssyncset.done $0x0  }
0x38: {  	[sflag:s22] =	ssyncadd.s32 $0xFFFFFF80  }
0x39: {  	[tilespmem:s2], [sflag:$0x3] =	stream.indirect.gather [hbm4b:s1+s24], $0x80, s30, s24, $0xb8;
	[tilespmem:$0x1FF00] =	vst v63  }
0x3a: {  	_ =	swait.ge [sflag:s0], $0x2780  }
0x3b: {  	[sflag:s0] =	ssyncset.done $0x0  }
0x3c: {  	[sflag:s0] =	ssyncadd.s32 $0xFFFFD880  }
0x3d: {  	[bflag:$0x0] =	sbarrier.arrive $0xFFFF  }
0x3e: {  	_ =	swait.ge [sflag:s7], $0x4000  }
0x3f: {  	[sflag:s7] =	ssyncset.done $0x0  }
0x40: {  	[sflag:s7] =	ssyncadd.s32 $0xFFFFC000  }
0x41: {  	[spmem:s3] =	stream.indirect.scatter.add.f32 [tilespmem:s25], [sflag:$0x4], $0x80, s23, s24, $0xb8;
	[tilespmem:$0x1FF00] =	vst v63  }
0x42: {  	_ =	swait.ge [sflag:s9], $0x4000  }
0x43: {  	[sflag:s9] =	ssyncset.done $0x0  }
0x44: {  	[sflag:s9] =	ssyncadd.s32 $0xFFFFC000  }
0x45: {  	[spmem:s3] =	stream.indirect.scatter.add.f32 [tilespmem:s29], [sflag:$0x5], $0x80, s28, s24, $0xb8;
	[tilespmem:$0x1FF00] =	vst v63  }
0x46: {  	_ =	swait.ge [sflag:s13], $0x4000  }
0x47: {  	s17 =	smin.u32 s13, $0x4E;
	[sflag:s13] =	ssyncset.done $0x0  }
0x48: {  	s16 =	sshll.u32 s17, $0x7;
	[sflag:s13] =	ssyncadd.s32 $0xFFFFC000  }
0x49: {  	[spmem:s3] =	stream.indirect.scatter.add.f32 [tilespmem:s2], [sflag:$0x6], $0x80, s31, s24, $0xb8;
	[tilespmem:$0x1FF00] =	vst v63  }
0x4a: {  	s18 =	sadd.s32 s6, s16;
	_ =	swait.ge [sflag:s0], $0x4000  }
0x4b: {  	s17 =	sshrl.u32 s18, $0x3;
	[sflag:s0] =	ssyncset.done $0x0  }
0x4c: {  	s17 =	sadd.s32 s5, s17;
	[sflag:s0] =	ssyncadd.s32 $0xFFFFC000  }
0x4d: {  	[tilespmem:s21], [sflag:$0x7] =	stream.linear.gather [hbm4b:s17+s4], $0x80, $0x38;
	[tilespmem:$0x1FF00] =	vst v63  }
0x4e: {  	_ =	swait.ge [sflag:s22], $0x80  }
0x4f: {  	[sflag:s22] =	ssyncset.done $0x0  }
0x50: {  	s17 =	sadd.s32 $0xA200, s17;
	[sflag:s22] =	ssyncadd.s32 $0xFFFFFF80  }
0x51: {  	[tilespmem:s23], [sflag:$0x7] =	stream.linear.gather [hbm4b:s17+s4], $0x80, $0x38;
	[tilespmem:$0x1FF00] =	vst v63  }
0x52: {  	_ =	swait.ge [sflag:s22], $0x80  }
0x53: {  	[sflag:s22] =	ssyncset.done $0x0  }
0x54: {  	[sflag:s22] =	ssyncadd.s32 $0xFFFFFF80  }
0x55: {  	[tilespmem:s25], [sflag:$0x1] =	stream.indirect.gather [hbm4b:s1+s24], $0x80, s21, s24, $0xb8;
	[tilespmem:$0x1FF00] =	vst v63  }
0x56: {  	s19 =	sadd.s32 s16, s10;
	_ =	swait.ge [sflag:s14], $0x4000  }
0x57: {  	s17 =	sshrl.u32 s19, $0x3;
	[sflag:s14] =	ssyncset.done $0x0  }
0x58: {  	s17 =	sadd.s32 s5, s17;
	[sflag:s14] =	ssyncadd.s32 $0xFFFFC000  }
0x59: {  	[tilespmem:s26], [sflag:$0x7] =	stream.linear.gather [hbm4b:s17+s4], $0x80, $0x38;
	[tilespmem:$0x1FF00] =	vst v63  }
0x5a: {  	_ =	swait.ge [sflag:s22], $0x80  }
0x5b: {  	[sflag:s22] =	ssyncset.done $0x0  }
0x5c: {  	s17 =	sadd.s32 $0xA200, s17;
	[sflag:s22] =	ssyncadd.s32 $0xFFFFFF80  }
0x5d: {  	[tilespmem:s28], [sflag:$0x7] =	stream.linear.gather [hbm4b:s17+s4], $0x80, $0x38;
	[tilespmem:$0x1FF00] =	vst v63  }
0x5e: {  	_ =	swait.ge [sflag:s22], $0x80  }
0x5f: {  	[sflag:s22] =	ssyncset.done $0x0  }
0x60: {  	[sflag:s22] =	ssyncadd.s32 $0xFFFFFF80  }
0x61: {  	[tilespmem:s29], [sflag:$0x2] =	stream.indirect.gather [hbm4b:s1+s24], $0x80, s26, s24, $0xb8;
	[tilespmem:$0x1FF00] =	vst v63  }
0x62: {  	s16 =	sadd.s32 s16, s12;
	_ =	swait.ge [sflag:s8], $0x4000  }
0x63: {  	s16 =	sshrl.u32 s16, $0x3;
	[sflag:s8] =	ssyncset.done $0x0  }
0x64: {  	s16 =	sadd.s32 s5, s16;
	[sflag:s8] =	ssyncadd.s32 $0xFFFFC000  }
0x65: {  	[tilespmem:s30], [sflag:$0x7] =	stream.linear.gather [hbm4b:s16+s4], $0x80, $0x38;
	[tilespmem:$0x1FF00] =	vst v63  }
0x66: {  	_ =	swait.ge [sflag:s22], $0x80  }
0x67: {  	[sflag:s22] =	ssyncset.done $0x0  }
0x68: {  	s16 =	sadd.s32 $0xA200, s16;
	[sflag:s22] =	ssyncadd.s32 $0xFFFFFF80  }
0x69: {  	[tilespmem:s31], [sflag:$0x7] =	stream.linear.gather [hbm4b:s16+s4], $0x80, $0x38;
	[tilespmem:$0x1FF00] =	vst v63  }
0x6a: {  	_ =	swait.ge [sflag:s22], $0x80  }
0x6b: {  	s16 =	simm.s32 $0x6;
	[sflag:s22] =	ssyncset.done $0x0  }
.LBB2_2:
0x6c: {  	p0 =	sne.s32 s16, $0x51  }
0x6d: {  	[sflag:s22] =	ssyncadd.s32 $0xFFFFFF80;
	s17 =	smov.u32 s16;
	s16 =	sadd.s32 $0x3, s16  }
0x6e: {  	[tilespmem:s2], [sflag:$0x3] =	stream.indirect.gather [hbm4b:s1+s24], $0x80, s30, s24, $0xb8;
	[tilespmem:$0x1FF00] =	vst v63  }
0x6f: {  	_ =	swait.ge [sflag:s7], $0x4000  }
0x70: {  	[sflag:s7] =	ssyncset.done $0x0  }
0x71: {  	[sflag:s7] =	ssyncadd.s32 $0xFFFFC000  }
0x72: {  	[spmem:s3] =	stream.indirect.scatter.add.f32 [tilespmem:s25], [sflag:$0x4], $0x80, s23, s24, $0xb8;
	[tilespmem:$0x1FF00] =	vst v63  }
0x73: {  	_ =	swait.ge [sflag:s9], $0x4000  }
0x74: {  	[sflag:s9] =	ssyncset.done $0x0  }
0x75: {  	[sflag:s9] =	ssyncadd.s32 $0xFFFFC000  }
0x76: {  	[spmem:s3] =	stream.indirect.scatter.add.f32 [tilespmem:s29], [sflag:$0x5], $0x80, s28, s24, $0xb8;
	[tilespmem:$0x1FF00] =	vst v63  }
0x77: {  	_ =	swait.ge [sflag:s13], $0x4000  }
0x78: {  	s17 =	smin.u32 s17, $0x4E;
	[sflag:s13] =	ssyncset.done $0x0  }
0x79: {  	s17 =	sshll.u32 s17, $0x7;
	[sflag:s13] =	ssyncadd.s32 $0xFFFFC000  }
0x7a: {  	[spmem:s3] =	stream.indirect.scatter.add.f32 [tilespmem:s2], [sflag:$0x6], $0x80, s31, s24, $0xb8;
	[tilespmem:$0x1FF00] =	vst v63  }
0x7b: {  	s18 =	sadd.s32 s6, s17;
	s19 =	sadd.s32 s17, s10;
	_ =	swait.ge [sflag:s0], $0x4000  }
0x7c: {  	s18 =	sshrl.u32 s18, $0x3;
	s19 =	sshrl.u32 s19, $0x3;
	[sflag:s0] =	ssyncset.done $0x0  }
0x7d: {  	s17 =	sadd.s32 s17, s12;
	s18 =	sadd.s32 s5, s18;
	[sflag:s0] =	ssyncadd.s32 $0xFFFFC000  }
0x7e: {  	[tilespmem:s21], [sflag:$0x7] =	stream.linear.gather [hbm4b:s18+s4], $0x80, $0x38;
	[tilespmem:$0x1FF00] =	vst v63  }
0x7f: {  	s17 =	sshrl.u32 s17, $0x3;
	_ =	swait.ge [sflag:s22], $0x80  }
0x80: {  	s18 =	sadd.s32 $0xA200, s18;
	[sflag:s22] =	ssyncset.done $0x0  }
0x81: {  	[sflag:s22] =	ssyncadd.s32 $0xFFFFFF80  }
0x82: {  	[tilespmem:s23], [sflag:$0x7] =	stream.linear.gather [hbm4b:s18+s4], $0x80, $0x38;
	[tilespmem:$0x1FF00] =	vst v63  }
0x83: {  	_ =	swait.ge [sflag:s22], $0x80  }
0x84: {  	[sflag:s22] =	ssyncset.done $0x0  }
0x85: {  	[sflag:s22] =	ssyncadd.s32 $0xFFFFFF80  }
0x86: {  	[tilespmem:s25], [sflag:$0x1] =	stream.indirect.gather [hbm4b:s1+s24], $0x80, s21, s24, $0xb8;
	[tilespmem:$0x1FF00] =	vst v63  }
0x87: {  	_ =	swait.ge [sflag:s14], $0x4000  }
0x88: {  	s18 =	sadd.s32 s5, s19;
	[sflag:s14] =	ssyncset.done $0x0  }
0x89: {  	[sflag:s14] =	ssyncadd.s32 $0xFFFFC000  }
0x8a: {  	[tilespmem:s26], [sflag:$0x7] =	stream.linear.gather [hbm4b:s18+s4], $0x80, $0x38;
	[tilespmem:$0x1FF00] =	vst v63  }
0x8b: {  	_ =	swait.ge [sflag:s22], $0x80  }
0x8c: {  	s18 =	sadd.s32 $0xA200, s18;
	[sflag:s22] =	ssyncset.done $0x0  }
0x8d: {  	[sflag:s22] =	ssyncadd.s32 $0xFFFFFF80  }
0x8e: {  	[tilespmem:s28], [sflag:$0x7] =	stream.linear.gather [hbm4b:s18+s4], $0x80, $0x38;
	[tilespmem:$0x1FF00] =	vst v63  }
0x8f: {  	_ =	swait.ge [sflag:s22], $0x80  }
0x90: {  	[sflag:s22] =	ssyncset.done $0x0  }
0x91: {  	[sflag:s22] =	ssyncadd.s32 $0xFFFFFF80  }
0x92: {  	[tilespmem:s29], [sflag:$0x2] =	stream.indirect.gather [hbm4b:s1+s24], $0x80, s26, s24, $0xb8;
	[tilespmem:$0x1FF00] =	vst v63  }
0x93: {  	_ =	swait.ge [sflag:s8], $0x4000  }
0x94: {  	s17 =	sadd.s32 s5, s17;
	[sflag:s8] =	ssyncset.done $0x0  }
0x95: {  	[sflag:s8] =	ssyncadd.s32 $0xFFFFC000  }
0x96: {  	[tilespmem:s30], [sflag:$0x7] =	stream.linear.gather [hbm4b:s17+s4], $0x80, $0x38;
	[tilespmem:$0x1FF00] =	vst v63  }
0x97: {  	_ =	swait.ge [sflag:s22], $0x80  }
.Ltmp0:
0x98: {  	s17 =	sadd.s32 $0xA200, s17;
	[sflag:s22] =	ssyncset.done $0x0;
	(pc) =	sbr.rel @p0 .LBB2_2-.Ltmp0, $4  }
0x99: {  	[sflag:s22] =	ssyncadd.s32 $0xFFFFFF80  }
0x9a: {  	[tilespmem:s31], [sflag:$0x7] =	stream.linear.gather [hbm4b:s17+s4], $0x80, $0x38;
	[tilespmem:$0x1FF00] =	vst v63  }
0x9b: {  	_ =	swait.ge [sflag:s22], $0x80  }
0x9c: {  	[sflag:s22] =	ssyncset.done $0x0  }
0x9d: {  	[sflag:s22] =	ssyncadd.s32 $0xFFFFFF80  }
0x9e: {  	[tilespmem:s2], [sflag:$0x3] =	stream.indirect.gather [hbm4b:s1+s24], $0x80, s30, s24, $0xb8;
	[tilespmem:$0x1FF00] =	vst v63  }
0x9f: {  	_ =	swait.ge [sflag:s7], $0x4000  }
0xa0: {  	[sflag:s7] =	ssyncset.done $0x0  }
0xa1: {  	[sflag:s7] =	ssyncadd.s32 $0xFFFFC000  }
0xa2: {  	_ =	swait.ge [sflag:s9], $0x4000  }
0xa3: {  	[sflag:s9] =	ssyncset.done $0x0  }
0xa4: {  	[sflag:s9] =	ssyncadd.s32 $0xFFFFC000  }
0xa5: {  	_ =	swait.ge [sflag:s13], $0x4000  }
0xa6: {  	[sflag:s13] =	ssyncset.done $0x0  }
0xa7: {  	[sflag:s13] =	ssyncadd.s32 $0xFFFFC000  }
0xa8: {  	[bflag:$0x0] =	sbarrier.arrive $0xFFFF  }
0xa9: {  	s16 =	rddreg [dreg:$0x5]  }
0xaa: {  	s17 =	rddreg [dreg:$0xc];
	s16 =	sor.u32 $0x1C07, s16  }
0xab: {  	[hbm:s17], [sflag:s16] =	dma.local [spmem:s20], $0x2780  }
0xac: {  	_ =	swait.ge [sflag:s22], $0x2780  }
0xad: {  	s15 =	sadd.s32 $0x1, s15;
	s19 =	rddreg [dreg:$0xd]  }
0xae: {  	p0 =	sne.s32 s15, s19  }
.Ltmp1:
0xaf: {  	_ = 	snop;
	(pc) =	sbr.rel @p0 .LBB2_1-.Ltmp1, $3  }
0xb0: {  	_ =	sdelay $0x1  }
0xb1: {  	[sflag:s22] =	ssyncset.done $0x0  }
0xb2: {  	[sflag:s22] =	ssyncadd.s32 $0xFFFFD880  }
0xb3: {  	_ =	sfence.sel $0x180000  }
0xb4: {  	[bflag:$0x0] =	sbarrier.arrive $0xFFFF  }
0xb5: {  	_ =	strace $0x9000004D  }
0xb6: {  	s0 =	stileid.u32;
	[bflag:$0x2] =	sbarrier.arrive $0xFFFF  }
0xb7: {  	p0 =	sne.s32 s0, $0x0;
	s0 =	rddreg [dreg:$0x3]  }
0xb8: {  	s0 =	sadd.s32 @!p0 $0x100000, s0  }
0xb9: {  	[sflag:s0] =	ssyncadd.tile.s32 @!p0 $0x1;
	_ =	shalt  }
.Lfunc_end2:
_tile_overlayer_lowered:
.L_overlay_start_2:
0xba: {  	(tag) =	ssettag $0x2  }
0xbb: {  	s0 =	rddreg [dreg:$0x0];
	s2 =	stileid.u32  }
0xbc: {  	s1 =	rddreg [dreg:$0x1];
	p0 =	sne.s32 s2, $0x0  }
0xbd: {  	s3 =	rddreg [dreg:$0x2];
	[bflag:$0x3] =	sbarrier.arrive $0xFFFF;
	s2 =	simm.s32 @!p0 $0x1C07  }
0xbe: {  	[timem:s3], [sflag:s2] =	dma.local @!p0 [hbm:s0], s1  }
0xbf: {  	s0 =	simm.s32 @!p0 $0x7  }
0xc0: {  	_ =	swait.ge @!p0 [sflag:s0], s1  }
0xc1: {  	s1 =	ssub.s32 @!p0 $0x0, s1;
	[sflag:s0] =	ssyncset.done @!p0 $0x0  }
0xc2: {  	[sflag:s0] =	ssyncadd.s32 @!p0 s1  }
0xc3: {  	[bflag:$0x3] =	sbarrier.arrive $0xFFFF  }
0xc4: {  	_ =	shalt  }

// kernel: kernel.8.cloned.1.call-start
scs
__scs_entry_jumppad:
0x0: {  	(pc) =	sbr.rel $0x88, $3  }
0x1: {  	(tag) =	ssettag $0x0;
	lr =	simm.s32 $0x1  }
0x2: {  	[smem:$0x3F9B] =	sst lr;
	_ =	strace $0xD0000000  }
0x3: {  	_ = 	snop  }
0x4: {  	_ = 	snop  }
0x5: {  	_ = 	snop  }
0x6: {  	_ = 	snop  }
0x7: {  	_ = 	snop  }
__scs_overlays_trampoline_lowered:
0x8: {  	[smem:$0x3FAA] =	sst s0  }
0x9: {  	[smem:$0x3FAB] =	sst s1  }
0xa: {  	[smem:$0x3FAC] =	sst s2  }
0xb: {  	[smem:$0x3FAD] =	sst s3  }
0xc: {  	[smem:$0x3FAE] =	sst s4  }
0xd: {  	[smem:$0x3FAF] =	sst s5  }
0xe: {  	[smem:$0x3FB0] =	sst s6  }
0xf: {  	[smem:$0x3FB1] =	sst s7  }
0x10: {  	[smem:$0x3FB2] =	sst s8  }
0x11: {  	[smem:$0x3FB3] =	sst s9;
	s0 =	simm.s32 @!p0 $0x0  }
0x12: {  	s1 =	sld [smem:$0x3F99];
	s0 =	simm.s32 @p0 $0x1  }
0x13: {  	[smem:$0x3FB4] =	sst s0;
	s0 =	simm.s32 @!p1 $0x0  }
0x14: {  	s2 =	sld [smem:$0x3F98];
	s0 =	simm.s32 @p1 $0x1  }
0x15: {  	[smem:$0x3FB5] =	sst s0;
	s0 =	simm.s32 @!p2 $0x0  }
0x16: {  	s3 =	sld [smem:$0x3FDB];
	s0 =	simm.s32 @p2 $0x1  }
0x17: {  	s4 =	simm.s32 $0x1BF5;
	[smem:$0x3FB7] =	sst s0  }
0x18: {  	s0 =	sld [smem:$0x3F9A];
	_ =	swait.ge [sflag:s4], $0x0  }
0x19: {  	s7 =	sld [smem:$0x3F9B]  }
0x1a: {  	s8 =	sadd.s32 $0xFFFFE003, lr  }
0x1b: {  	s9 =	sadd.s32 $0xFFFFFEF7, lr;
	s5 =	simm.s32 $0xFFFFFFFF;
	p2 =	slt.u32 s8, $0xFFFFF086  }
0x1c: {  	p1 =	slt.u32 s9, $0xF7A;
	s5 =	simm.s32 @!p2 $0x0  }
0x1d: {  	s5 =	simm.s32 @p1 $0x1;
	p0 =	seq.s32 s7, s2  }
0x1e: {  	s7 =	smul.u32 @!p0 $0xF7A, s2;
	p2 =	seq.s32 @!p0 s5, $0x0  }
0x1f: {  	s9 =	smul.u32 $0xF7A, s1;
	s8 =	simm.s32 @!p0 $0x1BF5;
	p2 =	por !p2, p0  }
0x20: {  	[sflag:s8] =	ssyncset.s32 @!p0 $0xFFFFF086;
	s6 =	sadd.s32 @!p0 s3, s7;
	s7 =	simm.s32 @!p0 $0x108  }
0x21: {  	s3 =	sadd.s32 s3, s9;
	s6 =	sadd.s32 @!p0 $0x88, s6;
	s7 =	simm.s32 @p2 $0x1082  }
0x22: {  	[simem:s7], [sflag:s8] =	dma.local @!p0 [hbm:s6], $0xF7A  }
0x23: {  	s9 =	sor.u32 $0xD0000000, s2;
	s6 =	simm.s32 $0x108;
	_ =	swait.ge @!p0 [sflag:s8], $0x0  }
0x24: {  	s3 =	sadd.s32 $0x88, s3;
	s6 =	simm.s32 @!p1 $0x1082;
	[sflag:s4] =	ssyncset.s32 $0xFFFFF086  }
0x25: {  	[simem:s6], [sflag:s4] =	dma.local [hbm:s3], $0xF7A  }
0x26: {  	[smem:$0x3F9B] =	sst s1;
	(tag) =	ssettag s2;
	_ =	strace s9  }
0x27: {  	s1 =	sld [smem:$0x3FAB]  }
0x28: {  	s2 =	sld [smem:$0x3FAC]  }
0x29: {  	s4 =	sld [smem:$0x3FAE]  }
0x2a: {  	p0 =	seq.s32 s5, $0x0;
	s5 =	sld [smem:$0x3FAF]  }
0x2b: {  	s6 =	sld [smem:$0x3FB0]  }
0x2c: {  	s7 =	sld [smem:$0x3FB1]  }
0x2d: {  	s3 =	simm.s32 $0x108;
	s8 =	sld [smem:$0x3FB2]  }
0x2e: {  	s3 =	simm.s32 @!p0 $0x1082;
	s9 =	sld [smem:$0x3FB3]  }
0x2f: {  	lr =	sadd.s32 s0, s3;
	s0 =	sld [smem:$0x3FAA]  }
0x30: {  	s3 =	sld [smem:$0x3FAD]  }
0x31: {  	[smem:$0x3FB6] =	sst s10  }
0x32: {  	s10 =	sld [smem:$0x3FB4];
	_ =	sdelay $0x3  }
0x33: {  	p0 =	seq.s32 s10, $0x1;
	s10 =	sld [smem:$0x3FB6];
	_ =	sdelay $0x3  }
0x34: {  	[smem:$0x3FB6] =	sst s10  }
0x35: {  	s10 =	sld [smem:$0x3FB5];
	_ =	sdelay $0x3  }
0x36: {  	p1 =	seq.s32 s10, $0x1;
	s10 =	sld [smem:$0x3FB6];
	_ =	sdelay $0x3  }
0x37: {  	[smem:$0x3FB6] =	sst s10  }
0x38: {  	s10 =	sld [smem:$0x3FB7]  }
0x39: {  	_ = 	snop;
	(pc) =	sbr.ind lr, $3  }
0x3a: {  	_ = 	snop  }
0x3b: {  	_ = 	snop  }
0x3c: {  	p2 =	seq.s32 s10, $0x1;
	s10 =	sld [smem:$0x3FB6]  }
0x3d: {  	_ =	shalt  }
0x3e: {  	_ =	shalt  }
0x3f: {  	_ =	shalt  }
0x40: {  	_ =	shalt  }
0x41: {  	_ =	shalt  }
0x42: {  	_ =	shalt  }
0x43: {  	_ =	shalt  }
0x44: {  	_ =	shalt  }
0x45: {  	_ =	shalt  }
0x46: {  	_ =	shalt  }
0x47: {  	_ =	shalt  }
0x48: {  	_ =	shalt  }
0x49: {  	_ =	shalt  }
0x4a: {  	_ =	shalt  }
0x4b: {  	_ =	shalt  }
0x4c: {  	_ =	shalt  }
0x4d: {  	_ =	shalt  }
0x4e: {  	_ =	shalt  }
0x4f: {  	_ =	shalt  }
0x50: {  	_ =	shalt  }
0x51: {  	_ =	shalt  }
0x52: {  	_ =	shalt  }
0x53: {  	_ =	shalt  }
0x54: {  	_ =	shalt  }
0x55: {  	_ =	shalt  }
0x56: {  	_ =	shalt  }
0x57: {  	_ =	shalt  }
0x58: {  	_ =	shalt  }
0x59: {  	_ =	shalt  }
0x5a: {  	_ =	shalt  }
0x5b: {  	_ =	shalt  }
0x5c: {  	_ =	shalt  }
0x5d: {  	_ =	shalt  }
0x5e: {  	_ =	shalt  }
0x5f: {  	_ =	shalt  }
0x60: {  	_ =	shalt  }
0x61: {  	_ =	shalt  }
0x62: {  	_ =	shalt  }
0x63: {  	_ =	shalt  }
0x64: {  	_ =	shalt  }
0x65: {  	_ =	shalt  }
0x66: {  	_ =	shalt  }
0x67: {  	_ =	shalt  }
0x68: {  	_ =	shalt  }
0x69: {  	_ =	shalt  }
0x6a: {  	_ =	shalt  }
0x6b: {  	_ =	shalt  }
0x6c: {  	_ =	shalt  }
0x6d: {  	_ =	shalt  }
0x6e: {  	_ =	shalt  }
0x6f: {  	_ =	shalt  }
0x70: {  	_ =	shalt  }
0x71: {  	_ =	shalt  }
0x72: {  	_ =	shalt  }
0x73: {  	_ =	shalt  }
0x74: {  	_ =	shalt  }
0x75: {  	_ =	shalt  }
0x76: {  	_ =	shalt  }
0x77: {  	_ =	shalt  }
0x78: {  	_ =	shalt  }
0x79: {  	_ =	shalt  }
0x7a: {  	_ =	shalt  }
0x7b: {  	_ =	shalt  }
0x7c: {  	_ =	shalt  }
0x7d: {  	_ =	shalt  }
0x7e: {  	_ =	shalt  }
0x7f: {  	_ =	shalt  }
0x80: {  	_ =	shalt  }
0x81: {  	_ =	shalt  }
0x82: {  	_ =	shalt  }
0x83: {  	_ =	shalt  }
0x84: {  	_ =	shalt  }
0x85: {  	_ =	shalt  }
0x86: {  	_ =	shalt  }
0x87: {  	_ =	shalt  }
.Lfunc_end0:
.L_simem_size_0:
called_computation_lowered:
.L_overlay_start_0:
0x88: {  	s2 =	sld [smem:$0x3FD9]  }
0x89: {  	s3 =	sld [smem:$0x3FFE];
	_ =	sdelay $0x1  }
0x8a: {  	s1 =	srdreg.scid  }
0x8b: {  	s0 =	sand.u32 $0x1, s1  }
0x8c: {  	s17 =	sshll.u32 s0, $0xA;
	s2 =	sadd.s32 s3, s2  }
0x8d: {  	s2 =	sadd.s32 s2, s17  }
0x8e: {  	[smem:$0x3FC2] =	sst s2  }
0x8f: {  	_ = 	snop  }
0x90: {  	s2 =	sld [smem:$0x3FD0];
	(tm) =	ssettm $0x1  }
0x91: {  	s18 =	sld [smem:$0x3FFB];
	_ =	sdelay $0x3  }
0x92: {  	_ =	strace s18  }
0x93: {  	s3 =	sld [smem:$0x3FFC];
	_ =	sdelay $0x3  }
0x94: {  	_ =	strace s3  }
0x95: {  	s3 =	sld [smem:$0x3FFD];
	_ =	sdelay $0x3  }
0x96: {  	_ =	strace s3  }
0x97: {  	_ =	strace $0x8FFFFFFF  }
0x98: {  	s19 =	sld [smem:$0x3FDB];
	_ =	sdelay $0x1  }
0x99: {  	s4 =	simm.s32 $_scs_section_size  }
0x9a: {  	s5 =	simm.s32 $_size__tile_overlayer_lowered;
	s6 =	simm.s32 $_tile_overlayer_lowered  }
0x9b: {  	s22 =	simm.s32 $0x1BFF;
	s21 =	sshll.u32 s6, $0x1;
	s3 =	sadd.s32 s4, s19  }
0x9c: {  	s7 =	simm.s32 $0x0;
	s20 =	sshll.u32 s5, $0x1;
	s5 =	sadd.s32 s21, s3  }
0x9d: {  	[timem:s7], [sflag:s22] =	dma.local [hbm:s5], s20  }
0x9e: {  	_ =	swait.ge [sflag:s22], s20  }
0x9f: {  	s4 =	ssub.s32 $0x0, s20;
	[sflag:s22] =	ssyncset.done $0x0  }
0xa0: {  	[sflag:s22] =	ssyncadd.s32 s4;
	_ =	sdelay $0x1  }
0xa1: {  	s23 =	simm.s32 $0x1B8B  }
0xa2: {  	_ =	swait.ge [sflag:s23], $0x1  }
0xa3: {  	[sflag:s23] =	ssyncset.done $0x0  }
0xa4: {  	s25 =	simm.s32 $0x1B8E;
	s24 =	sld [smem:$0x3FFE];
	[sflag:s23] =	ssyncadd.s32 $0xFFFFFFFF  }
0xa5: {  	s26 =	simm.s32 $execute0_lowered;
	[smem:$0x3FD2] =	sst s25  }
0xa6: {  	s5 =	sshll.u32 s26, $0x1;
	_ =	strace $0x80000046;
	[dreg:$0x1] =	wrdreg $0xFFFFFFFF  }
0xa7: {  	s28 =	simm.s32 $_size_execute0_lowered;
	s3 =	sadd.s32 s3, s5;
	[dreg:$0x0] =	wrdreg $0x0  }
0xa8: {  	s5 =	sshll.u32 s28, $0x1;
	[dreg:$0x2] =	wrdreg s3  }
0xa9: {  	[dreg:$0x3] =	wrdreg s5  }
0xaa: {  	[dreg:$0x4] =	wrdreg $0xC0  }
0xab: {  	_ =	task [dreg:s7], $0x5FFFF  }
0xac: {  	[dreg:$0x1] =	wrdreg $0xFFFFFFFF  }
0xad: {  	[dreg:$0x0] =	wrdreg $0x60  }
0xae: {  	[dreg:$0x2] =	wrdreg s2  }
0xaf: {  	[dreg:$0x3] =	wrdreg s24  }
0xb0: {  	[dreg:$0x4] =	wrdreg $0x9F000  }
0xb1: {  	[dreg:$0x5] =	wrdreg $0x9  }
0xb2: {  	_ =	task.clear_ibuf [dreg:s7], $0x6FFFF;
	_ =	strace $0x90000046  }
0xb3: {  	s29 =	simm.s32 $0x9;
	_ =	strace $0x80000048  }
0xb4: {  	_ =	swait.ge [sflag:s29], $0x1  }
0xb5: {  	[sflag:s29] =	ssyncadd.s32 $0xFFFFFFFF  }
0xb6: {  	_ =	strace $0x90000048  }
0xb7: {  	_ =	sfence  }
0xb8: {  	s30 =	sld [smem:$0x0];
	_ =	sdelay $0x2  }
0xb9: {  	s31 =	sshll.u32 s1, $0xD;
	s1 =	sshrl.u32 s1, $0x2  }
0xba: {  	s3 =	sand.u32 $0x4000, s31;
	s1 =	sadd.s32 s1, s30  }
0xbb: {  	s0 =	sor.u32 s3, s0;
	s1 =	sshll.u32 s1, $0x11  }
0xbc: {  	s0 =	sor.u32 s1, s0  }
0xbd: {  	s0 =	sadd.s32 $0x8F2B, s0  }
0xbe: {  	[sflag:s0] =	ssyncadd.remote.s32 $0x1  }
0xbf: {  	_ =	sfence.sel $0xFFFF  }
0xc0: {  	[dreg:$0x0] =	wrdreg $0xFFFFFFFF;
	(pc) =	sbr.abs _section_cstart, $3  }
0xc1: {  	[dreg:$0x1] =	wrdreg $0xFFFFFFFF  }
0xc2: {  	_ =	task.clear_ibuf [dreg:s7], $0x2FFFF;
	_ =	strace $0x9FFFFFFF  }
0xc3: {  	(tm) =	ssettm $0x7FFFFFFF  }
tec
execute0_lowered:
.L_overlay_start_1:
0x0: {  	(tag) =	ssettag $0x1  }
0x1: {  	s0 =	rddreg [dreg:$0x0]  }
0x2: {  	s1 =	srdreg.scid;
	s3 =	rddreg [dreg:$0x1]  }
0x3: {  	s8 =	stileid.u32;
	s5 =	rddreg [dreg:$0x2]  }
0x4: {  	s2 =	simm.s32 $0x0;
	s1 =	sand.u32 $0x1, s1;
	s4 =	smul.u32 $0x280, s8  }
0x5: {  	s6 =	smul.u32 $0x5000, s1;
	s7 =	sshll.u32 s1, $0x4;
	s1 =	ssub.s32 $0x2, s1  }
0x6: {  	s7 =	sor.u32 s8, s7;
	s8 =	smul.u32 $0x14000, s8;
	s17 =	sshrl.u32 s1, $0x1  }
0x7: {  	[smem:$0x7FF] =	sst s2;
	s7 =	smul.u32 $0x2710, s7;
	s1 =	ssub.s32 s1, s17  }
0x8: {  	_ =	strace $0x80000047;
	s19 =	sshrl.u32 s8, $0x2;
	s17 =	smax.u32 s1, $0x1  }
0x9: {  	s18 =	sshrl.u32 s7, $0x3;
	s20 =	sadd.s32 s19, s5;
	[dreg:$0x19] =	wrdreg s17  }
0xa: {  	s0 =	sadd.s32 s0, s18;
	[dreg:$0x5] =	wrdreg s20  }
0xb: {  	s5 =	sadd.s32 s4, s5;
	s21 =	sadd.s32 $0x2800, s20;
	[dreg:$0x4] =	wrdreg s0  }
0xc: {  	s22 =	sadd.s32 $0x5000, s5;
	[dreg:$0x7] =	wrdreg s21  }
0xd: {  	s23 =	sadd.s32 $0xA000, s5;
	[dreg:$0x8] =	wrdreg s22  }
0xe: {  	s24 =	sadd.s32 $0xF000, s5;
	[dreg:$0x9] =	wrdreg s23  }
0xf: {  	s25 =	sadd.s32 $0x14000, s5;
	[dreg:$0xa] =	wrdreg s24  }
0x10: {  	s6 =	sadd.s32 s4, s6;
	s26 =	sadd.s32 $0x19000, s5;
	[dreg:$0xb] =	wrdreg s25  }
0x11: {  	s6 =	sshrl.u32 s6, $0x3;
	s4 =	sadd.s32 $0x1E000, s5;
	[dreg:$0xc] =	wrdreg s26  }
0x12: {  	s3 =	sadd.s32 s6, s3;
	s6 =	sadd.s32 $0x23000, s5;
	[dreg:$0xd] =	wrdreg s4  }
0x13: {  	s7 =	sadd.s32 $0x28000, s5;
	[dreg:$0xe] =	wrdreg s6  }
0x14: {  	s8 =	sadd.s32 $0x2D000, s5;
	[dreg:$0xf] =	wrdreg s7  }
0x15: {  	s9 =	sadd.s32 $0x32000, s5;
	[dreg:$0x10] =	wrdreg s8  }
0x16: {  	s10 =	sadd.s32 $0x37000, s5;
	[dreg:$0x11] =	wrdreg s9  }
0x17: {  	s11 =	sadd.s32 $0x3C000, s5;
	[dreg:$0x12] =	wrdreg s10  }
0x18: {  	s12 =	sadd.s32 $0x41000, s5;
	[dreg:$0x13] =	wrdreg s11  }
0x19: {  	s28 =	simm.s32 $0x10F80;
	s13 =	sadd.s32 $0x46000, s5;
	[dreg:$0x14] =	wrdreg s12  }
0x1a: {  	s29 =	simm.s32 $0x11200;
	s14 =	sadd.s32 $0x4B000, s5;
	[dreg:$0x15] =	wrdreg s13  }
0x1b: {  	s30 =	simm.s32 $0x11480;
	s15 =	sadd.s32 $0x2000, s3;
	[dreg:$0x16] =	wrdreg s14  }
0x1c: {  	s31 =	simm.s32 $0x0;
	s16 =	sadd.s32 $0x2500, s3;
	[dreg:$0x17] =	wrdreg s15  }
0x1d: {  	s17 =	simm.s32 $0xF180;
	s18 =	sadd.s32 $0x2800, s5;
	[dreg:$0x18] =	wrdreg s16  }
0x1e: {  	s19 =	sadd.s32 $0x7800, s5;
	s20 =	sadd.s32 $0xC800, s5;
	[dreg:$0x1a] =	wrdreg s18  }
0x1f: {  	s3 =	simm.s32 $0xFE00;
	s0 =	sadd.s32 $0x9C40, s0;
	[dreg:$0x1b] =	wrdreg s19  }
0x20: {  	[dreg:$0x1c] =	wrdreg s20;
	s21 =	sadd.s32 $0x11800, s5;
	s22 =	sadd.s32 $0x16800, s5  }
0x21: {  	s23 =	sadd.s32 $0x1B800, s5;
	s24 =	sadd.s32 $0x20800, s5;
	s25 =	sadd.s32 $0x25800, s5  }
0x22: {  	s26 =	sadd.s32 $0x2A800, s5;
	s8 =	sadd.s32 $0x2F800, s5;
	[dreg:$0x6] =	wrdreg s0  }
0x23: {  	s9 =	sadd.s32 $0x34800, s5;
	s10 =	sadd.s32 $0x39800, s5;
	[dreg:$0x1d] =	wrdreg s21  }
0x24: {  	s11 =	sadd.s32 $0x3E800, s5;
	s12 =	sadd.s32 $0x43800, s5;
	[dreg:$0x1e] =	wrdreg s22  }
0x25: {  	s13 =	sadd.s32 $0x48800, s5;
	s14 =	sadd.s32 $0x4D800, s5;
	[dreg:$0x1f] =	wrdreg s23  }
0x26: {  	s15 =	simm.s32 $0x1;
	s16 =	simm.s32 $0x2800;
	[smem:$0x7FB] =	sst s24  }
0x27: {  	s18 =	simm.s32 $0xF400;
	s19 =	simm.s32 $0xF680;
	[smem:$0x7FC] =	sst s25  }
0x28: {  	s20 =	simm.s32 $0xF900;
	s4 =	simm.s32 $0x10300;
	[smem:$0x7FD] =	sst s26  }
0x29: {  	s21 =	simm.s32 $0xFB80;
	s22 =	simm.s32 $0x10080;
	s23 =	simm.s32 $0x10580  }
0x2a: {  	v0 =	vimm.f32 $0.0e+00;
	v1 =	vimm.f32 $1.000000000e+00;
	s24 =	simm.s32 $0x10800;
	s25 =	simm.s32 $0x10A80;
	s26 =	simm.s32 $0x10D00  }
.LBB2_1:
0x2b: {  	s0 =	simm.s32 $0x0;
	s1 =	simm.s32 $0x100  }
.LBB2_2:
0x2c: {  	p0 =	sne.s32 s1, $0x9F00;
	[tilespmem:s0+$0x2830] =	vst v0  }
0x2d: {  	[tilespmem:s0+$0x0] =	vst v0  }
0x2e: {  	[tilespmem:s0+$0x2800] =	vst v0  }
.Ltmp0:
0x2f: {  	[tilespmem:s0+$0x10] =	vst v0;
	(pc) =	sbr.rel @p0 .LBB2_2-.Ltmp0, $4  }
0x30: {  	[tilespmem:s0+$0x2810] =	vst v0  }
0x31: {  	[tilespmem:s0+$0x20] =	vst v0  }
0x32: {  	[tilespmem:s0+$0x2820] =	vst v0  }
0x33: {  	[tilespmem:s0+$0x30] =	vst v0;
	s0 =	sshra.s32 s1, $0x2;
	s1 =	sadd.s32 $0x100, s1  }
0x34: {  	[tilespmem:s0+$0x2830] =	vst v0  }
0x35: {  	[tilespmem:s0+$0x0] =	vst v0  }
0x36: {  	[tilespmem:s0+$0x2800] =	vst v0  }
0x37: {  	[tilespmem:s0+$0x10] =	vst v0  }
0x38: {  	[tilespmem:s0+$0x2810] =	vst v0  }
0x39: {  	[tilespmem:s0+$0x20] =	vst v0  }
0x3a: {  	[tilespmem:s0+$0x2820] =	vst v0  }
0x3b: {  	[tilespmem:s0+$0x30] =	vst v0;
	s0 =	simm.s32 $0x0;
	s1 =	rddreg [dreg:$0x4];
	s6 =	simm.s32 $0x5000  }
0x3c: {  	[tilespmem:s6], [sflag:$0x1] =	stream.linear.gather [hbm4b:s1+s0], $0x2710, $0x38;
	[tilespmem:$0x11980] =	vst v63  }
0x3d: {  	_ =	swait.ge [sflag:s15], $0x2710  }
0x3e: {  	[sflag:s15] =	ssyncset.done $0x0  }
0x3f: {  	[sflag:s15] =	ssyncadd.s32 $0xFFFFD8F0  }
.LBB2_4:
0x40: {  	s1 =	sshra.s32 s0, $0x2  }
0x41: {  	v2 =	vld [tilespmem:s1+$0x5000];
	_ =	sdelay $0x7  }
0x42: {  	[tilespmem:v2+s2+$0x0] =	vst.idx.add.f32.msk $0xffff, v1  }
0x43: {  	v2 =	vld [tilespmem:s1+$0x5010];
	_ =	sdelay $0x7  }
0x44: {  	[tilespmem:v2+s2+$0x0] =	vst.idx.add.f32.msk $0xffff, v1  }
0x45: {  	v2 =	vld [tilespmem:s1+$0x5020];
	_ =	sdelay $0x7  }
0x46: {  	[tilespmem:v2+s2+$0x0] =	vst.idx.add.f32.msk $0xffff, v1  }
0x47: {  	v2 =	vld [tilespmem:s1+$0x5030];
	_ =	sdelay $0x7  }
0x48: {  	[tilespmem:v2+s2+$0x0] =	vst.idx.add.f32.msk $0xffff, v1  }
0x49: {  	v2 =	vld [tilespmem:s1+$0x5040];
	_ =	sdelay $0x2  }
0x4a: {  	p0 =	sne.s32 s0, $0x9B00  }
.Ltmp1:
0x4b: {  	_ = 	snop;
	(pc) =	sbr.rel @p0 .LBB2_4-.Ltmp1, $2  }
0x4c: {  	_ =	sdelay $0x2  }
0x4d: {  	s0 =	sadd.s32 $0x140, s0;
	[tilespmem:v2+s2+$0x0] =	vst.idx.add.f32.msk $0xffff, v1  }
0x4e: {  	s0 =	simm.s32 $0x0;
	s1 =	rddreg [dreg:$0x6];
	s6 =	simm.s32 $0x7780  }
0x4f: {  	[tilespmem:s6], [sflag:$0x1] =	stream.linear.gather [hbm4b:s1+s0], $0x2710, $0x38;
	[tilespmem:$0x11980] =	vst v63  }
0x50: {  	_ =	swait.ge [sflag:s15], $0x2710  }
0x51: {  	[sflag:s15] =	ssyncset.done $0x0  }
0x52: {  	[sflag:s15] =	ssyncadd.s32 $0xFFFFD8F0  }
.LBB2_6:
0x53: {  	s1 =	sshra.s32 s0, $0x2  }
0x54: {  	v2 =	vld [tilespmem:s1+$0x7780];
	_ =	sdelay $0x7  }
0x55: {  	[tilespmem:v2+s16+$0x0] =	vst.idx.add.f32.msk $0xffff, v1  }
0x56: {  	v2 =	vld [tilespmem:s1+$0x7790];
	_ =	sdelay $0x7  }
0x57: {  	[tilespmem:v2+s16+$0x0] =	vst.idx.add.f32.msk $0xffff, v1  }
0x58: {  	v2 =	vld [tilespmem:s1+$0x77A0];
	_ =	sdelay $0x7  }
0x59: {  	[tilespmem:v2+s16+$0x0] =	vst.idx.add.f32.msk $0xffff, v1  }
0x5a: {  	v2 =	vld [tilespmem:s1+$0x77B0];
	_ =	sdelay $0x7  }
0x5b: {  	[tilespmem:v2+s16+$0x0] =	vst.idx.add.f32.msk $0xffff, v1  }
0x5c: {  	v2 =	vld [tilespmem:s1+$0x77C0];
	_ =	sdelay $0x2  }
0x5d: {  	p0 =	sne.s32 s0, $0x9B00  }
.Ltmp2:
0x5e: {  	_ = 	snop;
	(pc) =	sbr.rel @p0 .LBB2_6-.Ltmp2, $2  }
0x5f: {  	_ =	sdelay $0x2  }
0x60: {  	s0 =	sadd.s32 $0x140, s0;
	[tilespmem:v2+s16+$0x0] =	vst.idx.add.f32.msk $0xffff, v1  }
0x61: {  	s0 =	simm.s32 $0x0;
	s1 =	rddreg [dreg:$0x5]  }
0x62: {  	[spmem:s1] =	stream.linear.scatter [tilespmem:s0], [sflag:$0x1], $0x2800, $0x38;
	[tilespmem:$0x11980] =	vst v63  }
0x63: {  	_ =	swait.ge [sflag:s15], $0x2800  }
0x64: {  	[sflag:s15] =	ssyncset.done $0x0  }
0x65: {  	s6 =	rddreg [dreg:$0x7];
	[sflag:s15] =	ssyncadd.s32 $0xFFFFD800  }
0x66: {  	[spmem:s6] =	stream.linear.scatter [tilespmem:s16], [sflag:$0x1], $0x2800, $0x38;
	[tilespmem:$0x11980] =	vst v63  }
0x67: {  	_ =	swait.ge [sflag:s15], $0x2800  }
0x68: {  	[sflag:s15] =	ssyncset.done $0x0  }
0x69: {  	[sflag:s15] =	ssyncadd.s32 $0xFFFFD800  }
0x6a: {  	s1 =	simm.s32 $0xEF00;
	[bflag:$0x0] =	sbarrier.arrive $0xFFFF  }
0x6b: {  	[tilespmem:s1], [sflag:$0x1] =	stream.linear.gather [spmem:s5], $0x280, $0x38;
	[tilespmem:$0x11980] =	vst v63  }
0x6c: {  	_ =	swait.ge [sflag:s15], $0x280  }
0x6d: {  	[sflag:s15] =	ssyncset.done $0x0  }
0x6e: {  	s6 =	rddreg [dreg:$0x8];
	[sflag:s15] =	ssyncadd.s32 $0xFFFFFD80  }
0x6f: {  	[tilespmem:s17], [sflag:$0x1] =	stream.linear.gather [spmem:s6], $0x280, $0x38;
	[tilespmem:$0x11980] =	vst v63  }
0x70: {  	_ =	swait.ge [sflag:s15], $0x280  }
0x71: {  	[sflag:s15] =	ssyncset.done $0x0  }
0x72: {  	s7 =	rddreg [dreg:$0x9];
	[sflag:s15] =	ssyncadd.s32 $0xFFFFFD80  }
0x73: {  	[tilespmem:s18], [sflag:$0x1] =	stream.linear.gather [spmem:s7], $0x280, $0x38;
	[tilespmem:$0x11980] =	vst v63  }
0x74: {  	_ =	swait.ge [sflag:s15], $0x280  }
0x75: {  	[sflag:s15] =	ssyncset.done $0x0  }
0x76: {  	s7 =	rddreg [dreg:$0xa];
	[sflag:s15] =	ssyncadd.s32 $0xFFFFFD80  }
0x77: {  	[tilespmem:s19], [sflag:$0x1] =	stream.linear.gather [spmem:s7], $0x280, $0x38;
	[tilespmem:$0x11980] =	vst v63  }
0x78: {  	_ =	swait.ge [sflag:s15], $0x280  }
0x79: {  	[sflag:s15] =	ssyncset.done $0x0  }
0x7a: {  	s7 =	rddreg [dreg:$0xb];
	[sflag:s15] =	ssyncadd.s32 $0xFFFFFD80  }
0x7b: {  	[tilespmem:s20], [sflag:$0x1] =	stream.linear.gather [spmem:s7], $0x280, $0x38;
	[tilespmem:$0x11980] =	vst v63  }
0x7c: {  	_ =	swait.ge [sflag:s15], $0x280  }
0x7d: {  	[sflag:s15] =	ssyncset.done $0x0  }
0x7e: {  	s7 =	rddreg [dreg:$0xc];
	[sflag:s15] =	ssyncadd.s32 $0xFFFFFD80  }
0x7f: {  	[tilespmem:s21], [sflag:$0x1] =	stream.linear.gather [spmem:s7], $0x280, $0x38;
	[tilespmem:$0x11980] =	vst v63  }
0x80: {  	_ =	swait.ge [sflag:s15], $0x280  }
0x81: {  	[sflag:s15] =	ssyncset.done $0x0  }
0x82: {  	s7 =	rddreg [dreg:$0xd];
	[sflag:s15] =	ssyncadd.s32 $0xFFFFFD80  }
0x83: {  	[tilespmem:s3], [sflag:$0x1] =	stream.linear.gather [spmem:s7], $0x280, $0x38;
	[tilespmem:$0x11980] =	vst v63  }
0x84: {  	_ =	swait.ge [sflag:s15], $0x280  }
0x85: {  	[sflag:s15] =	ssyncset.done $0x0  }
0x86: {  	s7 =	rddreg [dreg:$0xe];
	[sflag:s15] =	ssyncadd.s32 $0xFFFFFD80  }
0x87: {  	[tilespmem:s22], [sflag:$0x1] =	stream.linear.gather [spmem:s7], $0x280, $0x38;
	[tilespmem:$0x11980] =	vst v63  }
0x88: {  	_ =	swait.ge [sflag:s15], $0x280  }
0x89: {  	[sflag:s15] =	ssyncset.done $0x0  }
0x8a: {  	s7 =	rddreg [dreg:$0xf];
	[sflag:s15] =	ssyncadd.s32 $0xFFFFFD80  }
0x8b: {  	[tilespmem:s4], [sflag:$0x1] =	stream.linear.gather [spmem:s7], $0x280, $0x38;
	[tilespmem:$0x11980] =	vst v63  }
0x8c: {  	_ =	swait.ge [sflag:s15], $0x280  }
0x8d: {  	[sflag:s15] =	ssyncset.done $0x0  }
0x8e: {  	s7 =	rddreg [dreg:$0x10];
	[sflag:s15] =	ssyncadd.s32 $0xFFFFFD80  }
0x8f: {  	[tilespmem:s23], [sflag:$0x1] =	stream.linear.gather [spmem:s7], $0x280, $0x38;
	[tilespmem:$0x11980] =	vst v63  }
0x90: {  	_ =	swait.ge [sflag:s15], $0x280  }
0x91: {  	[sflag:s15] =	ssyncset.done $0x0  }
0x92: {  	s7 =	rddreg [dreg:$0x11];
	[sflag:s15] =	ssyncadd.s32 $0xFFFFFD80  }
0x93: {  	[tilespmem:s24], [sflag:$0x1] =	stream.linear.gather [spmem:s7], $0x280, $0x38;
	[tilespmem:$0x11980] =	vst v63  }
0x94: {  	_ =	swait.ge [sflag:s15], $0x280  }
0x95: {  	[sflag:s15] =	ssyncset.done $0x0  }
0x96: {  	s7 =	rddreg [dreg:$0x12];
	[sflag:s15] =	ssyncadd.s32 $0xFFFFFD80  }
0x97: {  	[tilespmem:s25], [sflag:$0x1] =	stream.linear.gather [spmem:s7], $0x280, $0x38;
	[tilespmem:$0x11980] =	vst v63  }
0x98: {  	_ =	swait.ge [sflag:s15], $0x280  }
0x99: {  	[sflag:s15] =	ssyncset.done $0x0  }
0x9a: {  	s7 =	rddreg [dreg:$0x13];
	[sflag:s15] =	ssyncadd.s32 $0xFFFFFD80  }
0x9b: {  	[tilespmem:s26], [sflag:$0x1] =	stream.linear.gather [spmem:s7], $0x280, $0x38;
	[tilespmem:$0x11980] =	vst v63  }
0x9c: {  	_ =	swait.ge [sflag:s15], $0x280  }
0x9d: {  	[sflag:s15] =	ssyncset.done $0x0  }
0x9e: {  	s7 =	rddreg [dreg:$0x14];
	[sflag:s15] =	ssyncadd.s32 $0xFFFFFD80  }
0x9f: {  	[tilespmem:s28], [sflag:$0x1] =	stream.linear.gather [spmem:s7], $0x280, $0x38;
	[tilespmem:$0x11980] =	vst v63  }
0xa0: {  	_ =	swait.ge [sflag:s15], $0x280  }
0xa1: {  	[sflag:s15] =	ssyncset.done $0x0  }
0xa2: {  	s7 =	rddreg [dreg:$0x15];
	[sflag:s15] =	ssyncadd.s32 $0xFFFFFD80  }
0xa3: {  	[tilespmem:s29], [sflag:$0x1] =	stream.linear.gather [spmem:s7], $0x280, $0x38;
	[tilespmem:$0x11980] =	vst v63  }
0xa4: {  	_ =	swait.ge [sflag:s15], $0x280  }
0xa5: {  	[sflag:s15] =	ssyncset.done $0x0  }
0xa6: {  	s7 =	rddreg [dreg:$0x16];
	[sflag:s15] =	ssyncadd.s32 $0xFFFFFD80  }
0xa7: {  	[tilespmem:s30], [sflag:$0x1] =	stream.linear.gather [spmem:s7], $0x280, $0x38;
	[tilespmem:$0x11980] =	vst v63  }
0xa8: {  	_ =	swait.ge [sflag:s15], $0x280  }
0xa9: {  	[sflag:s15] =	ssyncset.done $0x0  }
0xaa: {  	s0 =	sand.u32 $0x3F0, s0;
	[sflag:s15] =	ssyncadd.s32 $0xFFFFFD80  }
0xab: {  	v2 =	vld [tilespmem:s0+$0xF180]  }
0xac: {  	v3 =	vld [tilespmem:s1+$0x0];
	_ =	sdelay $0x1  }
0xad: {  	v4 =	vld [tilespmem:s0+$0xF400];
	_ =	sdelay $0x1  }
0xae: {  	v5 =	vld [tilespmem:s0+$0xF680]  }
0xaf: {  	v2 =	vadd.f32 v2, v3  }
0xb0: {  	v3 =	vld [tilespmem:s0+$0xF900]  }
0xb1: {  	v2 =	vadd.f32 v4, v2  }
0xb2: {  	v56 =	vld [tilespmem:s0+$0xFB80]  }
0xb3: {  	v2 =	vadd.f32 v5, v2  }
0xb4: {  	v57 =	vld [tilespmem:s0+$0xFE00]  }
0xb5: {  	v2 =	vadd.f32 v3, v2  }
0xb6: {  	v3 =	vld [tilespmem:s0+$0x10080]  }
0xb7: {  	v2 =	vadd.f32 v56, v2  }
0xb8: {  	v58 =	vld [tilespmem:s0+$0x10300]  }
0xb9: {  	v2 =	vadd.f32 v57, v2  }
0xba: {  	v59 =	vld [tilespmem:s0+$0x10580]  }
0xbb: {  	v2 =	vadd.f32 v3, v2  }
0xbc: {  	v3 =	vld [tilespmem:s0+$0x10800]  }
0xbd: {  	v2 =	vadd.f32 v58, v2  }
0xbe: {  	v60 =	vld [tilespmem:s0+$0x10A80]  }
0xbf: {  	v2 =	vadd.f32 v59, v2  }
0xc0: {  	v61 =	vld [tilespmem:s0+$0x10D00]  }
0xc1: {  	v2 =	vadd.f32 v3, v2  }
0xc2: {  	v3 =	vld [tilespmem:s0+$0x10F80]  }
0xc3: {  	v2 =	vadd.f32 v60, v2  }
0xc4: {  	v62 =	vld [tilespmem:s0+$0x11200]  }
0xc5: {  	v2 =	vadd.f32 v61, v2  }
0xc6: {  	v63 =	vld [tilespmem:s0+$0x11480]  }
0xc7: {  	v2 =	vadd.f32 v3, v2;
	_ =	sdelay $0x1  }
0xc8: {  	v2 =	vadd.f32 v62, v2;
	_ =	sdelay $0x1  }
0xc9: {  	v2 =	vadd.f32 v63, v2  }
0xca: {  	s7 =	simm.s32 $0x10;
	s1 =	simm.s32 $0x11700  }
0xcb: {  	s0 =	sand.u32 $0x3F0, s7;
	[tilespmem:s1+$0x0] =	vst v2  }
0xcc: {  	s6 =	simm.s32 $0xEF10;
	s7 =	simm.s32 $0x20;
	v2 =	vld [tilespmem:s0+$0xF180]  }
.LBB2_8:
0xcd: {  	p0 =	sne.s32 s7, $0x270;
	v3 =	vld [tilespmem:s6+$0x0];
	_ =	sdelay $0x1  }
0xce: {  	v4 =	vld [tilespmem:s0+$0xF400];
	_ =	sdelay $0x1  }
0xcf: {  	v5 =	vld [tilespmem:s0+$0xF680]  }
0xd0: {  	v2 =	vadd.f32 v2, v3  }
0xd1: {  	v3 =	vld [tilespmem:s0+$0xF900]  }
0xd2: {  	v2 =	vadd.f32 v4, v2  }
0xd3: {  	v4 =	vld [tilespmem:s0+$0xFB80]  }
0xd4: {  	v2 =	vadd.f32 v5, v2  }
0xd5: {  	v5 =	vld [tilespmem:s0+$0xFE00]  }
0xd6: {  	v2 =	vadd.f32 v3, v2  }
0xd7: {  	v3 =	vld [tilespmem:s0+$0x10080]  }
0xd8: {  	v2 =	vadd.f32 v4, v2  }
0xd9: {  	v4 =	vld [tilespmem:s0+$0x10300]  }
0xda: {  	v2 =	vadd.f32 v5, v2  }
0xdb: {  	v5 =	vld [tilespmem:s0+$0x10580]  }
0xdc: {  	v2 =	vadd.f32 v3, v2  }
0xdd: {  	v3 =	vld [tilespmem:s0+$0x10800]  }
0xde: {  	v2 =	vadd.f32 v4, v2  }
0xdf: {  	v4 =	vld [tilespmem:s0+$0x10A80]  }
0xe0: {  	v2 =	vadd.f32 v5, v2  }
0xe1: {  	v5 =	vld [tilespmem:s0+$0x10D00]  }
0xe2: {  	v2 =	vadd.f32 v3, v2  }
0xe3: {  	v3 =	vld [tilespmem:s0+$0x10F80]  }
0xe4: {  	v2 =	vadd.f32 v4, v2  }
0xe5: {  	v4 =	vld [tilespmem:s0+$0x11200]  }
0xe6: {  	v2 =	vadd.f32 v5, v2  }
0xe7: {  	v5 =	vld [tilespmem:s0+$0x11480]  }
0xe8: {  	v2 =	vadd.f32 v3, v2;
	_ =	sdelay $0x1  }
0xe9: {  	v2 =	vadd.f32 v4, v2  }
.Ltmp3:
0xea: {  	(pc) =	sbr.rel @p0 .LBB2_8-.Ltmp3, $4  }
0xeb: {  	v2 =	vadd.f32 v5, v2  }
0xec: {  	s1 =	sadd.s32 $0x10, s1  }
0xed: {  	s0 =	sand.u32 $0x3F0, s7;
	[tilespmem:s1+$0x0] =	vst v2  }
0xee: {  	s6 =	sadd.s32 $0x10, s6;
	s7 =	sadd.s32 $0x10, s7;
	v2 =	vld [tilespmem:s0+$0xF180]  }
0xef: {  	v3 =	vld [tilespmem:s6+$0x0];
	_ =	sdelay $0x1  }
0xf0: {  	v4 =	vld [tilespmem:s0+$0xF400];
	_ =	sdelay $0x1  }
0xf1: {  	v5 =	vld [tilespmem:s0+$0xF680]  }
0xf2: {  	v2 =	vadd.f32 v2, v3  }
0xf3: {  	v3 =	vld [tilespmem:s0+$0xF900]  }
0xf4: {  	v2 =	vadd.f32 v4, v2  }
0xf5: {  	v46 =	vld [tilespmem:s0+$0xFB80]  }
0xf6: {  	v2 =	vadd.f32 v5, v2  }
0xf7: {  	v47 =	vld [tilespmem:s0+$0xFE00]  }
0xf8: {  	v2 =	vadd.f32 v3, v2  }
0xf9: {  	v3 =	vld [tilespmem:s0+$0x10080]  }
0xfa: {  	v2 =	vadd.f32 v46, v2  }
0xfb: {  	v48 =	vld [tilespmem:s0+$0x10300]  }
0xfc: {  	v2 =	vadd.f32 v47, v2  }
0xfd: {  	v49 =	vld [tilespmem:s0+$0x10580]  }
0xfe: {  	v2 =	vadd.f32 v3, v2  }
0xff: {  	v3 =	vld [tilespmem:s0+$0x10800]  }
0x100: {  	v2 =	vadd.f32 v48, v2  }
0x101: {  	v50 =	vld [tilespmem:s0+$0x10A80]  }
0x102: {  	v2 =	vadd.f32 v49, v2  }
0x103: {  	v51 =	vld [tilespmem:s0+$0x10D00]  }
0x104: {  	v2 =	vadd.f32 v3, v2  }
0x105: {  	v3 =	vld [tilespmem:s0+$0x10F80]  }
0x106: {  	v2 =	vadd.f32 v50, v2  }
0x107: {  	v52 =	vld [tilespmem:s0+$0x11200]  }
0x108: {  	v2 =	vadd.f32 v51, v2  }
0x109: {  	v53 =	vld [tilespmem:s0+$0x11480]  }
0x10a: {  	v2 =	vadd.f32 v3, v2;
	_ =	sdelay $0x1  }
0x10b: {  	v2 =	vadd.f32 v52, v2;
	_ =	sdelay $0x1  }
0x10c: {  	v2 =	vadd.f32 v53, v2  }
0x10d: {  	s6 =	sadd.s32 $0x10, s1  }
0x10e: {  	s1 =	simm.s32 $0x11700;
	s7 =	rddreg [dreg:$0x17];
	s0 =	simm.s32 $0x0;
	[tilespmem:s6+$0x0] =	vst v2  }
0x10f: {  	[hbm4b:s7+s0] =	stream.linear.scatter [tilespmem:s1], [sflag:$0x1], $0x280, $0x38;
	[tilespmem:$0x11980] =	vst v63  }
0x110: {  	_ =	swait.ge [sflag:s15], $0x280  }
0x111: {  	[sflag:s15] =	ssyncset.done $0x0  }
0x112: {  	s6 =	simm.s32 $0xEF00;
	s7 =	rddreg [dreg:$0x1a];
	[sflag:s15] =	ssyncadd.s32 $0xFFFFFD80  }
0x113: {  	[tilespmem:s6], [sflag:$0x1] =	stream.linear.gather [spmem:s7], $0x280, $0x38;
	[tilespmem:$0x11980] =	vst v63  }
0x114: {  	_ =	swait.ge [sflag:s15], $0x280  }
0x115: {  	[sflag:s15] =	ssyncset.done $0x0  }
0x116: {  	s7 =	rddreg [dreg:$0x1b];
	[sflag:s15] =	ssyncadd.s32 $0xFFFFFD80  }
0x117: {  	[tilespmem:s17], [sflag:$0x1] =	stream.linear.gather [spmem:s7], $0x280, $0x38;
	[tilespmem:$0x11980] =	vst v63  }
0x118: {  	_ =	swait.ge [sflag:s15], $0x280  }
0x119: {  	[sflag:s15] =	ssyncset.done $0x0  }
0x11a: {  	s7 =	rddreg [dreg:$0x1c];
	[sflag:s15] =	ssyncadd.s32 $0xFFFFFD80  }
0x11b: {  	[tilespmem:s18], [sflag:$0x1] =	stream.linear.gather [spmem:s7], $0x280, $0x38;
	[tilespmem:$0x11980] =	vst v63  }
0x11c: {  	_ =	swait.ge [sflag:s15], $0x280  }
0x11d: {  	[sflag:s15] =	ssyncset.done $0x0  }
0x11e: {  	s7 =	rddreg [dreg:$0x1d];
	[sflag:s15] =	ssyncadd.s32 $0xFFFFFD80  }
0x11f: {  	[tilespmem:s19], [sflag:$0x1] =	stream.linear.gather [spmem:s7], $0x280, $0x38;
	[tilespmem:$0x11980] =	vst v63  }
0x120: {  	_ =	swait.ge [sflag:s15], $0x280  }
0x121: {  	[sflag:s15] =	ssyncset.done $0x0  }
0x122: {  	s7 =	rddreg [dreg:$0x1e];
	[sflag:s15] =	ssyncadd.s32 $0xFFFFFD80  }
0x123: {  	[tilespmem:s20], [sflag:$0x1] =	stream.linear.gather [spmem:s7], $0x280, $0x38;
	[tilespmem:$0x11980] =	vst v63  }
0x124: {  	_ =	swait.ge [sflag:s15], $0x280  }
0x125: {  	[sflag:s15] =	ssyncset.done $0x0  }
0x126: {  	s7 =	rddreg [dreg:$0x1f];
	[sflag:s15] =	ssyncadd.s32 $0xFFFFFD80  }
0x127: {  	[tilespmem:s21], [sflag:$0x1] =	stream.linear.gather [spmem:s7], $0x280, $0x38;
	[tilespmem:$0x11980] =	vst v63  }
0x128: {  	_ =	swait.ge [sflag:s15], $0x280  }
0x129: {  	s7 =	sld [smem:$0x7FB]  }
0x12a: {  	[sflag:s15] =	ssyncset.done $0x0  }
0x12b: {  	[sflag:s15] =	ssyncadd.s32 $0xFFFFFD80  }
0x12c: {  	[tilespmem:s3], [sflag:$0x1] =	stream.linear.gather [spmem:s7], $0x280, $0x38;
	[tilespmem:$0x11980] =	vst v63  }
0x12d: {  	_ =	swait.ge [sflag:s15], $0x280  }
0x12e: {  	s7 =	sld [smem:$0x7FC]  }
0x12f: {  	[sflag:s15] =	ssyncset.done $0x0  }
0x130: {  	[sflag:s15] =	ssyncadd.s32 $0xFFFFFD80  }
0x131: {  	[tilespmem:s22], [sflag:$0x1] =	stream.linear.gather [spmem:s7], $0x280, $0x38;
	[tilespmem:$0x11980] =	vst v63  }
0x132: {  	_ =	swait.ge [sflag:s15], $0x280  }
0x133: {  	s7 =	sld [smem:$0x7FD]  }
0x134: {  	[sflag:s15] =	ssyncset.done $0x0  }
0x135: {  	[sflag:s15] =	ssyncadd.s32 $0xFFFFFD80  }
0x136: {  	[tilespmem:s4], [sflag:$0x1] =	stream.linear.gather [spmem:s7], $0x280, $0x38;
	[tilespmem:$0x11980] =	vst v63  }
0x137: {  	_ =	swait.ge [sflag:s15], $0x280  }
0x138: {  	[sflag:s15] =	ssyncset.done $0x0  }
0x139: {  	[sflag:s15] =	ssyncadd.s32 $0xFFFFFD80  }
0x13a: {  	[tilespmem:s23], [sflag:$0x1] =	stream.linear.gather [spmem:s8], $0x280, $0x38;
	[tilespmem:$0x11980] =	vst v63  }
0x13b: {  	_ =	swait.ge [sflag:s15], $0x280  }
0x13c: {  	[sflag:s15] =	ssyncset.done $0x0  }
0x13d: {  	[sflag:s15] =	ssyncadd.s32 $0xFFFFFD80  }
0x13e: {  	[tilespmem:s24], [sflag:$0x1] =	stream.linear.gather [spmem:s9], $0x280, $0x38;
	[tilespmem:$0x11980] =	vst v63  }
0x13f: {  	_ =	swait.ge [sflag:s15], $0x280  }
0x140: {  	[sflag:s15] =	ssyncset.done $0x0  }
0x141: {  	[sflag:s15] =	ssyncadd.s32 $0xFFFFFD80  }
0x142: {  	[tilespmem:s25], [sflag:$0x1] =	stream.linear.gather [spmem:s10], $0x280, $0x38;
	[tilespmem:$0x11980] =	vst v63  }
0x143: {  	_ =	swait.ge [sflag:s15], $0x280  }
0x144: {  	[sflag:s15] =	ssyncset.done $0x0  }
0x145: {  	[sflag:s15] =	ssyncadd.s32 $0xFFFFFD80  }
0x146: {  	[tilespmem:s26], [sflag:$0x1] =	stream.linear.gather [spmem:s11], $0x280, $0x38;
	[tilespmem:$0x11980] =	vst v63  }
0x147: {  	_ =	swait.ge [sflag:s15], $0x280  }
0x148: {  	[sflag:s15] =	ssyncset.done $0x0  }
0x149: {  	[sflag:s15] =	ssyncadd.s32 $0xFFFFFD80  }
0x14a: {  	[tilespmem:s28], [sflag:$0x1] =	stream.linear.gather [spmem:s12], $0x280, $0x38;
	[tilespmem:$0x11980] =	vst v63  }
0x14b: {  	_ =	swait.ge [sflag:s15], $0x280  }
0x14c: {  	[sflag:s15] =	ssyncset.done $0x0  }
0x14d: {  	[sflag:s15] =	ssyncadd.s32 $0xFFFFFD80  }
0x14e: {  	[tilespmem:s29], [sflag:$0x1] =	stream.linear.gather [spmem:s13], $0x280, $0x38;
	[tilespmem:$0x11980] =	vst v63  }
0x14f: {  	_ =	swait.ge [sflag:s15], $0x280  }
0x150: {  	[sflag:s15] =	ssyncset.done $0x0  }
0x151: {  	[sflag:s15] =	ssyncadd.s32 $0xFFFFFD80  }
0x152: {  	[tilespmem:s30], [sflag:$0x1] =	stream.linear.gather [spmem:s14], $0x280, $0x38;
	[tilespmem:$0x11980] =	vst v63  }
0x153: {  	_ =	swait.ge [sflag:s15], $0x280  }
0x154: {  	[sflag:s15] =	ssyncset.done $0x0  }
0x155: {  	s0 =	sand.u32 $0x3F0, s0;
	[sflag:s15] =	ssyncadd.s32 $0xFFFFFD80  }
0x156: {  	v2 =	vld [tilespmem:s0+$0xF180]  }
0x157: {  	v3 =	vld [tilespmem:s6+$0x0];
	_ =	sdelay $0x1  }
0x158: {  	v54 =	vld [tilespmem:s0+$0xF400];
	_ =	sdelay $0x1  }
0x159: {  	v55 =	vld [tilespmem:s0+$0xF680]  }
0x15a: {  	v2 =	vadd.f32 v2, v3  }
0x15b: {  	v3 =	vld [tilespmem:s0+$0xF900]  }
0x15c: {  	v2 =	vadd.f32 v54, v2  }
0x15d: {  	v56 =	vld [tilespmem:s0+$0xFB80]  }
0x15e: {  	v2 =	vadd.f32 v55, v2  }
0x15f: {  	v57 =	vld [tilespmem:s0+$0xFE00]  }
0x160: {  	v2 =	vadd.f32 v3, v2  }
0x161: {  	v3 =	vld [tilespmem:s0+$0x10080]  }
0x162: {  	v2 =	vadd.f32 v56, v2  }
0x163: {  	v58 =	vld [tilespmem:s0+$0x10300]  }
0x164: {  	v2 =	vadd.f32 v57, v2  }
0x165: {  	v59 =	vld [tilespmem:s0+$0x10580]  }
0x166: {  	v2 =	vadd.f32 v3, v2  }
0x167: {  	v3 =	vld [tilespmem:s0+$0x10800]  }
0x168: {  	v2 =	vadd.f32 v58, v2  }
0x169: {  	v60 =	vld [tilespmem:s0+$0x10A80]  }
0x16a: {  	v2 =	vadd.f32 v59, v2  }
0x16b: {  	v61 =	vld [tilespmem:s0+$0x10D00]  }
0x16c: {  	v2 =	vadd.f32 v3, v2  }
0x16d: {  	v3 =	vld [tilespmem:s0+$0x10F80]  }
0x16e: {  	v2 =	vadd.f32 v60, v2  }
0x16f: {  	v62 =	vld [tilespmem:s0+$0x11200]  }
0x170: {  	v2 =	vadd.f32 v61, v2  }
0x171: {  	v63 =	vld [tilespmem:s0+$0x11480]  }
0x172: {  	v2 =	vadd.f32 v3, v2;
	_ =	sdelay $0x1  }
0x173: {  	v2 =	vadd.f32 v62, v2;
	_ =	sdelay $0x1  }
0x174: {  	v2 =	vadd.f32 v63, v2  }
0x175: {  	s7 =	simm.s32 $0x10  }
0x176: {  	s0 =	sand.u32 $0x3F0, s7;
	[tilespmem:s1+$0x0] =	vst v2  }
0x177: {  	s6 =	simm.s32 $0xEF10;
	s7 =	simm.s32 $0x20;
	v2 =	vld [tilespmem:s0+$0xF180]  }
.LBB2_10:
0x178: {  	p0 =	sne.s32 s7, $0x270;
	v3 =	vld [tilespmem:s6+$0x0];
	_ =	sdelay $0x1  }
0x179: {  	v4 =	vld [tilespmem:s0+$0xF400];
	_ =	sdelay $0x1  }
0x17a: {  	v5 =	vld [tilespmem:s0+$0xF680]  }
0x17b: {  	v2 =	vadd.f32 v2, v3  }
0x17c: {  	v3 =	vld [tilespmem:s0+$0xF900]  }
0x17d: {  	v2 =	vadd.f32 v4, v2  }
0x17e: {  	v4 =	vld [tilespmem:s0+$0xFB80]  }
0x17f: {  	v2 =	vadd.f32 v5, v2  }
0x180: {  	v5 =	vld [tilespmem:s0+$0xFE00]  }
0x181: {  	v2 =	vadd.f32 v3, v2  }
0x182: {  	v3 =	vld [tilespmem:s0+$0x10080]  }
0x183: {  	v2 =	vadd.f32 v4, v2  }
0x184: {  	v4 =	vld [tilespmem:s0+$0x10300]  }
0x185: {  	v2 =	vadd.f32 v5, v2  }
0x186: {  	v5 =	vld [tilespmem:s0+$0x10580]  }
0x187: {  	v2 =	vadd.f32 v3, v2  }
0x188: {  	v3 =	vld [tilespmem:s0+$0x10800]  }
0x189: {  	v2 =	vadd.f32 v4, v2  }
0x18a: {  	v4 =	vld [tilespmem:s0+$0x10A80]  }
0x18b: {  	v2 =	vadd.f32 v5, v2  }
0x18c: {  	v5 =	vld [tilespmem:s0+$0x10D00]  }
0x18d: {  	v2 =	vadd.f32 v3, v2  }
0x18e: {  	v3 =	vld [tilespmem:s0+$0x10F80]  }
0x18f: {  	v2 =	vadd.f32 v4, v2  }
0x190: {  	v4 =	vld [tilespmem:s0+$0x11200]  }
0x191: {  	v2 =	vadd.f32 v5, v2  }
0x192: {  	v5 =	vld [tilespmem:s0+$0x11480]  }
0x193: {  	v2 =	vadd.f32 v3, v2;
	_ =	sdelay $0x1  }
0x194: {  	v2 =	vadd.f32 v4, v2  }
.Ltmp4:
0x195: {  	(pc) =	sbr.rel @p0 .LBB2_10-.Ltmp4, $4  }
0x196: {  	v2 =	vadd.f32 v5, v2  }
0x197: {  	s1 =	sadd.s32 $0x10, s1  }
0x198: {  	s0 =	sand.u32 $0x3F0, s7;
	[tilespmem:s1+$0x0] =	vst v2  }
0x199: {  	s6 =	sadd.s32 $0x10, s6;
	s7 =	sadd.s32 $0x10, s7;
	v2 =	vld [tilespmem:s0+$0xF180]  }
0x19a: {  	v3 =	vld [tilespmem:s6+$0x0];
	_ =	sdelay $0x1  }
0x19b: {  	v4 =	vld [tilespmem:s0+$0xF400];
	_ =	sdelay $0x1  }
0x19c: {  	v5 =	vld [tilespmem:s0+$0xF680]  }
0x19d: {  	v2 =	vadd.f32 v2, v3  }
0x19e: {  	v3 =	vld [tilespmem:s0+$0xF900]  }
0x19f: {  	v2 =	vadd.f32 v4, v2  }
0x1a0: {  	v56 =	vld [tilespmem:s0+$0xFB80]  }
0x1a1: {  	v2 =	vadd.f32 v5, v2  }
0x1a2: {  	v57 =	vld [tilespmem:s0+$0xFE00]  }
0x1a3: {  	v2 =	vadd.f32 v3, v2  }
0x1a4: {  	v3 =	vld [tilespmem:s0+$0x10080]  }
0x1a5: {  	v2 =	vadd.f32 v56, v2  }
0x1a6: {  	v58 =	vld [tilespmem:s0+$0x10300]  }
0x1a7: {  	v2 =	vadd.f32 v57, v2  }
0x1a8: {  	v59 =	vld [tilespmem:s0+$0x10580]  }
0x1a9: {  	v2 =	vadd.f32 v3, v2  }
0x1aa: {  	v3 =	vld [tilespmem:s0+$0x10800]  }
0x1ab: {  	v2 =	vadd.f32 v58, v2  }
0x1ac: {  	v60 =	vld [tilespmem:s0+$0x10A80]  }
0x1ad: {  	v2 =	vadd.f32 v59, v2  }
0x1ae: {  	v61 =	vld [tilespmem:s0+$0x10D00]  }
0x1af: {  	v2 =	vadd.f32 v3, v2  }
0x1b0: {  	v3 =	vld [tilespmem:s0+$0x10F80]  }
0x1b1: {  	v2 =	vadd.f32 v60, v2  }
0x1b2: {  	v62 =	vld [tilespmem:s0+$0x11200]  }
0x1b3: {  	v2 =	vadd.f32 v61, v2  }
0x1b4: {  	v63 =	vld [tilespmem:s0+$0x11480]  }
0x1b5: {  	v2 =	vadd.f32 v3, v2;
	_ =	sdelay $0x1  }
0x1b6: {  	v2 =	vadd.f32 v62, v2;
	_ =	sdelay $0x1  }
0x1b7: {  	v2 =	vadd.f32 v63, v2  }
0x1b8: {  	s7 =	sadd.s32 $0x10, s1  }
0x1b9: {  	s1 =	rddreg [dreg:$0x18];
	s6 =	simm.s32 $0x11700;
	[tilespmem:s7+$0x0] =	vst v2  }
0x1ba: {  	[hbm4b:s1+s2] =	stream.linear.scatter [tilespmem:s6], [sflag:$0x1], $0x280, $0x38;
	[tilespmem:$0x11980] =	vst v63  }
0x1bb: {  	_ =	swait.ge [sflag:s15], $0x280  }
0x1bc: {  	s31 =	sadd.s32 $0x1, s31;
	s7 =	rddreg [dreg:$0x19]  }
0x1bd: {  	p0 =	sne.s32 s31, s7  }
.Ltmp5:
0x1be: {  	_ = 	snop;
	(pc) =	sbr.rel @p0 .LBB2_1-.Ltmp5, $3  }
0x1bf: {  	_ =	sdelay $0x1  }
0x1c0: {  	[sflag:s15] =	ssyncset.done $0x0  }
0x1c1: {  	[sflag:s15] =	ssyncadd.s32 $0xFFFFFD80  }
0x1c2: {  	_ =	sfence.sel $0x180000  }
0x1c3: {  	[bflag:$0x0] =	sbarrier.arrive $0xFFFF  }
0x1c4: {  	_ =	strace $0x90000047  }
0x1c5: {  	s0 =	stileid.u32;
	[bflag:$0x2] =	sbarrier.arrive $0xFFFF  }
0x1c6: {  	p0 =	sne.s32 s0, $0x0;
	s0 =	rddreg [dreg:$0x3]  }
0x1c7: {  	s0 =	sadd.s32 @!p0 $0x100000, s0  }
0x1c8: {  	[sflag:s0] =	ssyncadd.tile.s32 @!p0 $0x1;
	_ =	shalt  }
.Lfunc_end2:
_tile_overlayer_lowered:
.L_overlay_start_2:
0x1c9: {  	(tag) =	ssettag $0x2  }
0x1ca: {  	s0 =	rddreg [dreg:$0x0];
	s2 =	stileid.u32  }
0x1cb: {  	s1 =	rddreg [dreg:$0x1];
	p0 =	sne.s32 s2, $0x0  }
0x1cc: {  	s3 =	rddreg [dreg:$0x2];
	[bflag:$0x3] =	sbarrier.arrive $0xFFFF;
	s2 =	simm.s32 @!p0 $0x1C01  }
0x1cd: {  	[timem:s3], [sflag:s2] =	dma.local @!p0 [hbm:s0], s1  }
0x1ce: {  	s0 =	simm.s32 @!p0 $0x1  }
0x1cf: {  	_ =	swait.ge @!p0 [sflag:s0], s1  }
0x1d0: {  	s1 =	ssub.s32 @!p0 $0x0, s1;
	[sflag:s0] =	ssyncset.done @!p0 $0x0  }
0x1d1: {  	[sflag:s0] =	ssyncadd.s32 @!p0 s1  }
0x1d2: {  	[bflag:$0x3] =	sbarrier.arrive $0xFFFF  }
0x1d3: {  	_ =	shalt  }

</sc_bundles>
